<compile_context>
chip_gen: v7x
topology: tpu7x:2x2x1
jax: 0.10.2.dev20260603
libtpu: 0.0.44.dev20260713+nightly
codegen_flags: <defaults>
</compile_context>

<pallas_src>
import functools

import jax
import jax.numpy as jnp
from jax import lax
from jax.experimental import pallas as pl
from jax.experimental.pallas import tpu as pltpu
from jax.experimental.pallas import tpu_sc as plsc

B = 8
HW = 1024
D = 512
N = 512
K = 48
KTOP = 24
NC, NS = 2, 16
NW = NC * NS
NPT = N // NW
AW = HW // 4


def _gram_body(feat_ref, pid_ref, g_ref, p_ref):
    @pl.when(pl.program_id(0) == 0)
    def _():
        iota = lax.broadcasted_iota(jnp.int32, (N, HW), 1)
        p_ref[...] = (iota == pid_ref[...]).astype(jnp.float32)

    x = feat_ref[0]
    nsq = jnp.sum(x * x, axis=1, keepdims=True)
    nrm = jnp.maximum(jnp.sqrt(nsq), 1e-12)
    xn = x / nrm
    c = lax.dot_general(p_ref[...], xn, (((1,), (0,)), ((), ())),
                        preferred_element_type=jnp.float32)
    g_ref[...] = lax.dot_general(c, xn, (((1,), (1,)), ((), ())),
                                 preferred_element_type=jnp.float32)


_gram = pl.pallas_call(
    _gram_body,
    grid=(B,),
    in_specs=[pl.BlockSpec((1, HW, D), lambda i: (i, 0, 0)),
              pl.BlockSpec((N, 1), lambda i: (0, 0))],
    out_specs=pl.BlockSpec((N, HW), lambda i: (i, 0)),
    out_shape=jax.ShapeDtypeStruct((B * N, HW), jnp.float32),
    scratch_shapes=[pltpu.VMEM((N, HW), jnp.float32)],
)


def _sc_body(g_hbm, pid_hbm, lid_hbm, top_hbm, a_hbm,
             lidblk, pidblk, grows, topblk, ablk, sem):
    wid = lax.axis_index("s") * NC + lax.axis_index("c")
    nbase = wid * NPT
    pltpu.sync_copy(lid_hbm.at[pl.ds(nbase * K, NPT * K)], lidblk)
    pltpu.sync_copy(pid_hbm.at[pl.ds(nbase, NPT)], pidblk)
    lanes = lax.iota(jnp.int32, 16)
    lane0 = lanes == 0
    one = jnp.full((16,), 1, jnp.int32)
    eight = jnp.full((16,), 8, jnp.int32)
    NEG = jnp.float32(-3.0)

    def b_body(b, carry):
        task0 = b * N + nbase
        pltpu.async_copy(g_hbm.at[pl.ds(task0, NPT)], grows, sem).wait()

        def n_body(n, c2):
            nsp = jnp.broadcast_to(n, (16,)).astype(jnp.int32)
            v0 = plsc.load_gather(
                grows, [nsp, plsc.load_gather(lidblk, [nsp * K + lanes])])
            v1 = plsc.load_gather(
                grows, [nsp, plsc.load_gather(lidblk, [nsp * K + lanes + 16])])
            v2 = plsc.load_gather(
                grows, [nsp, plsc.load_gather(lidblk, [nsp * K + lanes + 32])])
            zz = jnp.zeros((16,), jnp.int32)
            for i in range(AW // 16):
                plsc.store_scatter(ablk, [nsp, lanes + i * 16], zz)
            pidn = plsc.load_gather(pidblk, [nsp])
            plsc.addupdate_scatter(
                ablk, [nsp, pidn & 255],
                one << ((pidn >> 8) << 3), mask=lane0)
            for t in range(KTOP):
                vm = jnp.maximum(jnp.maximum(v0, v1), v2)
                m = jnp.broadcast_to(jnp.max(vm), (16,))
                f0 = jnp.broadcast_to(plsc.all_reduce_ffs(v0 == m), (16,))
                f1 = jnp.broadcast_to(plsc.all_reduce_ffs(v1 == m), (16,))
                f2 = jnp.broadcast_to(plsc.all_reduce_ffs(v2 == m), (16,))
                kk = jnp.where(f0 < 16, f0,
                               jnp.where(f1 < 16, f1 + 16, f2 + 32))
                kk = kk.astype(jnp.int32)
                plsc.store_scatter(
                    topblk, [nsp * KTOP + jnp.full((16,), t, jnp.int32)], kk,
                    mask=lane0)
                lidk = plsc.load_gather(lidblk, [nsp * K + kk])
                plsc.addupdate_scatter(
                    ablk, [nsp, lidk & 255],
                    one << ((lidk >> 8) << 3), mask=lane0)
                v0 = jnp.where(kk == lanes, NEG, v0)
                v1 = jnp.where(kk == lanes + 16, NEG, v1)
                v2 = jnp.where(kk == lanes + 32, NEG, v2)
            return c2

        lax.fori_loop(0, NPT, n_body, 0)
        pltpu.sync_copy(topblk, top_hbm.at[pl.ds(task0 * KTOP, NPT * KTOP)])
        pltpu.sync_copy(ablk, a_hbm.at[pl.ds(task0, NPT)])
        return carry

    lax.fori_loop(0, B, b_body, 0)


_sc_topk = functools.partial(
    pl.kernel,
    out_type=[jax.ShapeDtypeStruct((B * N * KTOP,), jnp.int32),
              jax.ShapeDtypeStruct((B * N, AW), jnp.int32)],
    mesh=plsc.VectorSubcoreMesh(core_axis_name="c", subcore_axis_name="s"),
    compiler_params=pltpu.CompilerParams(use_tc_tiling_on_sc=False,
                                         needs_layout_passes=False),
    scratch_types=[
        pltpu.VMEM((NPT * K,), jnp.int32),
        pltpu.VMEM((NPT,), jnp.int32),
        pltpu.VMEM((NPT, HW), jnp.float32),
        pltpu.VMEM((NPT * KTOP,), jnp.int32),
        pltpu.VMEM((NPT, AW), jnp.int32),
        pltpu.SemaphoreType.DMA,
    ],
)(_sc_body)


def _mlp_body(a_ref, feat_ref, w1_ref, b1_ref, g1_ref, be1_ref,
              w2_ref, b2_ref, out_ref):
    aw = a_ref[...]
    parts = [(aw >> (8 * t)) & 255 for t in range(4)]
    cnt = jnp.concatenate(parts, axis=1)
    a = cnt.astype(jnp.float32) * (1.0 / 25.0)
    f = feat_ref[0]
    xs = lax.dot_general(a, f, (((1,), (0,)), ((), ())),
                         preferred_element_type=jnp.float32)
    h = lax.dot_general(xs, w1_ref[...], (((1,), (0,)), ((), ())),
                        preferred_element_type=jnp.float32) + b1_ref[...]
    h = (h / jnp.sqrt(jnp.float32(1.0 + 1e-5))) * g1_ref[...] + be1_ref[...]
    h = jnp.maximum(h, 0.0)
    out_ref[...] = lax.dot_general(h, w2_ref[...], (((1,), (0,)), ((), ())),
                                   preferred_element_type=jnp.float32) + b2_ref[...]


_mlp = pl.pallas_call(
    _mlp_body,
    grid=(B,),
    in_specs=[
        pl.BlockSpec((N, AW), lambda i: (i, 0)),
        pl.BlockSpec((1, HW, D), lambda i: (i, 0, 0)),
        pl.BlockSpec((D, 2 * D), lambda i: (0, 0)),
        pl.BlockSpec((1, 2 * D), lambda i: (0, 0)),
        pl.BlockSpec((1, 2 * D), lambda i: (0, 0)),
        pl.BlockSpec((1, 2 * D), lambda i: (0, 0)),
        pl.BlockSpec((2 * D, D // 2), lambda i: (0, 0)),
        pl.BlockSpec((1, D // 2), lambda i: (0, 0)),
    ],
    out_specs=pl.BlockSpec((N, D // 2), lambda i: (i, 0)),
    out_shape=jax.ShapeDtypeStruct((B * N, D // 2), jnp.float32),
)


def kernel(patch_size, feats, num_patches, patch_ids, patch_local_ids,
           W1, b1, gamma1, beta1, W2, b2):
    feat = feats[0]
    feat_r = jnp.transpose(feat, (0, 2, 3, 1)).reshape(B, HW, D)
    pid = (patch_ids[0][:, 0] if patch_ids.ndim == 3
           else patch_ids[0]).astype(jnp.int32)
    lid = patch_local_ids[0].astype(jnp.int32)

    G = _gram(feat_r, pid.reshape(N, 1))
    top_idx, A = _sc_topk(G, pid, lid.reshape(-1))
    out = _mlp(A, feat_r, W1,
               b1.reshape(1, -1), gamma1.reshape(1, -1), beta1.reshape(1, -1),
               W2, b2.reshape(1, -1))
    return (out, pid, lid, top_idx.reshape(B * N, KTOP, 1))

# --- scband reference (transcript-rebuilt; emitter-appended) ---
"""Pipeline reference for scband-patch-sample-f-24283745091862 (READ-ONLY COPY).

The authoritative reference and input builder live on the scoring server;
editing this copy changes nothing except your own understanding.
"""

import jax, jax.numpy as jnp
import numpy as np


def setup_inputs(seed: int = 0) -> dict:
    key = jax.random.key(seed)
    ks = jax.random.split(key, 8)
    feats = jax.random.normal(ks[0], (1, 8, 512, 32, 32), dtype=jnp.float32)
    patch_ids = jax.random.randint(ks[1], (1, 512), 0, 1024).astype(jnp.int64 if jax.config.jax_enable_x64 else jnp.int32)
    patch_local_ids = jax.random.randint(ks[2], (1, 512, 48), 0, 1024).astype(jnp.int64 if jax.config.jax_enable_x64 else jnp.int32)
    num_patches = jax.random.randint(ks[3], (1,), 0, 513)
    W1 = jax.random.normal(ks[4], (512, 1024), dtype=jnp.float32) * 0.02
    b1 = jnp.zeros((1024,), dtype=jnp.float32)
    gamma1 = jnp.ones((1024,), dtype=jnp.float32)
    beta1 = jnp.zeros((1024,), dtype=jnp.float32)
    W2 = jax.random.normal(ks[5], (1024, 256), dtype=jnp.float32) * 0.02
    b2 = jnp.zeros((256,), dtype=jnp.float32)
    return {"patch_size": 512, "feats": feats, "num_patches": num_patches,
            "patch_ids": patch_ids, "patch_local_ids": patch_local_ids,
            "W1": W1, "b1": b1, "gamma1": gamma1, "beta1": beta1, "W2": W2, "b2": b2}


def reference(patch_size, feats, num_patches, patch_ids, patch_local_ids, W1, b1, gamma1, beta1, W2, b2):
    # k_size = [7] -> k_num = (7**2 - 1)//2 = 24
    k_num = (7 * 7 - 1) // 2
    feat = feats[0]                       # [b, c, h, w] = [8, 512, 32, 32]
    b, c, h, w = feat.shape
    feat_reshape = jnp.transpose(feat, (0, 2, 3, 1)).reshape(b, h * w, c)  # [b, 1024, 512]
    dim = c
    patch_id = patch_ids[0][:, 0] if patch_ids.ndim == 3 else patch_ids[0]  # [N]
    local_id = patch_local_ids[0]         # [N, 48]
    # F.normalize(feat_reshape, dim=-1)
    norm = jnp.linalg.norm(feat_reshape, axis=-1, keepdims=True)
    x_norm = feat_reshape / jnp.maximum(norm, 1e-12)
    # sim_matrix = x_norm[:, local_id] @ x_norm[:, patch_id].unsqueeze(2).transpose(-2,-1)
    x_loc_n = x_norm[:, local_id]         # [b, N, 48, dim] gather
    x_cen_n = x_norm[:, patch_id]         # [b, N, dim]
    sim = jnp.einsum('bnkd,bnd->bnk', x_loc_n, x_cen_n)  # [b, N, 48]
    _, top_idx = jax.lax.top_k(sim, k_num)               # [b, N, k_num]
    top_idx = top_idx.reshape(-1, k_num, 1)              # [b*N, k_num, 1]
    x_loc = feat_reshape[:, local_id].reshape(-1, local_id.shape[1], dim)  # [b*N, 48, dim]
    idx = jnp.broadcast_to(top_idx, (top_idx.shape[0], k_num, dim))
    x_loc = jnp.take_along_axis(x_loc, idx, axis=1)       # [b*N, k_num, dim]
    x_center = feat_reshape[:, patch_id].reshape(-1, 1, dim)  # [b*N, 1, dim]
    x_cat = jnp.concatenate([x_center, x_loc], axis=1)    # [b*N, 1+k_num, dim]
    # h == patch_size // 16 branch: adaptive_avg_pool2d((1, dim)) == mean over axis 1
    x_sample = jnp.mean(x_cat, axis=1)                    # [b*N, dim]
    # mlp1: Linear(512,1024) -> BatchNorm1d(eval: rm=0, rv=1, eps=1e-5) -> ReLU -> Linear(1024,256)
    h1 = x_sample @ W1 + b1
    h1 = (h1 / jnp.sqrt(1.0 + 1e-5)) * gamma1 + beta1
    h1 = jnp.maximum(h1, 0.0)
    out = h1 @ W2 + b2                                    # [b*N, 256]
    return (out, patch_id, local_id, top_idx)

if __name__ == "__main__":
    import jax
    _d = setup_inputs()
    print(jax.jit(kernel)(*tuple(_d.values())))

</pallas_src>

<mosaic_0001>
#map = affine_map<(d0, d1) -> (0, 0)>
#map1 = affine_map<(d0, d1) -> (0)>
module attributes {stable_mosaic.version = 14 : i64} {
  func.func @_sc_body(%arg0: i32, %arg1: i32, %arg2: memref<4096x1024xf32, #tpu.memory_space<hbm>>, %arg3: memref<512xi32, #tpu.memory_space<hbm>>, %arg4: memref<24576xi32, #tpu.memory_space<hbm>>, %arg5: memref<98304xi32, #tpu.memory_space<hbm>>, %arg6: memref<4096x256xi32, #tpu.memory_space<hbm>>, %arg7: memref<768xi32, #tpu.memory_space<vmem>>, %arg8: memref<16xi32, #tpu.memory_space<vmem>>, %arg9: memref<16x1024xf32, #tpu.memory_space<vmem>>, %arg10: memref<384xi32, #tpu.memory_space<vmem>>, %arg11: memref<16x256xi32, #tpu.memory_space<vmem>>, %arg12: memref<!tpu.dma_semaphore, #tpu.memory_space<semaphore_mem>>) attributes {dimension_semantics = [#tpu.dimension_semantics<core_parallel>, #tpu.dimension_semantics<subcore_parallel>], iteration_bounds = array<i64: 2, 16>, scalar_prefetch = 0 : i64, scratch_operands = 6 : i64, tpu.core_type = #tpu.core_type<sc_vector_subcore>, window_params = [{transform_indices = #map}, {transform_indices = #map1}, {transform_indices = #map1}, {transform_indices = #map1}, {transform_indices = #map}]} {
    %mul3A = arith.constant 2 : i32
    %mul3A_0 = arith.muli %arg1, %mul3A : i32
    %add3A = arith.addi %mul3A_0, %arg0 : i32
    %mul3A_1 = arith.constant 16 : i32
    %mul3A_2 = arith.muli %add3A, %mul3A_1 : i32
    %mul3A_3 = arith.constant 48 : i32
    %mul3A_4 = arith.muli %mul3A_2, %mul3A_3 : i32
    "tpu.region"() ({
      %run_scoped3A = tpu.sem_alloc : memref<!tpu.dma_semaphore, #tpu.memory_space<semaphore_mem>>
      %dma_start3A = tpu.memref_slice %arg4[%mul3A_4] : memref<24576xi32, #tpu.memory_space<hbm>> -> memref<768xi32, #tpu.memory_space<hbm>>
      %dma_start3A_16 = tpu.memref_slice %arg4[%mul3A_4] : memref<24576xi32, #tpu.memory_space<hbm>> -> memref<768xi32, #tpu.memory_space<hbm>>
      tpu.enqueue_dma source(%dma_start3A_16 : memref<768xi32, #tpu.memory_space<hbm>>) target(%arg7 : memref<768xi32, #tpu.memory_space<vmem>>) target_semaphore(%run_scoped3A : memref<!tpu.dma_semaphore, #tpu.memory_space<semaphore_mem>>)
      %dma_wait3A = tpu.memref_slice %arg4[%mul3A_4] : memref<24576xi32, #tpu.memory_space<hbm>> -> memref<768xi32, #tpu.memory_space<hbm>>
      %dma_wait3A_17 = tpu.memref_slice %arg4[%mul3A_4] : memref<24576xi32, #tpu.memory_space<hbm>> -> memref<768xi32, #tpu.memory_space<hbm>>
      tpu.wait_dma2 semaphore(%run_scoped3A : memref<!tpu.dma_semaphore, #tpu.memory_space<semaphore_mem>>) src(%dma_wait3A_17 : memref<768xi32, #tpu.memory_space<hbm>>) dst(%arg7 : memref<768xi32, #tpu.memory_space<vmem>>)
      tpu.yield
    }) : () -> ()
    "tpu.region"() ({
      %run_scoped3A = tpu.sem_alloc : memref<!tpu.dma_semaphore, #tpu.memory_space<semaphore_mem>>
      %dma_start3A = tpu.memref_slice %arg3[%mul3A_2] : memref<512xi32, #tpu.memory_space<hbm>> -> memref<16xi32, #tpu.memory_space<hbm>>
      %dma_start3A_16 = tpu.memref_slice %arg3[%mul3A_2] : memref<512xi32, #tpu.memory_space<hbm>> -> memref<16xi32, #tpu.memory_space<hbm>>
      tpu.enqueue_dma source(%dma_start3A_16 : memref<16xi32, #tpu.memory_space<hbm>>) target(%arg8 : memref<16xi32, #tpu.memory_space<vmem>>) target_semaphore(%run_scoped3A : memref<!tpu.dma_semaphore, #tpu.memory_space<semaphore_mem>>)
      %dma_wait3A = tpu.memref_slice %arg3[%mul3A_2] : memref<512xi32, #tpu.memory_space<hbm>> -> memref<16xi32, #tpu.memory_space<hbm>>
      %dma_wait3A_17 = tpu.memref_slice %arg3[%mul3A_2] : memref<512xi32, #tpu.memory_space<hbm>> -> memref<16xi32, #tpu.memory_space<hbm>>
      tpu.wait_dma2 semaphore(%run_scoped3A : memref<!tpu.dma_semaphore, #tpu.memory_space<semaphore_mem>>) src(%dma_wait3A_17 : memref<16xi32, #tpu.memory_space<hbm>>) dst(%arg8 : memref<16xi32, #tpu.memory_space<vmem>>)
      tpu.yield
    }) : () -> ()
    %iota3A = tpu.iota {dimensions = array<i32: 0>} : vector<16xi32>
    %eq3A = arith.constant 0 : i32
    %eq3A_5 = vector.broadcast %eq3A : i32 to vector<16xi32>
    %eq3A_6 = arith.cmpi eq, %iota3A, %eq3A_5 : vector<16xi32>
    %broadcast_in_dim3A = arith.constant 1 : i32
    %broadcast_in_dim3A_7 = vector.broadcast %broadcast_in_dim3A : i32 to vector<16xi32>
    %broadcast_in_dim3A_8 = arith.constant 8 : i32
    %broadcast_in_dim3A_9 = vector.broadcast %broadcast_in_dim3A_8 : i32 to vector<16xi32>
    %scan3A = arith.constant 0 : i32
    %scan3A_10 = arith.constant -3.000000e+00 : f32
    %scan3A_11 = arith.constant 0 : i32
    %scan3A_12 = arith.constant 8 : i32
    %scan3A_13 = arith.addi %scan3A_11, %scan3A_12 : i32
    %scan3A_14 = arith.constant 1 : i32
    scf.for %scan3A_16 = %scan3A_11 to %scan3A_13 step %scan3A_14  : i32 {
      %mul3A_17 = arith.constant 512 : i32
      %mul3A_18 = arith.muli %scan3A_16, %mul3A_17 : i32
      %add3A_19 = arith.addi %mul3A_18, %mul3A_2 : i32
      %dma_start3A = arith.constant 0 : i32
      %dma_start3A_20 = tpu.memref_slice %arg2[%add3A_19, %dma_start3A] : memref<4096x1024xf32, #tpu.memory_space<hbm>> -> memref<16x1024xf32, #tpu.memory_space<hbm>>
      %dma_start3A_21 = arith.constant 0 : i32
      %dma_start3A_22 = tpu.memref_slice %arg2[%add3A_19, %dma_start3A_21] : memref<4096x1024xf32, #tpu.memory_space<hbm>> -> memref<16x1024xf32, #tpu.memory_space<hbm>>
      tpu.enqueue_dma source(%dma_start3A_22 : memref<16x1024xf32, #tpu.memory_space<hbm>>) target(%arg9 : memref<16x1024xf32, #tpu.memory_space<vmem>>) target_semaphore(%arg12 : memref<!tpu.dma_semaphore, #tpu.memory_space<semaphore_mem>>)
      %dma_wait3A = arith.constant 0 : i32
      %dma_wait3A_23 = tpu.memref_slice %arg2[%add3A_19, %dma_wait3A] : memref<4096x1024xf32, #tpu.memory_space<hbm>> -> memref<16x1024xf32, #tpu.memory_space<hbm>>
      %dma_wait3A_24 = arith.constant 0 : i32
      %dma_wait3A_25 = tpu.memref_slice %arg2[%add3A_19, %dma_wait3A_24] : memref<4096x1024xf32, #tpu.memory_space<hbm>> -> memref<16x1024xf32, #tpu.memory_space<hbm>>
      tpu.wait_dma2 semaphore(%arg12 : memref<!tpu.dma_semaphore, #tpu.memory_space<semaphore_mem>>) src(%dma_wait3A_25 : memref<16x1024xf32, #tpu.memory_space<hbm>>) dst(%arg9 : memref<16x1024xf32, #tpu.memory_space<vmem>>)
      %scan3A_26 = arith.constant 0 : i32
      %scan3A_27 = arith.constant 0 : i32
      %scan3A_28 = arith.constant 16 : i32
      %scan3A_29 = arith.addi %scan3A_27, %scan3A_28 : i32
      %scan3A_30 = arith.constant 1 : i32
      scf.for %scan3A_34 = %scan3A_27 to %scan3A_29 step %scan3A_30  : i32 {
        %broadcast_in_dim3A_35 = vector.broadcast %scan3A_34 : i32 to vector<16xi32>
        %mul3A_36 = arith.constant 48 : i32
        %mul3A_37 = vector.broadcast %mul3A_36 : i32 to vector<16xi32>
        %mul3A_38 = arith.muli %broadcast_in_dim3A_35, %mul3A_37 : vector<16xi32>
        %add3A_39 = arith.addi %mul3A_38, %iota3A : vector<16xi32>
        %gather3A = tpu.vector_load_idx %arg7[%add3A_39] : memref<768xi32, #tpu.memory_space<vmem>>[vector<16xi32>], vector<16xi32>,
        %gather3A_40 = tpu.vector_load_idx %arg9[%broadcast_in_dim3A_35, %gather3A] : memref<16x1024xf32, #tpu.memory_space<vmem>>[vector<16xi32>, vector<16xi32>], vector<16xf32>,
        %mul3A_41 = arith.constant 48 : i32
        %mul3A_42 = vector.broadcast %mul3A_41 : i32 to vector<16xi32>
        %mul3A_43 = arith.muli %broadcast_in_dim3A_35, %mul3A_42 : vector<16xi32>
        %add3A_44 = arith.addi %mul3A_43, %iota3A : vector<16xi32>
        %add3A_45 = arith.constant 16 : i32
        %add3A_46 = vector.broadcast %add3A_45 : i32 to vector<16xi32>
        %add3A_47 = arith.addi %add3A_44, %add3A_46 : vector<16xi32>
        %gather3A_48 = tpu.vector_load_idx %arg7[%add3A_47] : memref<768xi32, #tpu.memory_space<vmem>>[vector<16xi32>], vector<16xi32>,
        %gather3A_49 = tpu.vector_load_idx %arg9[%broadcast_in_dim3A_35, %gather3A_48] : memref<16x1024xf32, #tpu.memory_space<vmem>>[vector<16xi32>, vector<16xi32>], vector<16xf32>,
        %mul3A_50 = arith.constant 48 : i32
        %mul3A_51 = vector.broadcast %mul3A_50 : i32 to vector<16xi32>
        %mul3A_52 = arith.muli %broadcast_in_dim3A_35, %mul3A_51 : vector<16xi32>
        %add3A_53 = arith.addi %mul3A_52, %iota3A : vector<16xi32>
        %add3A_54 = arith.constant 32 : i32
        %add3A_55 = vector.broadcast %add3A_54 : i32 to vector<16xi32>
        %add3A_56 = arith.addi %add3A_53, %add3A_55 : vector<16xi32>
        %gather3A_57 = tpu.vector_load_idx %arg7[%add3A_56] : memref<768xi32, #tpu.memory_space<vmem>>[vector<16xi32>], vector<16xi32>,
        %gather3A_58 = tpu.vector_load_idx %arg9[%broadcast_in_dim3A_35, %gather3A_57] : memref<16x1024xf32, #tpu.memory_space<vmem>>[vector<16xi32>, vector<16xi32>], vector<16xf32>,
        %broadcast_in_dim3A_59 = arith.constant 0 : i32
        %broadcast_in_dim3A_60 = vector.broadcast %broadcast_in_dim3A_59 : i32 to vector<16xi32>
        %add3A_61 = arith.constant 0 : i32
        %add3A_62 = vector.broadcast %add3A_61 : i32 to vector<16xi32>
        %add3A_63 = arith.addi %iota3A, %add3A_62 : vector<16xi32>
        tpu.vector_store_idx %arg11[%broadcast_in_dim3A_35, %add3A_63], %broadcast_in_dim3A_60 : memref<16x256xi32, #tpu.memory_space<vmem>>[vector<16xi32>, vector<16xi32>], vector<16xi32>,
        %add3A_64 = arith.constant 16 : i32
        %add3A_65 = vector.broadcast %add3A_64 : i32 to vector<16xi32>
        %add3A_66 = arith.addi %iota3A, %add3A_65 : vector<16xi32>
        tpu.vector_store_idx %arg11[%broadcast_in_dim3A_35, %add3A_66], %broadcast_in_dim3A_60 : memref<16x256xi32, #tpu.memory_space<vmem>>[vector<16xi32>, vector<16xi32>], vector<16xi32>,
        %add3A_67 = arith.constant 32 : i32
        %add3A_68 = vector.broadcast %add3A_67 : i32 to vector<16xi32>
        %add3A_69 = arith.addi %iota3A, %add3A_68 : vector<16xi32>
        tpu.vector_store_idx %arg11[%broadcast_in_dim3A_35, %add3A_69], %broadcast_in_dim3A_60 : memref<16x256xi32, #tpu.memory_space<vmem>>[vector<16xi32>, vector<16xi32>], vector<16xi32>,
        %add3A_70 = arith.constant 48 : i32
        %add3A_71 = vector.broadcast %add3A_70 : i32 to vector<16xi32>
        %add3A_72 = arith.addi %iota3A, %add3A_71 : vector<16xi32>
        tpu.vector_store_idx %arg11[%broadcast_in_dim3A_35, %add3A_72], %broadcast_in_dim3A_60 : memref<16x256xi32, #tpu.memory_space<vmem>>[vector<16xi32>, vector<16xi32>], vector<16xi32>,
        %add3A_73 = arith.constant 64 : i32
        %add3A_74 = vector.broadcast %add3A_73 : i32 to vector<16xi32>
        %add3A_75 = arith.addi %iota3A, %add3A_74 : vector<16xi32>
        tpu.vector_store_idx %arg11[%broadcast_in_dim3A_35, %add3A_75], %broadcast_in_dim3A_60 : memref<16x256xi32, #tpu.memory_space<vmem>>[vector<16xi32>, vector<16xi32>], vector<16xi32>,
        %add3A_76 = arith.constant 80 : i32
        %add3A_77 = vector.broadcast %add3A_76 : i32 to vector<16xi32>
        %add3A_78 = arith.addi %iota3A, %add3A_77 : vector<16xi32>
        tpu.vector_store_idx %arg11[%broadcast_in_dim3A_35, %add3A_78], %broadcast_in_dim3A_60 : memref<16x256xi32, #tpu.memory_space<vmem>>[vector<16xi32>, vector<16xi32>], vector<16xi32>,
        %add3A_79 = arith.constant 96 : i32
        %add3A_80 = vector.broadcast %add3A_79 : i32 to vector<16xi32>
        %add3A_81 = arith.addi %iota3A, %add3A_80 : vector<16xi32>
        tpu.vector_store_idx %arg11[%broadcast_in_dim3A_35, %add3A_81], %broadcast_in_dim3A_60 : memref<16x256xi32, #tpu.memory_space<vmem>>[vector<16xi32>, vector<16xi32>], vector<16xi32>,
        %add3A_82 = arith.constant 112 : i32
        %add3A_83 = vector.broadcast %add3A_82 : i32 to vector<16xi32>
        %add3A_84 = arith.addi %iota3A, %add3A_83 : vector<16xi32>
        tpu.vector_store_idx %arg11[%broadcast_in_dim3A_35, %add3A_84], %broadcast_in_dim3A_60 : memref<16x256xi32, #tpu.memory_space<vmem>>[vector<16xi32>, vector<16xi32>], vector<16xi32>,
        %add3A_85 = arith.constant 128 : i32
        %add3A_86 = vector.broadcast %add3A_85 : i32 to vector<16xi32>
        %add3A_87 = arith.addi %iota3A, %add3A_86 : vector<16xi32>
        tpu.vector_store_idx %arg11[%broadcast_in_dim3A_35, %add3A_87], %broadcast_in_dim3A_60 : memref<16x256xi32, #tpu.memory_space<vmem>>[vector<16xi32>, vector<16xi32>], vector<16xi32>,
        %add3A_88 = arith.constant 144 : i32
        %add3A_89 = vector.broadcast %add3A_88 : i32 to vector<16xi32>
        %add3A_90 = arith.addi %iota3A, %add3A_89 : vector<16xi32>
        tpu.vector_store_idx %arg11[%broadcast_in_dim3A_35, %add3A_90], %broadcast_in_dim3A_60 : memref<16x256xi32, #tpu.memory_space<vmem>>[vector<16xi32>, vector<16xi32>], vector<16xi32>,
        %add3A_91 = arith.constant 160 : i32
        %add3A_92 = vector.broadcast %add3A_91 : i32 to vector<16xi32>
        %add3A_93 = arith.addi %iota3A, %add3A_92 : vector<16xi32>
        tpu.vector_store_idx %arg11[%broadcast_in_dim3A_35, %add3A_93], %broadcast_in_dim3A_60 : memref<16x256xi32, #tpu.memory_space<vmem>>[vector<16xi32>, vector<16xi32>], vector<16xi32>,
        %add3A_94 = arith.constant 176 : i32
        %add3A_95 = vector.broadcast %add3A_94 : i32 to vector<16xi32>
        %add3A_96 = arith.addi %iota3A, %add3A_95 : vector<16xi32>
        tpu.vector_store_idx %arg11[%broadcast_in_dim3A_35, %add3A_96], %broadcast_in_dim3A_60 : memref<16x256xi32, #tpu.memory_space<vmem>>[vector<16xi32>, vector<16xi32>], vector<16xi32>,
        %add3A_97 = arith.constant 192 : i32
        %add3A_98 = vector.broadcast %add3A_97 : i32 to vector<16xi32>
        %add3A_99 = arith.addi %iota3A, %add3A_98 : vector<16xi32>
        tpu.vector_store_idx %arg11[%broadcast_in_dim3A_35, %add3A_99], %broadcast_in_dim3A_60 : memref<16x256xi32, #tpu.memory_space<vmem>>[vector<16xi32>, vector<16xi32>], vector<16xi32>,
        %add3A_100 = arith.constant 208 : i32
        %add3A_101 = vector.broadcast %add3A_100 : i32 to vector<16xi32>
        %add3A_102 = arith.addi %iota3A, %add3A_101 : vector<16xi32>
        tpu.vector_store_idx %arg11[%broadcast_in_dim3A_35, %add3A_102], %broadcast_in_dim3A_60 : memref<16x256xi32, #tpu.memory_space<vmem>>[vector<16xi32>, vector<16xi32>], vector<16xi32>,
        %add3A_103 = arith.constant 224 : i32
        %add3A_104 = vector.broadcast %add3A_103 : i32 to vector<16xi32>
        %add3A_105 = arith.addi %iota3A, %add3A_104 : vector<16xi32>
        tpu.vector_store_idx %arg11[%broadcast_in_dim3A_35, %add3A_105], %broadcast_in_dim3A_60 : memref<16x256xi32, #tpu.memory_space<vmem>>[vector<16xi32>, vector<16xi32>], vector<16xi32>,
        %add3A_106 = arith.constant 240 : i32
        %add3A_107 = vector.broadcast %add3A_106 : i32 to vector<16xi32>
        %add3A_108 = arith.addi %iota3A, %add3A_107 : vector<16xi32>
        tpu.vector_store_idx %arg11[%broadcast_in_dim3A_35, %add3A_108], %broadcast_in_dim3A_60 : memref<16x256xi32, #tpu.memory_space<vmem>>[vector<16xi32>, vector<16xi32>], vector<16xi32>,
        %gather3A_109 = tpu.vector_load_idx %arg8[%broadcast_in_dim3A_35] : memref<16xi32, #tpu.memory_space<vmem>>[vector<16xi32>], vector<16xi32>,
        %and3A = arith.constant 255 : i32
        %and3A_110 = vector.broadcast %and3A : i32 to vector<16xi32>
        %and3A_111 = arith.andi %gather3A_109, %and3A_110 : vector<16xi32>
        %shift_right_arithmetic3A = arith.constant 8 : i32
        %shift_right_arithmetic3A_112 = vector.broadcast %shift_right_arithmetic3A : i32 to vector<16xi32>
        %shift_right_arithmetic3A_113 = arith.shrsi %gather3A_109, %shift_right_arithmetic3A_112 : vector<16xi32>
        %shift_left3A = arith.constant 3 : i32
        %shift_left3A_114 = vector.broadcast %shift_left3A : i32 to vector<16xi32>
        %shift_left3A_115 = arith.shli %shift_right_arithmetic3A_113, %shift_left3A_114 : vector<16xi32>
        %shift_left3A_116 = arith.shli %broadcast_in_dim3A_7, %shift_left3A_115 : vector<16xi32>
        tpu.vector_store_idx %arg11[%broadcast_in_dim3A_35, %and3A_111], %shift_left3A_116 masked %eq3A_6 {add = true} : memref<16x256xi32, #tpu.memory_space<vmem>>[vector<16xi32>, vector<16xi32>], vector<16xi32>, vector<16xi1>
        %max3A = arith.maximumf %gather3A_40, %gather3A_49 : vector<16xf32>
        %max3A_117 = arith.maximumf %max3A, %gather3A_58 : vector<16xf32>
        %reduce_max3A = arith.constant true
        %reduce_max3A_118 = vector.broadcast %reduce_max3A : i1 to vector<16xi1>
        %reduce_max3A_119 = tpu.scan <max>, %max3A_117 masked %reduce_max3A_118 : vector<16xf32>, vector<16xi1> -> vector<16xf32>
        %reduce_max3A_120 = vector.extract %reduce_max3A_119[15] : f32 from vector<16xf32>
        %broadcast_in_dim3A_121 = vector.broadcast %reduce_max3A_120 : f32 to vector<16xf32>
        %eq3A_122 = arith.cmpf oeq, %gather3A_40, %broadcast_in_dim3A_121 : vector<16xf32>
        %all_reduce_ffs3A = tpu.all_reduce %eq3A_122 {dim = 0 : i64, kind = #tpu.reduction_kind<find_first_set>} : vector<16xi1> -> vector<16xi32>
        %eq3A_123 = arith.cmpf oeq, %gather3A_49, %broadcast_in_dim3A_121 : vector<16xf32>
        %all_reduce_ffs3A_124 = tpu.all_reduce %eq3A_123 {dim = 0 : i64, kind = #tpu.reduction_kind<find_first_set>} : vector<16xi1> -> vector<16xi32>
        %eq3A_125 = arith.cmpf oeq, %gather3A_58, %broadcast_in_dim3A_121 : vector<16xf32>
        %all_reduce_ffs3A_126 = tpu.all_reduce %eq3A_125 {dim = 0 : i64, kind = #tpu.reduction_kind<find_first_set>} : vector<16xi1> -> vector<16xi32>
        %lt3A = arith.constant 16 : i32
        %lt3A_127 = vector.broadcast %lt3A : i32 to vector<16xi32>
        %lt3A_128 = arith.cmpi slt, %all_reduce_ffs3A, %lt3A_127 : vector<16xi32>
        %lt3A_129 = arith.constant 16 : i32
        %lt3A_130 = vector.broadcast %lt3A_129 : i32 to vector<16xi32>
        %lt3A_131 = arith.cmpi slt, %all_reduce_ffs3A_124, %lt3A_130 : vector<16xi32>
        %add3A_132 = arith.constant 16 : i32
        %add3A_133 = vector.broadcast %add3A_132 : i32 to vector<16xi32>
        %add3A_134 = arith.addi %all_reduce_ffs3A_124, %add3A_133 : vector<16xi32>
        %add3A_135 = arith.constant 32 : i32
        %add3A_136 = vector.broadcast %add3A_135 : i32 to vector<16xi32>
        %add3A_137 = arith.addi %all_reduce_ffs3A_126, %add3A_136 : vector<16xi32>
        %select_n3A = arith.select %lt3A_131, %add3A_134, %add3A_137 : vector<16xi1>, vector<16xi32>
        %select_n3A_138 = arith.select %lt3A_128, %all_reduce_ffs3A, %select_n3A : vector<16xi1>, vector<16xi32>
        %mul3A_139 = arith.constant 24 : i32
        %mul3A_140 = vector.broadcast %mul3A_139 : i32 to vector<16xi32>
        %mul3A_141 = arith.muli %broadcast_in_dim3A_35, %mul3A_140 : vector<16xi32>
        %broadcast_in_dim3A_142 = arith.constant 0 : i32
        %broadcast_in_dim3A_143 = vector.broadcast %broadcast_in_dim3A_142 : i32 to vector<16xi32>
        %add3A_144 = arith.addi %mul3A_141, %broadcast_in_dim3A_143 : vector<16xi32>
        tpu.vector_store_idx %arg10[%add3A_144], %select_n3A_138 masked %eq3A_6 : memref<384xi32, #tpu.memory_space<vmem>>[vector<16xi32>], vector<16xi32>, vector<16xi1>
        %mul3A_145 = arith.constant 48 : i32
        %mul3A_146 = vector.broadcast %mul3A_145 : i32 to vector<16xi32>
        %mul3A_147 = arith.muli %broadcast_in_dim3A_35, %mul3A_146 : vector<16xi32>
        %add3A_148 = arith.addi %mul3A_147, %select_n3A_138 : vector<16xi32>
        %gather3A_149 = tpu.vector_load_idx %arg7[%add3A_148] : memref<768xi32, #tpu.memory_space<vmem>>[vector<16xi32>], vector<16xi32>,
        %and3A_150 = arith.constant 255 : i32
        %and3A_151 = vector.broadcast %and3A_150 : i32 to vector<16xi32>
        %and3A_152 = arith.andi %gather3A_149, %and3A_151 : vector<16xi32>
        %shift_right_arithmetic3A_153 = arith.constant 8 : i32
        %shift_right_arithmetic3A_154 = vector.broadcast %shift_right_arithmetic3A_153 : i32 to vector<16xi32>
        %shift_right_arithmetic3A_155 = arith.shrsi %gather3A_149, %shift_right_arithmetic3A_154 : vector<16xi32>
        %shift_left3A_156 = arith.constant 3 : i32
        %shift_left3A_157 = vector.broadcast %shift_left3A_156 : i32 to vector<16xi32>
        %shift_left3A_158 = arith.shli %shift_right_arithmetic3A_155, %shift_left3A_157 : vector<16xi32>
        %shift_left3A_159 = arith.shli %broadcast_in_dim3A_7, %shift_left3A_158 : vector<16xi32>
        tpu.vector_store_idx %arg11[%broadcast_in_dim3A_35, %and3A_152], %shift_left3A_159 masked %eq3A_6 {add = true} : memref<16x256xi32, #tpu.memory_space<vmem>>[vector<16xi32>, vector<16xi32>], vector<16xi32>, vector<16xi1>
        %eq3A_160 = arith.cmpi eq, %select_n3A_138, %iota3A : vector<16xi32>
        %broadcast_in_dim3A_161 = vector.broadcast %scan3A_10 : f32 to vector<16xf32>
        %select_n3A_162 = arith.select %eq3A_160, %broadcast_in_dim3A_161, %gather3A_40 : vector<16xi1>, vector<16xf32>
        %add3A_163 = arith.constant 16 : i32
        %add3A_164 = vector.broadcast %add3A_163 : i32 to vector<16xi32>
        %add3A_165 = arith.addi %iota3A, %add3A_164 : vector<16xi32>
        %eq3A_166 = arith.cmpi eq, %select_n3A_138, %add3A_165 : vector<16xi32>
        %broadcast_in_dim3A_167 = vector.broadcast %scan3A_10 : f32 to vector<16xf32>
        %select_n3A_168 = arith.select %eq3A_166, %broadcast_in_dim3A_167, %gather3A_49 : vector<16xi1>, vector<16xf32>
        %add3A_169 = arith.constant 32 : i32
        %add3A_170 = vector.broadcast %add3A_169 : i32 to vector<16xi32>
        %add3A_171 = arith.addi %iota3A, %add3A_170 : vector<16xi32>
        %eq3A_172 = arith.cmpi eq, %select_n3A_138, %add3A_171 : vector<16xi32>
        %broadcast_in_dim3A_173 = vector.broadcast %scan3A_10 : f32 to vector<16xf32>
        %select_n3A_174 = arith.select %eq3A_172, %broadcast_in_dim3A_173, %gather3A_58 : vector<16xi1>, vector<16xf32>
        %max3A_175 = arith.maximumf %select_n3A_162, %select_n3A_168 : vector<16xf32>
        %max3A_176 = arith.maximumf %max3A_175, %select_n3A_174 : vector<16xf32>
        %reduce_max3A_177 = arith.constant true
        %reduce_max3A_178 = vector.broadcast %reduce_max3A_177 : i1 to vector<16xi1>
        %reduce_max3A_179 = tpu.scan <max>, %max3A_176 masked %reduce_max3A_178 : vector<16xf32>, vector<16xi1> -> vector<16xf32>
        %reduce_max3A_180 = vector.extract %reduce_max3A_179[15] : f32 from vector<16xf32>
        %broadcast_in_dim3A_181 = vector.broadcast %reduce_max3A_180 : f32 to vector<16xf32>
        %eq3A_182 = arith.cmpf oeq, %select_n3A_162, %broadcast_in_dim3A_181 : vector<16xf32>
        %all_reduce_ffs3A_183 = tpu.all_reduce %eq3A_182 {dim = 0 : i64, kind = #tpu.reduction_kind<find_first_set>} : vector<16xi1> -> vector<16xi32>
        %eq3A_184 = arith.cmpf oeq, %select_n3A_168, %broadcast_in_dim3A_181 : vector<16xf32>
        %all_reduce_ffs3A_185 = tpu.all_reduce %eq3A_184 {dim = 0 : i64, kind = #tpu.reduction_kind<find_first_set>} : vector<16xi1> -> vector<16xi32>
        %eq3A_186 = arith.cmpf oeq, %select_n3A_174, %broadcast_in_dim3A_181 : vector<16xf32>
        %all_reduce_ffs3A_187 = tpu.all_reduce %eq3A_186 {dim = 0 : i64, kind = #tpu.reduction_kind<find_first_set>} : vector<16xi1> -> vector<16xi32>
        %lt3A_188 = arith.constant 16 : i32
        %lt3A_189 = vector.broadcast %lt3A_188 : i32 to vector<16xi32>
        %lt3A_190 = arith.cmpi slt, %all_reduce_ffs3A_183, %lt3A_189 : vector<16xi32>
        %lt3A_191 = arith.constant 16 : i32
        %lt3A_192 = vector.broadcast %lt3A_191 : i32 to vector<16xi32>
        %lt3A_193 = arith.cmpi slt, %all_reduce_ffs3A_185, %lt3A_192 : vector<16xi32>
        %add3A_194 = arith.constant 16 : i32
        %add3A_195 = vector.broadcast %add3A_194 : i32 to vector<16xi32>
        %add3A_196 = arith.addi %all_reduce_ffs3A_185, %add3A_195 : vector<16xi32>
        %add3A_197 = arith.constant 32 : i32
        %add3A_198 = vector.broadcast %add3A_197 : i32 to vector<16xi32>
        %add3A_199 = arith.addi %all_reduce_ffs3A_187, %add3A_198 : vector<16xi32>
        %select_n3A_200 = arith.select %lt3A_193, %add3A_196, %add3A_199 : vector<16xi1>, vector<16xi32>
        %select_n3A_201 = arith.select %lt3A_190, %all_reduce_ffs3A_183, %select_n3A_200 : vector<16xi1>, vector<16xi32>
        %mul3A_202 = arith.constant 24 : i32
        %mul3A_203 = vector.broadcast %mul3A_202 : i32 to vector<16xi32>
        %mul3A_204 = arith.muli %broadcast_in_dim3A_35, %mul3A_203 : vector<16xi32>
        %broadcast_in_dim3A_205 = arith.constant 1 : i32
        %broadcast_in_dim3A_206 = vector.broadcast %broadcast_in_dim3A_205 : i32 to vector<16xi32>
        %add3A_207 = arith.addi %mul3A_204, %broadcast_in_dim3A_206 : vector<16xi32>
        tpu.vector_store_idx %arg10[%add3A_207], %select_n3A_201 masked %eq3A_6 : memref<384xi32, #tpu.memory_space<vmem>>[vector<16xi32>], vector<16xi32>, vector<16xi1>
        %mul3A_208 = arith.constant 48 : i32
        %mul3A_209 = vector.broadcast %mul3A_208 : i32 to vector<16xi32>
        %mul3A_210 = arith.muli %broadcast_in_dim3A_35, %mul3A_209 : vector<16xi32>
        %add3A_211 = arith.addi %mul3A_210, %select_n3A_201 : vector<16xi32>
        %gather3A_212 = tpu.vector_load_idx %arg7[%add3A_211] : memref<768xi32, #tpu.memory_space<vmem>>[vector<16xi32>], vector<16xi32>,
        %and3A_213 = arith.constant 255 : i32
        %and3A_214 = vector.broadcast %and3A_213 : i32 to vector<16xi32>
        %and3A_215 = arith.andi %gather3A_212, %and3A_214 : vector<16xi32>
        %shift_right_arithmetic3A_216 = arith.constant 8 : i32
        %shift_right_arithmetic3A_217 = vector.broadcast %shift_right_arithmetic3A_216 : i32 to vector<16xi32>
        %shift_right_arithmetic3A_218 = arith.shrsi %gather3A_212, %shift_right_arithmetic3A_217 : vector<16xi32>
        %shift_left3A_219 = arith.constant 3 : i32
        %shift_left3A_220 = vector.broadcast %shift_left3A_219 : i32 to vector<16xi32>
        %shift_left3A_221 = arith.shli %shift_right_arithmetic3A_218, %shift_left3A_220 : vector<16xi32>
        %shift_left3A_222 = arith.shli %broadcast_in_dim3A_7, %shift_left3A_221 : vector<16xi32>
        tpu.vector_store_idx %arg11[%broadcast_in_dim3A_35, %and3A_215], %shift_left3A_222 masked %eq3A_6 {add = true} : memref<16x256xi32, #tpu.memory_space<vmem>>[vector<16xi32>, vector<16xi32>], vector<16xi32>, vector<16xi1>
        %eq3A_223 = arith.cmpi eq, %select_n3A_201, %iota3A : vector<16xi32>
        %broadcast_in_dim3A_224 = vector.broadcast %scan3A_10 : f32 to vector<16xf32>
        %select_n3A_225 = arith.select %eq3A_223, %broadcast_in_dim3A_224, %select_n3A_162 : vector<16xi1>, vector<16xf32>
        %add3A_226 = arith.constant 16 : i32
        %add3A_227 = vector.broadcast %add3A_226 : i32 to vector<16xi32>
        %add3A_228 = arith.addi %iota3A, %add3A_227 : vector<16xi32>
        %eq3A_229 = arith.cmpi eq, %select_n3A_201, %add3A_228 : vector<16xi32>
        %broadcast_in_dim3A_230 = vector.broadcast %scan3A_10 : f32 to vector<16xf32>
        %select_n3A_231 = arith.select %eq3A_229, %broadcast_in_dim3A_230, %select_n3A_168 : vector<16xi1>, vector<16xf32>
        %add3A_232 = arith.constant 32 : i32
        %add3A_233 = vector.broadcast %add3A_232 : i32 to vector<16xi32>
        %add3A_234 = arith.addi %iota3A, %add3A_233 : vector<16xi32>
        %eq3A_235 = arith.cmpi eq, %select_n3A_201, %add3A_234 : vector<16xi32>
        %broadcast_in_dim3A_236 = vector.broadcast %scan3A_10 : f32 to vector<16xf32>
        %select_n3A_237 = arith.select %eq3A_235, %broadcast_in_dim3A_236, %select_n3A_174 : vector<16xi1>, vector<16xf32>
        %max3A_238 = arith.maximumf %select_n3A_225, %select_n3A_231 : vector<16xf32>
        %max3A_239 = arith.maximumf %max3A_238, %select_n3A_237 : vector<16xf32>
        %reduce_max3A_240 = arith.constant true
        %reduce_max3A_241 = vector.broadcast %reduce_max3A_240 : i1 to vector<16xi1>
        %reduce_max3A_242 = tpu.scan <max>, %max3A_239 masked %reduce_max3A_241 : vector<16xf32>, vector<16xi1> -> vector<16xf32>
        %reduce_max3A_243 = vector.extract %reduce_max3A_242[15] : f32 from vector<16xf32>
        %broadcast_in_dim3A_244 = vector.broadcast %reduce_max3A_243 : f32 to vector<16xf32>
        %eq3A_245 = arith.cmpf oeq, %select_n3A_225, %broadcast_in_dim3A_244 : vector<16xf32>
        %all_reduce_ffs3A_246 = tpu.all_reduce %eq3A_245 {dim = 0 : i64, kind = #tpu.reduction_kind<find_first_set>} : vector<16xi1> -> vector<16xi32>
        %eq3A_247 = arith.cmpf oeq, %select_n3A_231, %broadcast_in_dim3A_244 : vector<16xf32>
        %all_reduce_ffs3A_248 = tpu.all_reduce %eq3A_247 {dim = 0 : i64, kind = #tpu.reduction_kind<find_first_set>} : vector<16xi1> -> vector<16xi32>
        %eq3A_249 = arith.cmpf oeq, %select_n3A_237, %broadcast_in_dim3A_244 : vector<16xf32>
        %all_reduce_ffs3A_250 = tpu.all_reduce %eq3A_249 {dim = 0 : i64, kind = #tpu.reduction_kind<find_first_set>} : vector<16xi1> -> vector<16xi32>
        %lt3A_251 = arith.constant 16 : i32
        %lt3A_252 = vector.broadcast %lt3A_251 : i32 to vector<16xi32>
        %lt3A_253 = arith.cmpi slt, %all_reduce_ffs3A_246, %lt3A_252 : vector<16xi32>
        %lt3A_254 = arith.constant 16 : i32
        %lt3A_255 = vector.broadcast %lt3A_254 : i32 to vector<16xi32>
        %lt3A_256 = arith.cmpi slt, %all_reduce_ffs3A_248, %lt3A_255 : vector<16xi32>
        %add3A_257 = arith.constant 16 : i32
        %add3A_258 = vector.broadcast %add3A_257 : i32 to vector<16xi32>
        %add3A_259 = arith.addi %all_reduce_ffs3A_248, %add3A_258 : vector<16xi32>
        %add3A_260 = arith.constant 32 : i32
        %add3A_261 = vector.broadcast %add3A_260 : i32 to vector<16xi32>
        %add3A_262 = arith.addi %all_reduce_ffs3A_250, %add3A_261 : vector<16xi32>
        %select_n3A_263 = arith.select %lt3A_256, %add3A_259, %add3A_262 : vector<16xi1>, vector<16xi32>
        %select_n3A_264 = arith.select %lt3A_253, %all_reduce_ffs3A_246, %select_n3A_263 : vector<16xi1>, vector<16xi32>
        %mul3A_265 = arith.constant 24 : i32
        %mul3A_266 = vector.broadcast %mul3A_265 : i32 to vector<16xi32>
        %mul3A_267 = arith.muli %broadcast_in_dim3A_35, %mul3A_266 : vector<16xi32>
        %broadcast_in_dim3A_268 = arith.constant 2 : i32
        %broadcast_in_dim3A_269 = vector.broadcast %broadcast_in_dim3A_268 : i32 to vector<16xi32>
        %add3A_270 = arith.addi %mul3A_267, %broadcast_in_dim3A_269 : vector<16xi32>
        tpu.vector_store_idx %arg10[%add3A_270], %select_n3A_264 masked %eq3A_6 : memref<384xi32, #tpu.memory_space<vmem>>[vector<16xi32>], vector<16xi32>, vector<16xi1>
        %mul3A_271 = arith.constant 48 : i32
        %mul3A_272 = vector.broadcast %mul3A_271 : i32 to vector<16xi32>
        %mul3A_273 = arith.muli %broadcast_in_dim3A_35, %mul3A_272 : vector<16xi32>
        %add3A_274 = arith.addi %mul3A_273, %select_n3A_264 : vector<16xi32>
        %gather3A_275 = tpu.vector_load_idx %arg7[%add3A_274] : memref<768xi32, #tpu.memory_space<vmem>>[vector<16xi32>], vector<16xi32>,
        %and3A_276 = arith.constant 255 : i32
        %and3A_277 = vector.broadcast %and3A_276 : i32 to vector<16xi32>
        %and3A_278 = arith.andi %gather3A_275, %and3A_277 : vector<16xi32>
        %shift_right_arithmetic3A_279 = arith.constant 8 : i32
        %shift_right_arithmetic3A_280 = vector.broadcast %shift_right_arithmetic3A_279 : i32 to vector<16xi32>
        %shift_right_arithmetic3A_281 = arith.shrsi %gather3A_275, %shift_right_arithmetic3A_280 : vector<16xi32>
        %shift_left3A_282 = arith.constant 3 : i32
        %shift_left3A_283 = vector.broadcast %shift_left3A_282 : i32 to vector<16xi32>
        %shift_left3A_284 = arith.shli %shift_right_arithmetic3A_281, %shift_left3A_283 : vector<16xi32>
        %shift_left3A_285 = arith.shli %broadcast_in_dim3A_7, %shift_left3A_284 : vector<16xi32>
        tpu.vector_store_idx %arg11[%broadcast_in_dim3A_35, %and3A_278], %shift_left3A_285 masked %eq3A_6 {add = true} : memref<16x256xi32, #tpu.memory_space<vmem>>[vector<16xi32>, vector<16xi32>], vector<16xi32>, vector<16xi1>
        %eq3A_286 = arith.cmpi eq, %select_n3A_264, %iota3A : vector<16xi32>
        %broadcast_in_dim3A_287 = vector.broadcast %scan3A_10 : f32 to vector<16xf32>
        %select_n3A_288 = arith.select %eq3A_286, %broadcast_in_dim3A_287, %select_n3A_225 : vector<16xi1>, vector<16xf32>
        %add3A_289 = arith.constant 16 : i32
        %add3A_290 = vector.broadcast %add3A_289 : i32 to vector<16xi32>
        %add3A_291 = arith.addi %iota3A, %add3A_290 : vector<16xi32>
        %eq3A_292 = arith.cmpi eq, %select_n3A_264, %add3A_291 : vector<16xi32>
        %broadcast_in_dim3A_293 = vector.broadcast %scan3A_10 : f32 to vector<16xf32>
        %select_n3A_294 = arith.select %eq3A_292, %broadcast_in_dim3A_293, %select_n3A_231 : vector<16xi1>, vector<16xf32>
        %add3A_295 = arith.constant 32 : i32
        %add3A_296 = vector.broadcast %add3A_295 : i32 to vector<16xi32>
        %add3A_297 = arith.addi %iota3A, %add3A_296 : vector<16xi32>
        %eq3A_298 = arith.cmpi eq, %select_n3A_264, %add3A_297 : vector<16xi32>
        %broadcast_in_dim3A_299 = vector.broadcast %scan3A_10 : f32 to vector<16xf32>
        %select_n3A_300 = arith.select %eq3A_298, %broadcast_in_dim3A_299, %select_n3A_237 : vector<16xi1>, vector<16xf32>
        %max3A_301 = arith.maximumf %select_n3A_288, %select_n3A_294 : vector<16xf32>
        %max3A_302 = arith.maximumf %max3A_301, %select_n3A_300 : vector<16xf32>
        %reduce_max3A_303 = arith.constant true
        %reduce_max3A_304 = vector.broadcast %reduce_max3A_303 : i1 to vector<16xi1>
        %reduce_max3A_305 = tpu.scan <max>, %max3A_302 masked %reduce_max3A_304 : vector<16xf32>, vector<16xi1> -> vector<16xf32>
        %reduce_max3A_306 = vector.extract %reduce_max3A_305[15] : f32 from vector<16xf32>
        %broadcast_in_dim3A_307 = vector.broadcast %reduce_max3A_306 : f32 to vector<16xf32>
        %eq3A_308 = arith.cmpf oeq, %select_n3A_288, %broadcast_in_dim3A_307 : vector<16xf32>
        %all_reduce_ffs3A_309 = tpu.all_reduce %eq3A_308 {dim = 0 : i64, kind = #tpu.reduction_kind<find_first_set>} : vector<16xi1> -> vector<16xi32>
        %eq3A_310 = arith.cmpf oeq, %select_n3A_294, %broadcast_in_dim3A_307 : vector<16xf32>
        %all_reduce_ffs3A_311 = tpu.all_reduce %eq3A_310 {dim = 0 : i64, kind = #tpu.reduction_kind<find_first_set>} : vector<16xi1> -> vector<16xi32>
        %eq3A_312 = arith.cmpf oeq, %select_n3A_300, %broadcast_in_dim3A_307 : vector<16xf32>
        %all_reduce_ffs3A_313 = tpu.all_reduce %eq3A_312 {dim = 0 : i64, kind = #tpu.reduction_kind<find_first_set>} : vector<16xi1> -> vector<16xi32>
        %lt3A_314 = arith.constant 16 : i32
        %lt3A_315 = vector.broadcast %lt3A_314 : i32 to vector<16xi32>
        %lt3A_316 = arith.cmpi slt, %all_reduce_ffs3A_309, %lt3A_315 : vector<16xi32>
        %lt3A_317 = arith.constant 16 : i32
        %lt3A_318 = vector.broadcast %lt3A_317 : i32 to vector<16xi32>
        %lt3A_319 = arith.cmpi slt, %all_reduce_ffs3A_311, %lt3A_318 : vector<16xi32>
        %add3A_320 = arith.constant 16 : i32
        %add3A_321 = vector.broadcast %add3A_320 : i32 to vector<16xi32>
        %add3A_322 = arith.addi %all_reduce_ffs3A_311, %add3A_321 : vector<16xi32>
        %add3A_323 = arith.constant 32 : i32
        %add3A_324 = vector.broadcast %add3A_323 : i32 to vector<16xi32>
        %add3A_325 = arith.addi %all_reduce_ffs3A_313, %add3A_324 : vector<16xi32>
        %select_n3A_326 = arith.select %lt3A_319, %add3A_322, %add3A_325 : vector<16xi1>, vector<16xi32>
        %select_n3A_327 = arith.select %lt3A_316, %all_reduce_ffs3A_309, %select_n3A_326 : vector<16xi1>, vector<16xi32>
        %mul3A_328 = arith.constant 24 : i32
        %mul3A_329 = vector.broadcast %mul3A_328 : i32 to vector<16xi32>
        %mul3A_330 = arith.muli %broadcast_in_dim3A_35, %mul3A_329 : vector<16xi32>
        %broadcast_in_dim3A_331 = arith.constant 3 : i32
        %broadcast_in_dim3A_332 = vector.broadcast %broadcast_in_dim3A_331 : i32 to vector<16xi32>
        %add3A_333 = arith.addi %mul3A_330, %broadcast_in_dim3A_332 : vector<16xi32>
        tpu.vector_store_idx %arg10[%add3A_333], %select_n3A_327 masked %eq3A_6 : memref<384xi32, #tpu.memory_space<vmem>>[vector<16xi32>], vector<16xi32>, vector<16xi1>
        %mul3A_334 = arith.constant 48 : i32
        %mul3A_335 = vector.broadcast %mul3A_334 : i32 to vector<16xi32>
        %mul3A_336 = arith.muli %broadcast_in_dim3A_35, %mul3A_335 : vector<16xi32>
        %add3A_337 = arith.addi %mul3A_336, %select_n3A_327 : vector<16xi32>
        %gather3A_338 = tpu.vector_load_idx %arg7[%add3A_337] : memref<768xi32, #tpu.memory_space<vmem>>[vector<16xi32>], vector<16xi32>,
        %and3A_339 = arith.constant 255 : i32
        %and3A_340 = vector.broadcast %and3A_339 : i32 to vector<16xi32>
        %and3A_341 = arith.andi %gather3A_338, %and3A_340 : vector<16xi32>
        %shift_right_arithmetic3A_342 = arith.constant 8 : i32
        %shift_right_arithmetic3A_343 = vector.broadcast %shift_right_arithmetic3A_342 : i32 to vector<16xi32>
        %shift_right_arithmetic3A_344 = arith.shrsi %gather3A_338, %shift_right_arithmetic3A_343 : vector<16xi32>
        %shift_left3A_345 = arith.constant 3 : i32
        %shift_left3A_346 = vector.broadcast %shift_left3A_345 : i32 to vector<16xi32>
        %shift_left3A_347 = arith.shli %shift_right_arithmetic3A_344, %shift_left3A_346 : vector<16xi32>
        %shift_left3A_348 = arith.shli %broadcast_in_dim3A_7, %shift_left3A_347 : vector<16xi32>
        tpu.vector_store_idx %arg11[%broadcast_in_dim3A_35, %and3A_341], %shift_left3A_348 masked %eq3A_6 {add = true} : memref<16x256xi32, #tpu.memory_space<vmem>>[vector<16xi32>, vector<16xi32>], vector<16xi32>, vector<16xi1>
        %eq3A_349 = arith.cmpi eq, %select_n3A_327, %iota3A : vector<16xi32>
        %broadcast_in_dim3A_350 = vector.broadcast %scan3A_10 : f32 to vector<16xf32>
        %select_n3A_351 = arith.select %eq3A_349, %broadcast_in_dim3A_350, %select_n3A_288 : vector<16xi1>, vector<16xf32>
        %add3A_352 = arith.constant 16 : i32
        %add3A_353 = vector.broadcast %add3A_352 : i32 to vector<16xi32>
        %add3A_354 = arith.addi %iota3A, %add3A_353 : vector<16xi32>
        %eq3A_355 = arith.cmpi eq, %select_n3A_327, %add3A_354 : vector<16xi32>
        %broadcast_in_dim3A_356 = vector.broadcast %scan3A_10 : f32 to vector<16xf32>
        %select_n3A_357 = arith.select %eq3A_355, %broadcast_in_dim3A_356, %select_n3A_294 : vector<16xi1>, vector<16xf32>
        %add3A_358 = arith.constant 32 : i32
        %add3A_359 = vector.broadcast %add3A_358 : i32 to vector<16xi32>
        %add3A_360 = arith.addi %iota3A, %add3A_359 : vector<16xi32>
        %eq3A_361 = arith.cmpi eq, %select_n3A_327, %add3A_360 : vector<16xi32>
        %broadcast_in_dim3A_362 = vector.broadcast %scan3A_10 : f32 to vector<16xf32>
        %select_n3A_363 = arith.select %eq3A_361, %broadcast_in_dim3A_362, %select_n3A_300 : vector<16xi1>, vector<16xf32>
        %max3A_364 = arith.maximumf %select_n3A_351, %select_n3A_357 : vector<16xf32>
        %max3A_365 = arith.maximumf %max3A_364, %select_n3A_363 : vector<16xf32>
        %reduce_max3A_366 = arith.constant true
        %reduce_max3A_367 = vector.broadcast %reduce_max3A_366 : i1 to vector<16xi1>
        %reduce_max3A_368 = tpu.scan <max>, %max3A_365 masked %reduce_max3A_367 : vector<16xf32>, vector<16xi1> -> vector<16xf32>
        %reduce_max3A_369 = vector.extract %reduce_max3A_368[15] : f32 from vector<16xf32>
        %broadcast_in_dim3A_370 = vector.broadcast %reduce_max3A_369 : f32 to vector<16xf32>
        %eq3A_371 = arith.cmpf oeq, %select_n3A_351, %broadcast_in_dim3A_370 : vector<16xf32>
        %all_reduce_ffs3A_372 = tpu.all_reduce %eq3A_371 {dim = 0 : i64, kind = #tpu.reduction_kind<find_first_set>} : vector<16xi1> -> vector<16xi32>
        %eq3A_373 = arith.cmpf oeq, %select_n3A_357, %broadcast_in_dim3A_370 : vector<16xf32>
        %all_reduce_ffs3A_374 = tpu.all_reduce %eq3A_373 {dim = 0 : i64, kind = #tpu.reduction_kind<find_first_set>} : vector<16xi1> -> vector<16xi32>
        %eq3A_375 = arith.cmpf oeq, %select_n3A_363, %broadcast_in_dim3A_370 : vector<16xf32>
        %all_reduce_ffs3A_376 = tpu.all_reduce %eq3A_375 {dim = 0 : i64, kind = #tpu.reduction_kind<find_first_set>} : vector<16xi1> -> vector<16xi32>
        %lt3A_377 = arith.constant 16 : i32
        %lt3A_378 = vector.broadcast %lt3A_377 : i32 to vector<16xi32>
        %lt3A_379 = arith.cmpi slt, %all_reduce_ffs3A_372, %lt3A_378 : vector<16xi32>
        %lt3A_380 = arith.constant 16 : i32
        %lt3A_381 = vector.broadcast %lt3A_380 : i32 to vector<16xi32>
        %lt3A_382 = arith.cmpi slt, %all_reduce_ffs3A_374, %lt3A_381 : vector<16xi32>
        %add3A_383 = arith.constant 16 : i32
        %add3A_384 = vector.broadcast %add3A_383 : i32 to vector<16xi32>
        %add3A_385 = arith.addi %all_reduce_ffs3A_374, %add3A_384 : vector<16xi32>
        %add3A_386 = arith.constant 32 : i32
        %add3A_387 = vector.broadcast %add3A_386 : i32 to vector<16xi32>
        %add3A_388 = arith.addi %all_reduce_ffs3A_376, %add3A_387 : vector<16xi32>
        %select_n3A_389 = arith.select %lt3A_382, %add3A_385, %add3A_388 : vector<16xi1>, vector<16xi32>
        %select_n3A_390 = arith.select %lt3A_379, %all_reduce_ffs3A_372, %select_n3A_389 : vector<16xi1>, vector<16xi32>
        %mul3A_391 = arith.constant 24 : i32
        %mul3A_392 = vector.broadcast %mul3A_391 : i32 to vector<16xi32>
        %mul3A_393 = arith.muli %broadcast_in_dim3A_35, %mul3A_392 : vector<16xi32>
        %broadcast_in_dim3A_394 = arith.constant 4 : i32
        %broadcast_in_dim3A_395 = vector.broadcast %broadcast_in_dim3A_394 : i32 to vector<16xi32>
        %add3A_396 = arith.addi %mul3A_393, %broadcast_in_dim3A_395 : vector<16xi32>
        tpu.vector_store_idx %arg10[%add3A_396], %select_n3A_390 masked %eq3A_6 : memref<384xi32, #tpu.memory_space<vmem>>[vector<16xi32>], vector<16xi32>, vector<16xi1>
        %mul3A_397 = arith.constant 48 : i32
        %mul3A_398 = vector.broadcast %mul3A_397 : i32 to vector<16xi32>
        %mul3A_399 = arith.muli %broadcast_in_dim3A_35, %mul3A_398 : vector<16xi32>
        %add3A_400 = arith.addi %mul3A_399, %select_n3A_390 : vector<16xi32>
        %gather3A_401 = tpu.vector_load_idx %arg7[%add3A_400] : memref<768xi32, #tpu.memory_space<vmem>>[vector<16xi32>], vector<16xi32>,
        %and3A_402 = arith.constant 255 : i32
        %and3A_403 = vector.broadcast %and3A_402 : i32 to vector<16xi32>
        %and3A_404 = arith.andi %gather3A_401, %and3A_403 : vector<16xi32>
        %shift_right_arithmetic3A_405 = arith.constant 8 : i32
        %shift_right_arithmetic3A_406 = vector.broadcast %shift_right_arithmetic3A_405 : i32 to vector<16xi32>
        %shift_right_arithmetic3A_407 = arith.shrsi %gather3A_401, %shift_right_arithmetic3A_406 : vector<16xi32>
        %shift_left3A_408 = arith.constant 3 : i32
        %shift_left3A_409 = vector.broadcast %shift_left3A_408 : i32 to vector<16xi32>
        %shift_left3A_410 = arith.shli %shift_right_arithmetic3A_407, %shift_left3A_409 : vector<16xi32>
        %shift_left3A_411 = arith.shli %broadcast_in_dim3A_7, %shift_left3A_410 : vector<16xi32>
        tpu.vector_store_idx %arg11[%broadcast_in_dim3A_35, %and3A_404], %shift_left3A_411 masked %eq3A_6 {add = true} : memref<16x256xi32, #tpu.memory_space<vmem>>[vector<16xi32>, vector<16xi32>], vector<16xi32>, vector<16xi1>
        %eq3A_412 = arith.cmpi eq, %select_n3A_390, %iota3A : vector<16xi32>
        %broadcast_in_dim3A_413 = vector.broadcast %scan3A_10 : f32 to vector<16xf32>
        %select_n3A_414 = arith.select %eq3A_412, %broadcast_in_dim3A_413, %select_n3A_351 : vector<16xi1>, vector<16xf32>
        %add3A_415 = arith.constant 16 : i32
        %add3A_416 = vector.broadcast %add3A_415 : i32 to vector<16xi32>
        %add3A_417 = arith.addi %iota3A, %add3A_416 : vector<16xi32>
        %eq3A_418 = arith.cmpi eq, %select_n3A_390, %add3A_417 : vector<16xi32>
        %broadcast_in_dim3A_419 = vector.broadcast %scan3A_10 : f32 to vector<16xf32>
        %select_n3A_420 = arith.select %eq3A_418, %broadcast_in_dim3A_419, %select_n3A_357 : vector<16xi1>, vector<16xf32>
        %add3A_421 = arith.constant 32 : i32
        %add3A_422 = vector.broadcast %add3A_421 : i32 to vector<16xi32>
        %add3A_423 = arith.addi %iota3A, %add3A_422 : vector<16xi32>
        %eq3A_424 = arith.cmpi eq, %select_n3A_390, %add3A_423 : vector<16xi32>
        %broadcast_in_dim3A_425 = vector.broadcast %scan3A_10 : f32 to vector<16xf32>
        %select_n3A_426 = arith.select %eq3A_424, %broadcast_in_dim3A_425, %select_n3A_363 : vector<16xi1>, vector<16xf32>
        %max3A_427 = arith.maximumf %select_n3A_414, %select_n3A_420 : vector<16xf32>
        %max3A_428 = arith.maximumf %max3A_427, %select_n3A_426 : vector<16xf32>
        %reduce_max3A_429 = arith.constant true
        %reduce_max3A_430 = vector.broadcast %reduce_max3A_429 : i1 to vector<16xi1>
        %reduce_max3A_431 = tpu.scan <max>, %max3A_428 masked %reduce_max3A_430 : vector<16xf32>, vector<16xi1> -> vector<16xf32>
        %reduce_max3A_432 = vector.extract %reduce_max3A_431[15] : f32 from vector<16xf32>
        %broadcast_in_dim3A_433 = vector.broadcast %reduce_max3A_432 : f32 to vector<16xf32>
        %eq3A_434 = arith.cmpf oeq, %select_n3A_414, %broadcast_in_dim3A_433 : vector<16xf32>
        %all_reduce_ffs3A_435 = tpu.all_reduce %eq3A_434 {dim = 0 : i64, kind = #tpu.reduction_kind<find_first_set>} : vector<16xi1> -> vector<16xi32>
        %eq3A_436 = arith.cmpf oeq, %select_n3A_420, %broadcast_in_dim3A_433 : vector<16xf32>
        %all_reduce_ffs3A_437 = tpu.all_reduce %eq3A_436 {dim = 0 : i64, kind = #tpu.reduction_kind<find_first_set>} : vector<16xi1> -> vector<16xi32>
        %eq3A_438 = arith.cmpf oeq, %select_n3A_426, %broadcast_in_dim3A_433 : vector<16xf32>
        %all_reduce_ffs3A_439 = tpu.all_reduce %eq3A_438 {dim = 0 : i64, kind = #tpu.reduction_kind<find_first_set>} : vector<16xi1> -> vector<16xi32>
        %lt3A_440 = arith.constant 16 : i32
        %lt3A_441 = vector.broadcast %lt3A_440 : i32 to vector<16xi32>
        %lt3A_442 = arith.cmpi slt, %all_reduce_ffs3A_435, %lt3A_441 : vector<16xi32>
        %lt3A_443 = arith.constant 16 : i32
        %lt3A_444 = vector.broadcast %lt3A_443 : i32 to vector<16xi32>
        %lt3A_445 = arith.cmpi slt, %all_reduce_ffs3A_437, %lt3A_444 : vector<16xi32>
        %add3A_446 = arith.constant 16 : i32
        %add3A_447 = vector.broadcast %add3A_446 : i32 to vector<16xi32>
        %add3A_448 = arith.addi %all_reduce_ffs3A_437, %add3A_447 : vector<16xi32>
        %add3A_449 = arith.constant 32 : i32
        %add3A_450 = vector.broadcast %add3A_449 : i32 to vector<16xi32>
        %add3A_451 = arith.addi %all_reduce_ffs3A_439, %add3A_450 : vector<16xi32>
        %select_n3A_452 = arith.select %lt3A_445, %add3A_448, %add3A_451 : vector<16xi1>, vector<16xi32>
        %select_n3A_453 = arith.select %lt3A_442, %all_reduce_ffs3A_435, %select_n3A_452 : vector<16xi1>, vector<16xi32>
        %mul3A_454 = arith.constant 24 : i32
        %mul3A_455 = vector.broadcast %mul3A_454 : i32 to vector<16xi32>
        %mul3A_456 = arith.muli %broadcast_in_dim3A_35, %mul3A_455 : vector<16xi32>
        %broadcast_in_dim3A_457 = arith.constant 5 : i32
        %broadcast_in_dim3A_458 = vector.broadcast %broadcast_in_dim3A_457 : i32 to vector<16xi32>
        %add3A_459 = arith.addi %mul3A_456, %broadcast_in_dim3A_458 : vector<16xi32>
        tpu.vector_store_idx %arg10[%add3A_459], %select_n3A_453 masked %eq3A_6 : memref<384xi32, #tpu.memory_space<vmem>>[vector<16xi32>], vector<16xi32>, vector<16xi1>
        %mul3A_460 = arith.constant 48 : i32
        %mul3A_461 = vector.broadcast %mul3A_460 : i32 to vector<16xi32>
        %mul3A_462 = arith.muli %broadcast_in_dim3A_35, %mul3A_461 : vector<16xi32>
        %add3A_463 = arith.addi %mul3A_462, %select_n3A_453 : vector<16xi32>
        %gather3A_464 = tpu.vector_load_idx %arg7[%add3A_463] : memref<768xi32, #tpu.memory_space<vmem>>[vector<16xi32>], vector<16xi32>,
        %and3A_465 = arith.constant 255 : i32
        %and3A_466 = vector.broadcast %and3A_465 : i32 to vector<16xi32>
        %and3A_467 = arith.andi %gather3A_464, %and3A_466 : vector<16xi32>
        %shift_right_arithmetic3A_468 = arith.constant 8 : i32
        %shift_right_arithmetic3A_469 = vector.broadcast %shift_right_arithmetic3A_468 : i32 to vector<16xi32>
        %shift_right_arithmetic3A_470 = arith.shrsi %gather3A_464, %shift_right_arithmetic3A_469 : vector<16xi32>
        %shift_left3A_471 = arith.constant 3 : i32
        %shift_left3A_472 = vector.broadcast %shift_left3A_471 : i32 to vector<16xi32>
        %shift_left3A_473 = arith.shli %shift_right_arithmetic3A_470, %shift_left3A_472 : vector<16xi32>
        %shift_left3A_474 = arith.shli %broadcast_in_dim3A_7, %shift_left3A_473 : vector<16xi32>
        tpu.vector_store_idx %arg11[%broadcast_in_dim3A_35, %and3A_467], %shift_left3A_474 masked %eq3A_6 {add = true} : memref<16x256xi32, #tpu.memory_space<vmem>>[vector<16xi32>, vector<16xi32>], vector<16xi32>, vector<16xi1>
        %eq3A_475 = arith.cmpi eq, %select_n3A_453, %iota3A : vector<16xi32>
        %broadcast_in_dim3A_476 = vector.broadcast %scan3A_10 : f32 to vector<16xf32>
        %select_n3A_477 = arith.select %eq3A_475, %broadcast_in_dim3A_476, %select_n3A_414 : vector<16xi1>, vector<16xf32>
        %add3A_478 = arith.constant 16 : i32
        %add3A_479 = vector.broadcast %add3A_478 : i32 to vector<16xi32>
        %add3A_480 = arith.addi %iota3A, %add3A_479 : vector<16xi32>
        %eq3A_481 = arith.cmpi eq, %select_n3A_453, %add3A_480 : vector<16xi32>
        %broadcast_in_dim3A_482 = vector.broadcast %scan3A_10 : f32 to vector<16xf32>
        %select_n3A_483 = arith.select %eq3A_481, %broadcast_in_dim3A_482, %select_n3A_420 : vector<16xi1>, vector<16xf32>
        %add3A_484 = arith.constant 32 : i32
        %add3A_485 = vector.broadcast %add3A_484 : i32 to vector<16xi32>
        %add3A_486 = arith.addi %iota3A, %add3A_485 : vector<16xi32>
        %eq3A_487 = arith.cmpi eq, %select_n3A_453, %add3A_486 : vector<16xi32>
        %broadcast_in_dim3A_488 = vector.broadcast %scan3A_10 : f32 to vector<16xf32>
        %select_n3A_489 = arith.select %eq3A_487, %broadcast_in_dim3A_488, %select_n3A_426 : vector<16xi1>, vector<16xf32>
        %max3A_490 = arith.maximumf %select_n3A_477, %select_n3A_483 : vector<16xf32>
        %max3A_491 = arith.maximumf %max3A_490, %select_n3A_489 : vector<16xf32>
        %reduce_max3A_492 = arith.constant true
        %reduce_max3A_493 = vector.broadcast %reduce_max3A_492 : i1 to vector<16xi1>
        %reduce_max3A_494 = tpu.scan <max>, %max3A_491 masked %reduce_max3A_493 : vector<16xf32>, vector<16xi1> -> vector<16xf32>
        %reduce_max3A_495 = vector.extract %reduce_max3A_494[15] : f32 from vector<16xf32>
        %broadcast_in_dim3A_496 = vector.broadcast %reduce_max3A_495 : f32 to vector<16xf32>
        %eq3A_497 = arith.cmpf oeq, %select_n3A_477, %broadcast_in_dim3A_496 : vector<16xf32>
        %all_reduce_ffs3A_498 = tpu.all_reduce %eq3A_497 {dim = 0 : i64, kind = #tpu.reduction_kind<find_first_set>} : vector<16xi1> -> vector<16xi32>
        %eq3A_499 = arith.cmpf oeq, %select_n3A_483, %broadcast_in_dim3A_496 : vector<16xf32>
        %all_reduce_ffs3A_500 = tpu.all_reduce %eq3A_499 {dim = 0 : i64, kind = #tpu.reduction_kind<find_first_set>} : vector<16xi1> -> vector<16xi32>
        %eq3A_501 = arith.cmpf oeq, %select_n3A_489, %broadcast_in_dim3A_496 : vector<16xf32>
        %all_reduce_ffs3A_502 = tpu.all_reduce %eq3A_501 {dim = 0 : i64, kind = #tpu.reduction_kind<find_first_set>} : vector<16xi1> -> vector<16xi32>
        %lt3A_503 = arith.constant 16 : i32
        %lt3A_504 = vector.broadcast %lt3A_503 : i32 to vector<16xi32>
        %lt3A_505 = arith.cmpi slt, %all_reduce_ffs3A_498, %lt3A_504 : vector<16xi32>
        %lt3A_506 = arith.constant 16 : i32
        %lt3A_507 = vector.broadcast %lt3A_506 : i32 to vector<16xi32>
        %lt3A_508 = arith.cmpi slt, %all_reduce_ffs3A_500, %lt3A_507 : vector<16xi32>
        %add3A_509 = arith.constant 16 : i32
        %add3A_510 = vector.broadcast %add3A_509 : i32 to vector<16xi32>
        %add3A_511 = arith.addi %all_reduce_ffs3A_500, %add3A_510 : vector<16xi32>
        %add3A_512 = arith.constant 32 : i32
        %add3A_513 = vector.broadcast %add3A_512 : i32 to vector<16xi32>
        %add3A_514 = arith.addi %all_reduce_ffs3A_502, %add3A_513 : vector<16xi32>
        %select_n3A_515 = arith.select %lt3A_508, %add3A_511, %add3A_514 : vector<16xi1>, vector<16xi32>
        %select_n3A_516 = arith.select %lt3A_505, %all_reduce_ffs3A_498, %select_n3A_515 : vector<16xi1>, vector<16xi32>
        %mul3A_517 = arith.constant 24 : i32
        %mul3A_518 = vector.broadcast %mul3A_517 : i32 to vector<16xi32>
        %mul3A_519 = arith.muli %broadcast_in_dim3A_35, %mul3A_518 : vector<16xi32>
        %broadcast_in_dim3A_520 = arith.constant 6 : i32
        %broadcast_in_dim3A_521 = vector.broadcast %broadcast_in_dim3A_520 : i32 to vector<16xi32>
        %add3A_522 = arith.addi %mul3A_519, %broadcast_in_dim3A_521 : vector<16xi32>
        tpu.vector_store_idx %arg10[%add3A_522], %select_n3A_516 masked %eq3A_6 : memref<384xi32, #tpu.memory_space<vmem>>[vector<16xi32>], vector<16xi32>, vector<16xi1>
        %mul3A_523 = arith.constant 48 : i32
        %mul3A_524 = vector.broadcast %mul3A_523 : i32 to vector<16xi32>
        %mul3A_525 = arith.muli %broadcast_in_dim3A_35, %mul3A_524 : vector<16xi32>
        %add3A_526 = arith.addi %mul3A_525, %select_n3A_516 : vector<16xi32>
        %gather3A_527 = tpu.vector_load_idx %arg7[%add3A_526] : memref<768xi32, #tpu.memory_space<vmem>>[vector<16xi32>], vector<16xi32>,
        %and3A_528 = arith.constant 255 : i32
        %and3A_529 = vector.broadcast %and3A_528 : i32 to vector<16xi32>
        %and3A_530 = arith.andi %gather3A_527, %and3A_529 : vector<16xi32>
        %shift_right_arithmetic3A_531 = arith.constant 8 : i32
        %shift_right_arithmetic3A_532 = vector.broadcast %shift_right_arithmetic3A_531 : i32 to vector<16xi32>
        %shift_right_arithmetic3A_533 = arith.shrsi %gather3A_527, %shift_right_arithmetic3A_532 : vector<16xi32>
        %shift_left3A_534 = arith.constant 3 : i32
        %shift_left3A_535 = vector.broadcast %shift_left3A_534 : i32 to vector<16xi32>
        %shift_left3A_536 = arith.shli %shift_right_arithmetic3A_533, %shift_left3A_535 : vector<16xi32>
        %shift_left3A_537 = arith.shli %broadcast_in_dim3A_7, %shift_left3A_536 : vector<16xi32>
        tpu.vector_store_idx %arg11[%broadcast_in_dim3A_35, %and3A_530], %shift_left3A_537 masked %eq3A_6 {add = true} : memref<16x256xi32, #tpu.memory_space<vmem>>[vector<16xi32>, vector<16xi32>], vector<16xi32>, vector<16xi1>
        %eq3A_538 = arith.cmpi eq, %select_n3A_516, %iota3A : vector<16xi32>
        %broadcast_in_dim3A_539 = vector.broadcast %scan3A_10 : f32 to vector<16xf32>
        %select_n3A_540 = arith.select %eq3A_538, %broadcast_in_dim3A_539, %select_n3A_477 : vector<16xi1>, vector<16xf32>
        %add3A_541 = arith.constant 16 : i32
        %add3A_542 = vector.broadcast %add3A_541 : i32 to vector<16xi32>
        %add3A_543 = arith.addi %iota3A, %add3A_542 : vector<16xi32>
        %eq3A_544 = arith.cmpi eq, %select_n3A_516, %add3A_543 : vector<16xi32>
        %broadcast_in_dim3A_545 = vector.broadcast %scan3A_10 : f32 to vector<16xf32>
        %select_n3A_546 = arith.select %eq3A_544, %broadcast_in_dim3A_545, %select_n3A_483 : vector<16xi1>, vector<16xf32>
        %add3A_547 = arith.constant 32 : i32
        %add3A_548 = vector.broadcast %add3A_547 : i32 to vector<16xi32>
        %add3A_549 = arith.addi %iota3A, %add3A_548 : vector<16xi32>
        %eq3A_550 = arith.cmpi eq, %select_n3A_516, %add3A_549 : vector<16xi32>
        %broadcast_in_dim3A_551 = vector.broadcast %scan3A_10 : f32 to vector<16xf32>
        %select_n3A_552 = arith.select %eq3A_550, %broadcast_in_dim3A_551, %select_n3A_489 : vector<16xi1>, vector<16xf32>
        %max3A_553 = arith.maximumf %select_n3A_540, %select_n3A_546 : vector<16xf32>
        %max3A_554 = arith.maximumf %max3A_553, %select_n3A_552 : vector<16xf32>
        %reduce_max3A_555 = arith.constant true
        %reduce_max3A_556 = vector.broadcast %reduce_max3A_555 : i1 to vector<16xi1>
        %reduce_max3A_557 = tpu.scan <max>, %max3A_554 masked %reduce_max3A_556 : vector<16xf32>, vector<16xi1> -> vector<16xf32>
        %reduce_max3A_558 = vector.extract %reduce_max3A_557[15] : f32 from vector<16xf32>
        %broadcast_in_dim3A_559 = vector.broadcast %reduce_max3A_558 : f32 to vector<16xf32>
        %eq3A_560 = arith.cmpf oeq, %select_n3A_540, %broadcast_in_dim3A_559 : vector<16xf32>
        %all_reduce_ffs3A_561 = tpu.all_reduce %eq3A_560 {dim = 0 : i64, kind = #tpu.reduction_kind<find_first_set>} : vector<16xi1> -> vector<16xi32>
        %eq3A_562 = arith.cmpf oeq, %select_n3A_546, %broadcast_in_dim3A_559 : vector<16xf32>
        %all_reduce_ffs3A_563 = tpu.all_reduce %eq3A_562 {dim = 0 : i64, kind = #tpu.reduction_kind<find_first_set>} : vector<16xi1> -> vector<16xi32>
        %eq3A_564 = arith.cmpf oeq, %select_n3A_552, %broadcast_in_dim3A_559 : vector<16xf32>
        %all_reduce_ffs3A_565 = tpu.all_reduce %eq3A_564 {dim = 0 : i64, kind = #tpu.reduction_kind<find_first_set>} : vector<16xi1> -> vector<16xi32>
        %lt3A_566 = arith.constant 16 : i32
        %lt3A_567 = vector.broadcast %lt3A_566 : i32 to vector<16xi32>
        %lt3A_568 = arith.cmpi slt, %all_reduce_ffs3A_561, %lt3A_567 : vector<16xi32>
        %lt3A_569 = arith.constant 16 : i32
        %lt3A_570 = vector.broadcast %lt3A_569 : i32 to vector<16xi32>
        %lt3A_571 = arith.cmpi slt, %all_reduce_ffs3A_563, %lt3A_570 : vector<16xi32>
        %add3A_572 = arith.constant 16 : i32
        %add3A_573 = vector.broadcast %add3A_572 : i32 to vector<16xi32>
        %add3A_574 = arith.addi %all_reduce_ffs3A_563, %add3A_573 : vector<16xi32>
        %add3A_575 = arith.constant 32 : i32
        %add3A_576 = vector.broadcast %add3A_575 : i32 to vector<16xi32>
        %add3A_577 = arith.addi %all_reduce_ffs3A_565, %add3A_576 : vector<16xi32>
        %select_n3A_578 = arith.select %lt3A_571, %add3A_574, %add3A_577 : vector<16xi1>, vector<16xi32>
        %select_n3A_579 = arith.select %lt3A_568, %all_reduce_ffs3A_561, %select_n3A_578 : vector<16xi1>, vector<16xi32>
        %mul3A_580 = arith.constant 24 : i32
        %mul3A_581 = vector.broadcast %mul3A_580 : i32 to vector<16xi32>
        %mul3A_582 = arith.muli %broadcast_in_dim3A_35, %mul3A_581 : vector<16xi32>
        %broadcast_in_dim3A_583 = arith.constant 7 : i32
        %broadcast_in_dim3A_584 = vector.broadcast %broadcast_in_dim3A_583 : i32 to vector<16xi32>
        %add3A_585 = arith.addi %mul3A_582, %broadcast_in_dim3A_584 : vector<16xi32>
        tpu.vector_store_idx %arg10[%add3A_585], %select_n3A_579 masked %eq3A_6 : memref<384xi32, #tpu.memory_space<vmem>>[vector<16xi32>], vector<16xi32>, vector<16xi1>
        %mul3A_586 = arith.constant 48 : i32
        %mul3A_587 = vector.broadcast %mul3A_586 : i32 to vector<16xi32>
        %mul3A_588 = arith.muli %broadcast_in_dim3A_35, %mul3A_587 : vector<16xi32>
        %add3A_589 = arith.addi %mul3A_588, %select_n3A_579 : vector<16xi32>
        %gather3A_590 = tpu.vector_load_idx %arg7[%add3A_589] : memref<768xi32, #tpu.memory_space<vmem>>[vector<16xi32>], vector<16xi32>,
        %and3A_591 = arith.constant 255 : i32
        %and3A_592 = vector.broadcast %and3A_591 : i32 to vector<16xi32>
        %and3A_593 = arith.andi %gather3A_590, %and3A_592 : vector<16xi32>
        %shift_right_arithmetic3A_594 = arith.constant 8 : i32
        %shift_right_arithmetic3A_595 = vector.broadcast %shift_right_arithmetic3A_594 : i32 to vector<16xi32>
        %shift_right_arithmetic3A_596 = arith.shrsi %gather3A_590, %shift_right_arithmetic3A_595 : vector<16xi32>
        %shift_left3A_597 = arith.constant 3 : i32
        %shift_left3A_598 = vector.broadcast %shift_left3A_597 : i32 to vector<16xi32>
        %shift_left3A_599 = arith.shli %shift_right_arithmetic3A_596, %shift_left3A_598 : vector<16xi32>
        %shift_left3A_600 = arith.shli %broadcast_in_dim3A_7, %shift_left3A_599 : vector<16xi32>
        tpu.vector_store_idx %arg11[%broadcast_in_dim3A_35, %and3A_593], %shift_left3A_600 masked %eq3A_6 {add = true} : memref<16x256xi32, #tpu.memory_space<vmem>>[vector<16xi32>, vector<16xi32>], vector<16xi32>, vector<16xi1>
        %eq3A_601 = arith.cmpi eq, %select_n3A_579, %iota3A : vector<16xi32>
        %broadcast_in_dim3A_602 = vector.broadcast %scan3A_10 : f32 to vector<16xf32>
        %select_n3A_603 = arith.select %eq3A_601, %broadcast_in_dim3A_602, %select_n3A_540 : vector<16xi1>, vector<16xf32>
        %add3A_604 = arith.constant 16 : i32
        %add3A_605 = vector.broadcast %add3A_604 : i32 to vector<16xi32>
        %add3A_606 = arith.addi %iota3A, %add3A_605 : vector<16xi32>
        %eq3A_607 = arith.cmpi eq, %select_n3A_579, %add3A_606 : vector<16xi32>
        %broadcast_in_dim3A_608 = vector.broadcast %scan3A_10 : f32 to vector<16xf32>
        %select_n3A_609 = arith.select %eq3A_607, %broadcast_in_dim3A_608, %select_n3A_546 : vector<16xi1>, vector<16xf32>
        %add3A_610 = arith.constant 32 : i32
        %add3A_611 = vector.broadcast %add3A_610 : i32 to vector<16xi32>
        %add3A_612 = arith.addi %iota3A, %add3A_611 : vector<16xi32>
        %eq3A_613 = arith.cmpi eq, %select_n3A_579, %add3A_612 : vector<16xi32>
        %broadcast_in_dim3A_614 = vector.broadcast %scan3A_10 : f32 to vector<16xf32>
        %select_n3A_615 = arith.select %eq3A_613, %broadcast_in_dim3A_614, %select_n3A_552 : vector<16xi1>, vector<16xf32>
        %max3A_616 = arith.maximumf %select_n3A_603, %select_n3A_609 : vector<16xf32>
        %max3A_617 = arith.maximumf %max3A_616, %select_n3A_615 : vector<16xf32>
        %reduce_max3A_618 = arith.constant true
        %reduce_max3A_619 = vector.broadcast %reduce_max3A_618 : i1 to vector<16xi1>
        %reduce_max3A_620 = tpu.scan <max>, %max3A_617 masked %reduce_max3A_619 : vector<16xf32>, vector<16xi1> -> vector<16xf32>
        %reduce_max3A_621 = vector.extract %reduce_max3A_620[15] : f32 from vector<16xf32>
        %broadcast_in_dim3A_622 = vector.broadcast %reduce_max3A_621 : f32 to vector<16xf32>
        %eq3A_623 = arith.cmpf oeq, %select_n3A_603, %broadcast_in_dim3A_622 : vector<16xf32>
        %all_reduce_ffs3A_624 = tpu.all_reduce %eq3A_623 {dim = 0 : i64, kind = #tpu.reduction_kind<find_first_set>} : vector<16xi1> -> vector<16xi32>
        %eq3A_625 = arith.cmpf oeq, %select_n3A_609, %broadcast_in_dim3A_622 : vector<16xf32>
        %all_reduce_ffs3A_626 = tpu.all_reduce %eq3A_625 {dim = 0 : i64, kind = #tpu.reduction_kind<find_first_set>} : vector<16xi1> -> vector<16xi32>
        %eq3A_627 = arith.cmpf oeq, %select_n3A_615, %broadcast_in_dim3A_622 : vector<16xf32>
        %all_reduce_ffs3A_628 = tpu.all_reduce %eq3A_627 {dim = 0 : i64, kind = #tpu.reduction_kind<find_first_set>} : vector<16xi1> -> vector<16xi32>
        %lt3A_629 = arith.constant 16 : i32
        %lt3A_630 = vector.broadcast %lt3A_629 : i32 to vector<16xi32>
        %lt3A_631 = arith.cmpi slt, %all_reduce_ffs3A_624, %lt3A_630 : vector<16xi32>
        %lt3A_632 = arith.constant 16 : i32
        %lt3A_633 = vector.broadcast %lt3A_632 : i32 to vector<16xi32>
        %lt3A_634 = arith.cmpi slt, %all_reduce_ffs3A_626, %lt3A_633 : vector<16xi32>
        %add3A_635 = arith.constant 16 : i32
        %add3A_636 = vector.broadcast %add3A_635 : i32 to vector<16xi32>
        %add3A_637 = arith.addi %all_reduce_ffs3A_626, %add3A_636 : vector<16xi32>
        %add3A_638 = arith.constant 32 : i32
        %add3A_639 = vector.broadcast %add3A_638 : i32 to vector<16xi32>
        %add3A_640 = arith.addi %all_reduce_ffs3A_628, %add3A_639 : vector<16xi32>
        %select_n3A_641 = arith.select %lt3A_634, %add3A_637, %add3A_640 : vector<16xi1>, vector<16xi32>
        %select_n3A_642 = arith.select %lt3A_631, %all_reduce_ffs3A_624, %select_n3A_641 : vector<16xi1>, vector<16xi32>
        %mul3A_643 = arith.constant 24 : i32
        %mul3A_644 = vector.broadcast %mul3A_643 : i32 to vector<16xi32>
        %mul3A_645 = arith.muli %broadcast_in_dim3A_35, %mul3A_644 : vector<16xi32>
        %broadcast_in_dim3A_646 = arith.constant 8 : i32
        %broadcast_in_dim3A_647 = vector.broadcast %broadcast_in_dim3A_646 : i32 to vector<16xi32>
        %add3A_648 = arith.addi %mul3A_645, %broadcast_in_dim3A_647 : vector<16xi32>
        tpu.vector_store_idx %arg10[%add3A_648], %select_n3A_642 masked %eq3A_6 : memref<384xi32, #tpu.memory_space<vmem>>[vector<16xi32>], vector<16xi32>, vector<16xi1>
        %mul3A_649 = arith.constant 48 : i32
        %mul3A_650 = vector.broadcast %mul3A_649 : i32 to vector<16xi32>
        %mul3A_651 = arith.muli %broadcast_in_dim3A_35, %mul3A_650 : vector<16xi32>
        %add3A_652 = arith.addi %mul3A_651, %select_n3A_642 : vector<16xi32>
        %gather3A_653 = tpu.vector_load_idx %arg7[%add3A_652] : memref<768xi32, #tpu.memory_space<vmem>>[vector<16xi32>], vector<16xi32>,
        %and3A_654 = arith.constant 255 : i32
        %and3A_655 = vector.broadcast %and3A_654 : i32 to vector<16xi32>
        %and3A_656 = arith.andi %gather3A_653, %and3A_655 : vector<16xi32>
        %shift_right_arithmetic3A_657 = arith.constant 8 : i32
        %shift_right_arithmetic3A_658 = vector.broadcast %shift_right_arithmetic3A_657 : i32 to vector<16xi32>
        %shift_right_arithmetic3A_659 = arith.shrsi %gather3A_653, %shift_right_arithmetic3A_658 : vector<16xi32>
        %shift_left3A_660 = arith.constant 3 : i32
        %shift_left3A_661 = vector.broadcast %shift_left3A_660 : i32 to vector<16xi32>
        %shift_left3A_662 = arith.shli %shift_right_arithmetic3A_659, %shift_left3A_661 : vector<16xi32>
        %shift_left3A_663 = arith.shli %broadcast_in_dim3A_7, %shift_left3A_662 : vector<16xi32>
        tpu.vector_store_idx %arg11[%broadcast_in_dim3A_35, %and3A_656], %shift_left3A_663 masked %eq3A_6 {add = true} : memref<16x256xi32, #tpu.memory_space<vmem>>[vector<16xi32>, vector<16xi32>], vector<16xi32>, vector<16xi1>
        %eq3A_664 = arith.cmpi eq, %select_n3A_642, %iota3A : vector<16xi32>
        %broadcast_in_dim3A_665 = vector.broadcast %scan3A_10 : f32 to vector<16xf32>
        %select_n3A_666 = arith.select %eq3A_664, %broadcast_in_dim3A_665, %select_n3A_603 : vector<16xi1>, vector<16xf32>
        %add3A_667 = arith.constant 16 : i32
        %add3A_668 = vector.broadcast %add3A_667 : i32 to vector<16xi32>
        %add3A_669 = arith.addi %iota3A, %add3A_668 : vector<16xi32>
        %eq3A_670 = arith.cmpi eq, %select_n3A_642, %add3A_669 : vector<16xi32>
        %broadcast_in_dim3A_671 = vector.broadcast %scan3A_10 : f32 to vector<16xf32>
        %select_n3A_672 = arith.select %eq3A_670, %broadcast_in_dim3A_671, %select_n3A_609 : vector<16xi1>, vector<16xf32>
        %add3A_673 = arith.constant 32 : i32
        %add3A_674 = vector.broadcast %add3A_673 : i32 to vector<16xi32>
        %add3A_675 = arith.addi %iota3A, %add3A_674 : vector<16xi32>
        %eq3A_676 = arith.cmpi eq, %select_n3A_642, %add3A_675 : vector<16xi32>
        %broadcast_in_dim3A_677 = vector.broadcast %scan3A_10 : f32 to vector<16xf32>
        %select_n3A_678 = arith.select %eq3A_676, %broadcast_in_dim3A_677, %select_n3A_615 : vector<16xi1>, vector<16xf32>
        %max3A_679 = arith.maximumf %select_n3A_666, %select_n3A_672 : vector<16xf32>
        %max3A_680 = arith.maximumf %max3A_679, %select_n3A_678 : vector<16xf32>
        %reduce_max3A_681 = arith.constant true
        %reduce_max3A_682 = vector.broadcast %reduce_max3A_681 : i1 to vector<16xi1>
        %reduce_max3A_683 = tpu.scan <max>, %max3A_680 masked %reduce_max3A_682 : vector<16xf32>, vector<16xi1> -> vector<16xf32>
        %reduce_max3A_684 = vector.extract %reduce_max3A_683[15] : f32 from vector<16xf32>
        %broadcast_in_dim3A_685 = vector.broadcast %reduce_max3A_684 : f32 to vector<16xf32>
        %eq3A_686 = arith.cmpf oeq, %select_n3A_666, %broadcast_in_dim3A_685 : vector<16xf32>
        %all_reduce_ffs3A_687 = tpu.all_reduce %eq3A_686 {dim = 0 : i64, kind = #tpu.reduction_kind<find_first_set>} : vector<16xi1> -> vector<16xi32>
        %eq3A_688 = arith.cmpf oeq, %select_n3A_672, %broadcast_in_dim3A_685 : vector<16xf32>
        %all_reduce_ffs3A_689 = tpu.all_reduce %eq3A_688 {dim = 0 : i64, kind = #tpu.reduction_kind<find_first_set>} : vector<16xi1> -> vector<16xi32>
        %eq3A_690 = arith.cmpf oeq, %select_n3A_678, %broadcast_in_dim3A_685 : vector<16xf32>
        %all_reduce_ffs3A_691 = tpu.all_reduce %eq3A_690 {dim = 0 : i64, kind = #tpu.reduction_kind<find_first_set>} : vector<16xi1> -> vector<16xi32>
        %lt3A_692 = arith.constant 16 : i32
        %lt3A_693 = vector.broadcast %lt3A_692 : i32 to vector<16xi32>
        %lt3A_694 = arith.cmpi slt, %all_reduce_ffs3A_687, %lt3A_693 : vector<16xi32>
        %lt3A_695 = arith.constant 16 : i32
        %lt3A_696 = vector.broadcast %lt3A_695 : i32 to vector<16xi32>
        %lt3A_697 = arith.cmpi slt, %all_reduce_ffs3A_689, %lt3A_696 : vector<16xi32>
        %add3A_698 = arith.constant 16 : i32
        %add3A_699 = vector.broadcast %add3A_698 : i32 to vector<16xi32>
        %add3A_700 = arith.addi %all_reduce_ffs3A_689, %add3A_699 : vector<16xi32>
        %add3A_701 = arith.constant 32 : i32
        %add3A_702 = vector.broadcast %add3A_701 : i32 to vector<16xi32>
        %add3A_703 = arith.addi %all_reduce_ffs3A_691, %add3A_702 : vector<16xi32>
        %select_n3A_704 = arith.select %lt3A_697, %add3A_700, %add3A_703 : vector<16xi1>, vector<16xi32>
        %select_n3A_705 = arith.select %lt3A_694, %all_reduce_ffs3A_687, %select_n3A_704 : vector<16xi1>, vector<16xi32>
        %mul3A_706 = arith.constant 24 : i32
        %mul3A_707 = vector.broadcast %mul3A_706 : i32 to vector<16xi32>
        %mul3A_708 = arith.muli %broadcast_in_dim3A_35, %mul3A_707 : vector<16xi32>
        %broadcast_in_dim3A_709 = arith.constant 9 : i32
        %broadcast_in_dim3A_710 = vector.broadcast %broadcast_in_dim3A_709 : i32 to vector<16xi32>
        %add3A_711 = arith.addi %mul3A_708, %broadcast_in_dim3A_710 : vector<16xi32>
        tpu.vector_store_idx %arg10[%add3A_711], %select_n3A_705 masked %eq3A_6 : memref<384xi32, #tpu.memory_space<vmem>>[vector<16xi32>], vector<16xi32>, vector<16xi1>
        %mul3A_712 = arith.constant 48 : i32
        %mul3A_713 = vector.broadcast %mul3A_712 : i32 to vector<16xi32>
        %mul3A_714 = arith.muli %broadcast_in_dim3A_35, %mul3A_713 : vector<16xi32>
        %add3A_715 = arith.addi %mul3A_714, %select_n3A_705 : vector<16xi32>
        %gather3A_716 = tpu.vector_load_idx %arg7[%add3A_715] : memref<768xi32, #tpu.memory_space<vmem>>[vector<16xi32>], vector<16xi32>,
        %and3A_717 = arith.constant 255 : i32
        %and3A_718 = vector.broadcast %and3A_717 : i32 to vector<16xi32>
        %and3A_719 = arith.andi %gather3A_716, %and3A_718 : vector<16xi32>
        %shift_right_arithmetic3A_720 = arith.constant 8 : i32
        %shift_right_arithmetic3A_721 = vector.broadcast %shift_right_arithmetic3A_720 : i32 to vector<16xi32>
        %shift_right_arithmetic3A_722 = arith.shrsi %gather3A_716, %shift_right_arithmetic3A_721 : vector<16xi32>
        %shift_left3A_723 = arith.constant 3 : i32
        %shift_left3A_724 = vector.broadcast %shift_left3A_723 : i32 to vector<16xi32>
        %shift_left3A_725 = arith.shli %shift_right_arithmetic3A_722, %shift_left3A_724 : vector<16xi32>
        %shift_left3A_726 = arith.shli %broadcast_in_dim3A_7, %shift_left3A_725 : vector<16xi32>
        tpu.vector_store_idx %arg11[%broadcast_in_dim3A_35, %and3A_719], %shift_left3A_726 masked %eq3A_6 {add = true} : memref<16x256xi32, #tpu.memory_space<vmem>>[vector<16xi32>, vector<16xi32>], vector<16xi32>, vector<16xi1>
        %eq3A_727 = arith.cmpi eq, %select_n3A_705, %iota3A : vector<16xi32>
        %broadcast_in_dim3A_728 = vector.broadcast %scan3A_10 : f32 to vector<16xf32>
        %select_n3A_729 = arith.select %eq3A_727, %broadcast_in_dim3A_728, %select_n3A_666 : vector<16xi1>, vector<16xf32>
        %add3A_730 = arith.constant 16 : i32
        %add3A_731 = vector.broadcast %add3A_730 : i32 to vector<16xi32>
        %add3A_732 = arith.addi %iota3A, %add3A_731 : vector<16xi32>
        %eq3A_733 = arith.cmpi eq, %select_n3A_705, %add3A_732 : vector<16xi32>
        %broadcast_in_dim3A_734 = vector.broadcast %scan3A_10 : f32 to vector<16xf32>
        %select_n3A_735 = arith.select %eq3A_733, %broadcast_in_dim3A_734, %select_n3A_672 : vector<16xi1>, vector<16xf32>
        %add3A_736 = arith.constant 32 : i32
        %add3A_737 = vector.broadcast %add3A_736 : i32 to vector<16xi32>
        %add3A_738 = arith.addi %iota3A, %add3A_737 : vector<16xi32>
        %eq3A_739 = arith.cmpi eq, %select_n3A_705, %add3A_738 : vector<16xi32>
        %broadcast_in_dim3A_740 = vector.broadcast %scan3A_10 : f32 to vector<16xf32>
        %select_n3A_741 = arith.select %eq3A_739, %broadcast_in_dim3A_740, %select_n3A_678 : vector<16xi1>, vector<16xf32>
        %max3A_742 = arith.maximumf %select_n3A_729, %select_n3A_735 : vector<16xf32>
        %max3A_743 = arith.maximumf %max3A_742, %select_n3A_741 : vector<16xf32>
        %reduce_max3A_744 = arith.constant true
        %reduce_max3A_745 = vector.broadcast %reduce_max3A_744 : i1 to vector<16xi1>
        %reduce_max3A_746 = tpu.scan <max>, %max3A_743 masked %reduce_max3A_745 : vector<16xf32>, vector<16xi1> -> vector<16xf32>
        %reduce_max3A_747 = vector.extract %reduce_max3A_746[15] : f32 from vector<16xf32>
        %broadcast_in_dim3A_748 = vector.broadcast %reduce_max3A_747 : f32 to vector<16xf32>
        %eq3A_749 = arith.cmpf oeq, %select_n3A_729, %broadcast_in_dim3A_748 : vector<16xf32>
        %all_reduce_ffs3A_750 = tpu.all_reduce %eq3A_749 {dim = 0 : i64, kind = #tpu.reduction_kind<find_first_set>} : vector<16xi1> -> vector<16xi32>
        %eq3A_751 = arith.cmpf oeq, %select_n3A_735, %broadcast_in_dim3A_748 : vector<16xf32>
        %all_reduce_ffs3A_752 = tpu.all_reduce %eq3A_751 {dim = 0 : i64, kind = #tpu.reduction_kind<find_first_set>} : vector<16xi1> -> vector<16xi32>
        %eq3A_753 = arith.cmpf oeq, %select_n3A_741, %broadcast_in_dim3A_748 : vector<16xf32>
        %all_reduce_ffs3A_754 = tpu.all_reduce %eq3A_753 {dim = 0 : i64, kind = #tpu.reduction_kind<find_first_set>} : vector<16xi1> -> vector<16xi32>
        %lt3A_755 = arith.constant 16 : i32
        %lt3A_756 = vector.broadcast %lt3A_755 : i32 to vector<16xi32>
        %lt3A_757 = arith.cmpi slt, %all_reduce_ffs3A_750, %lt3A_756 : vector<16xi32>
        %lt3A_758 = arith.constant 16 : i32
        %lt3A_759 = vector.broadcast %lt3A_758 : i32 to vector<16xi32>
        %lt3A_760 = arith.cmpi slt, %all_reduce_ffs3A_752, %lt3A_759 : vector<16xi32>
        %add3A_761 = arith.constant 16 : i32
        %add3A_762 = vector.broadcast %add3A_761 : i32 to vector<16xi32>
        %add3A_763 = arith.addi %all_reduce_ffs3A_752, %add3A_762 : vector<16xi32>
        %add3A_764 = arith.constant 32 : i32
        %add3A_765 = vector.broadcast %add3A_764 : i32 to vector<16xi32>
        %add3A_766 = arith.addi %all_reduce_ffs3A_754, %add3A_765 : vector<16xi32>
        %select_n3A_767 = arith.select %lt3A_760, %add3A_763, %add3A_766 : vector<16xi1>, vector<16xi32>
        %select_n3A_768 = arith.select %lt3A_757, %all_reduce_ffs3A_750, %select_n3A_767 : vector<16xi1>, vector<16xi32>
        %mul3A_769 = arith.constant 24 : i32
        %mul3A_770 = vector.broadcast %mul3A_769 : i32 to vector<16xi32>
        %mul3A_771 = arith.muli %broadcast_in_dim3A_35, %mul3A_770 : vector<16xi32>
        %broadcast_in_dim3A_772 = arith.constant 10 : i32
        %broadcast_in_dim3A_773 = vector.broadcast %broadcast_in_dim3A_772 : i32 to vector<16xi32>
        %add3A_774 = arith.addi %mul3A_771, %broadcast_in_dim3A_773 : vector<16xi32>
        tpu.vector_store_idx %arg10[%add3A_774], %select_n3A_768 masked %eq3A_6 : memref<384xi32, #tpu.memory_space<vmem>>[vector<16xi32>], vector<16xi32>, vector<16xi1>
        %mul3A_775 = arith.constant 48 : i32
        %mul3A_776 = vector.broadcast %mul3A_775 : i32 to vector<16xi32>
        %mul3A_777 = arith.muli %broadcast_in_dim3A_35, %mul3A_776 : vector<16xi32>
        %add3A_778 = arith.addi %mul3A_777, %select_n3A_768 : vector<16xi32>
        %gather3A_779 = tpu.vector_load_idx %arg7[%add3A_778] : memref<768xi32, #tpu.memory_space<vmem>>[vector<16xi32>], vector<16xi32>,
        %and3A_780 = arith.constant 255 : i32
        %and3A_781 = vector.broadcast %and3A_780 : i32 to vector<16xi32>
        %and3A_782 = arith.andi %gather3A_779, %and3A_781 : vector<16xi32>
        %shift_right_arithmetic3A_783 = arith.constant 8 : i32
        %shift_right_arithmetic3A_784 = vector.broadcast %shift_right_arithmetic3A_783 : i32 to vector<16xi32>
        %shift_right_arithmetic3A_785 = arith.shrsi %gather3A_779, %shift_right_arithmetic3A_784 : vector<16xi32>
        %shift_left3A_786 = arith.constant 3 : i32
        %shift_left3A_787 = vector.broadcast %shift_left3A_786 : i32 to vector<16xi32>
        %shift_left3A_788 = arith.shli %shift_right_arithmetic3A_785, %shift_left3A_787 : vector<16xi32>
        %shift_left3A_789 = arith.shli %broadcast_in_dim3A_7, %shift_left3A_788 : vector<16xi32>
        tpu.vector_store_idx %arg11[%broadcast_in_dim3A_35, %and3A_782], %shift_left3A_789 masked %eq3A_6 {add = true} : memref<16x256xi32, #tpu.memory_space<vmem>>[vector<16xi32>, vector<16xi32>], vector<16xi32>, vector<16xi1>
        %eq3A_790 = arith.cmpi eq, %select_n3A_768, %iota3A : vector<16xi32>
        %broadcast_in_dim3A_791 = vector.broadcast %scan3A_10 : f32 to vector<16xf32>
        %select_n3A_792 = arith.select %eq3A_790, %broadcast_in_dim3A_791, %select_n3A_729 : vector<16xi1>, vector<16xf32>
        %add3A_793 = arith.constant 16 : i32
        %add3A_794 = vector.broadcast %add3A_793 : i32 to vector<16xi32>
        %add3A_795 = arith.addi %iota3A, %add3A_794 : vector<16xi32>
        %eq3A_796 = arith.cmpi eq, %select_n3A_768, %add3A_795 : vector<16xi32>
        %broadcast_in_dim3A_797 = vector.broadcast %scan3A_10 : f32 to vector<16xf32>
        %select_n3A_798 = arith.select %eq3A_796, %broadcast_in_dim3A_797, %select_n3A_735 : vector<16xi1>, vector<16xf32>
        %add3A_799 = arith.constant 32 : i32
        %add3A_800 = vector.broadcast %add3A_799 : i32 to vector<16xi32>
        %add3A_801 = arith.addi %iota3A, %add3A_800 : vector<16xi32>
        %eq3A_802 = arith.cmpi eq, %select_n3A_768, %add3A_801 : vector<16xi32>
        %broadcast_in_dim3A_803 = vector.broadcast %scan3A_10 : f32 to vector<16xf32>
        %select_n3A_804 = arith.select %eq3A_802, %broadcast_in_dim3A_803, %select_n3A_741 : vector<16xi1>, vector<16xf32>
        %max3A_805 = arith.maximumf %select_n3A_792, %select_n3A_798 : vector<16xf32>
        %max3A_806 = arith.maximumf %max3A_805, %select_n3A_804 : vector<16xf32>
        %reduce_max3A_807 = arith.constant true
        %reduce_max3A_808 = vector.broadcast %reduce_max3A_807 : i1 to vector<16xi1>
        %reduce_max3A_809 = tpu.scan <max>, %max3A_806 masked %reduce_max3A_808 : vector<16xf32>, vector<16xi1> -> vector<16xf32>
        %reduce_max3A_810 = vector.extract %reduce_max3A_809[15] : f32 from vector<16xf32>
        %broadcast_in_dim3A_811 = vector.broadcast %reduce_max3A_810 : f32 to vector<16xf32>
        %eq3A_812 = arith.cmpf oeq, %select_n3A_792, %broadcast_in_dim3A_811 : vector<16xf32>
        %all_reduce_ffs3A_813 = tpu.all_reduce %eq3A_812 {dim = 0 : i64, kind = #tpu.reduction_kind<find_first_set>} : vector<16xi1> -> vector<16xi32>
        %eq3A_814 = arith.cmpf oeq, %select_n3A_798, %broadcast_in_dim3A_811 : vector<16xf32>
        %all_reduce_ffs3A_815 = tpu.all_reduce %eq3A_814 {dim = 0 : i64, kind = #tpu.reduction_kind<find_first_set>} : vector<16xi1> -> vector<16xi32>
        %eq3A_816 = arith.cmpf oeq, %select_n3A_804, %broadcast_in_dim3A_811 : vector<16xf32>
        %all_reduce_ffs3A_817 = tpu.all_reduce %eq3A_816 {dim = 0 : i64, kind = #tpu.reduction_kind<find_first_set>} : vector<16xi1> -> vector<16xi32>
        %lt3A_818 = arith.constant 16 : i32
        %lt3A_819 = vector.broadcast %lt3A_818 : i32 to vector<16xi32>
        %lt3A_820 = arith.cmpi slt, %all_reduce_ffs3A_813, %lt3A_819 : vector<16xi32>
        %lt3A_821 = arith.constant 16 : i32
        %lt3A_822 = vector.broadcast %lt3A_821 : i32 to vector<16xi32>
        %lt3A_823 = arith.cmpi slt, %all_reduce_ffs3A_815, %lt3A_822 : vector<16xi32>
        %add3A_824 = arith.constant 16 : i32
        %add3A_825 = vector.broadcast %add3A_824 : i32 to vector<16xi32>
        %add3A_826 = arith.addi %all_reduce_ffs3A_815, %add3A_825 : vector<16xi32>
        %add3A_827 = arith.constant 32 : i32
        %add3A_828 = vector.broadcast %add3A_827 : i32 to vector<16xi32>
        %add3A_829 = arith.addi %all_reduce_ffs3A_817, %add3A_828 : vector<16xi32>
        %select_n3A_830 = arith.select %lt3A_823, %add3A_826, %add3A_829 : vector<16xi1>, vector<16xi32>
        %select_n3A_831 = arith.select %lt3A_820, %all_reduce_ffs3A_813, %select_n3A_830 : vector<16xi1>, vector<16xi32>
        %mul3A_832 = arith.constant 24 : i32
        %mul3A_833 = vector.broadcast %mul3A_832 : i32 to vector<16xi32>
        %mul3A_834 = arith.muli %broadcast_in_dim3A_35, %mul3A_833 : vector<16xi32>
        %broadcast_in_dim3A_835 = arith.constant 11 : i32
        %broadcast_in_dim3A_836 = vector.broadcast %broadcast_in_dim3A_835 : i32 to vector<16xi32>
        %add3A_837 = arith.addi %mul3A_834, %broadcast_in_dim3A_836 : vector<16xi32>
        tpu.vector_store_idx %arg10[%add3A_837], %select_n3A_831 masked %eq3A_6 : memref<384xi32, #tpu.memory_space<vmem>>[vector<16xi32>], vector<16xi32>, vector<16xi1>
        %mul3A_838 = arith.constant 48 : i32
        %mul3A_839 = vector.broadcast %mul3A_838 : i32 to vector<16xi32>
        %mul3A_840 = arith.muli %broadcast_in_dim3A_35, %mul3A_839 : vector<16xi32>
        %add3A_841 = arith.addi %mul3A_840, %select_n3A_831 : vector<16xi32>
        %gather3A_842 = tpu.vector_load_idx %arg7[%add3A_841] : memref<768xi32, #tpu.memory_space<vmem>>[vector<16xi32>], vector<16xi32>,
        %and3A_843 = arith.constant 255 : i32
        %and3A_844 = vector.broadcast %and3A_843 : i32 to vector<16xi32>
        %and3A_845 = arith.andi %gather3A_842, %and3A_844 : vector<16xi32>
        %shift_right_arithmetic3A_846 = arith.constant 8 : i32
        %shift_right_arithmetic3A_847 = vector.broadcast %shift_right_arithmetic3A_846 : i32 to vector<16xi32>
        %shift_right_arithmetic3A_848 = arith.shrsi %gather3A_842, %shift_right_arithmetic3A_847 : vector<16xi32>
        %shift_left3A_849 = arith.constant 3 : i32
        %shift_left3A_850 = vector.broadcast %shift_left3A_849 : i32 to vector<16xi32>
        %shift_left3A_851 = arith.shli %shift_right_arithmetic3A_848, %shift_left3A_850 : vector<16xi32>
        %shift_left3A_852 = arith.shli %broadcast_in_dim3A_7, %shift_left3A_851 : vector<16xi32>
        tpu.vector_store_idx %arg11[%broadcast_in_dim3A_35, %and3A_845], %shift_left3A_852 masked %eq3A_6 {add = true} : memref<16x256xi32, #tpu.memory_space<vmem>>[vector<16xi32>, vector<16xi32>], vector<16xi32>, vector<16xi1>
        %eq3A_853 = arith.cmpi eq, %select_n3A_831, %iota3A : vector<16xi32>
        %broadcast_in_dim3A_854 = vector.broadcast %scan3A_10 : f32 to vector<16xf32>
        %select_n3A_855 = arith.select %eq3A_853, %broadcast_in_dim3A_854, %select_n3A_792 : vector<16xi1>, vector<16xf32>
        %add3A_856 = arith.constant 16 : i32
        %add3A_857 = vector.broadcast %add3A_856 : i32 to vector<16xi32>
        %add3A_858 = arith.addi %iota3A, %add3A_857 : vector<16xi32>
        %eq3A_859 = arith.cmpi eq, %select_n3A_831, %add3A_858 : vector<16xi32>
        %broadcast_in_dim3A_860 = vector.broadcast %scan3A_10 : f32 to vector<16xf32>
        %select_n3A_861 = arith.select %eq3A_859, %broadcast_in_dim3A_860, %select_n3A_798 : vector<16xi1>, vector<16xf32>
        %add3A_862 = arith.constant 32 : i32
        %add3A_863 = vector.broadcast %add3A_862 : i32 to vector<16xi32>
        %add3A_864 = arith.addi %iota3A, %add3A_863 : vector<16xi32>
        %eq3A_865 = arith.cmpi eq, %select_n3A_831, %add3A_864 : vector<16xi32>
        %broadcast_in_dim3A_866 = vector.broadcast %scan3A_10 : f32 to vector<16xf32>
        %select_n3A_867 = arith.select %eq3A_865, %broadcast_in_dim3A_866, %select_n3A_804 : vector<16xi1>, vector<16xf32>
        %max3A_868 = arith.maximumf %select_n3A_855, %select_n3A_861 : vector<16xf32>
        %max3A_869 = arith.maximumf %max3A_868, %select_n3A_867 : vector<16xf32>
        %reduce_max3A_870 = arith.constant true
        %reduce_max3A_871 = vector.broadcast %reduce_max3A_870 : i1 to vector<16xi1>
        %reduce_max3A_872 = tpu.scan <max>, %max3A_869 masked %reduce_max3A_871 : vector<16xf32>, vector<16xi1> -> vector<16xf32>
        %reduce_max3A_873 = vector.extract %reduce_max3A_872[15] : f32 from vector<16xf32>
        %broadcast_in_dim3A_874 = vector.broadcast %reduce_max3A_873 : f32 to vector<16xf32>
        %eq3A_875 = arith.cmpf oeq, %select_n3A_855, %broadcast_in_dim3A_874 : vector<16xf32>
        %all_reduce_ffs3A_876 = tpu.all_reduce %eq3A_875 {dim = 0 : i64, kind = #tpu.reduction_kind<find_first_set>} : vector<16xi1> -> vector<16xi32>
        %eq3A_877 = arith.cmpf oeq, %select_n3A_861, %broadcast_in_dim3A_874 : vector<16xf32>
        %all_reduce_ffs3A_878 = tpu.all_reduce %eq3A_877 {dim = 0 : i64, kind = #tpu.reduction_kind<find_first_set>} : vector<16xi1> -> vector<16xi32>
        %eq3A_879 = arith.cmpf oeq, %select_n3A_867, %broadcast_in_dim3A_874 : vector<16xf32>
        %all_reduce_ffs3A_880 = tpu.all_reduce %eq3A_879 {dim = 0 : i64, kind = #tpu.reduction_kind<find_first_set>} : vector<16xi1> -> vector<16xi32>
        %lt3A_881 = arith.constant 16 : i32
        %lt3A_882 = vector.broadcast %lt3A_881 : i32 to vector<16xi32>
        %lt3A_883 = arith.cmpi slt, %all_reduce_ffs3A_876, %lt3A_882 : vector<16xi32>
        %lt3A_884 = arith.constant 16 : i32
        %lt3A_885 = vector.broadcast %lt3A_884 : i32 to vector<16xi32>
        %lt3A_886 = arith.cmpi slt, %all_reduce_ffs3A_878, %lt3A_885 : vector<16xi32>
        %add3A_887 = arith.constant 16 : i32
        %add3A_888 = vector.broadcast %add3A_887 : i32 to vector<16xi32>
        %add3A_889 = arith.addi %all_reduce_ffs3A_878, %add3A_888 : vector<16xi32>
        %add3A_890 = arith.constant 32 : i32
        %add3A_891 = vector.broadcast %add3A_890 : i32 to vector<16xi32>
        %add3A_892 = arith.addi %all_reduce_ffs3A_880, %add3A_891 : vector<16xi32>
        %select_n3A_893 = arith.select %lt3A_886, %add3A_889, %add3A_892 : vector<16xi1>, vector<16xi32>
        %select_n3A_894 = arith.select %lt3A_883, %all_reduce_ffs3A_876, %select_n3A_893 : vector<16xi1>, vector<16xi32>
        %mul3A_895 = arith.constant 24 : i32
        %mul3A_896 = vector.broadcast %mul3A_895 : i32 to vector<16xi32>
        %mul3A_897 = arith.muli %broadcast_in_dim3A_35, %mul3A_896 : vector<16xi32>
        %broadcast_in_dim3A_898 = arith.constant 12 : i32
        %broadcast_in_dim3A_899 = vector.broadcast %broadcast_in_dim3A_898 : i32 to vector<16xi32>
        %add3A_900 = arith.addi %mul3A_897, %broadcast_in_dim3A_899 : vector<16xi32>
        tpu.vector_store_idx %arg10[%add3A_900], %select_n3A_894 masked %eq3A_6 : memref<384xi32, #tpu.memory_space<vmem>>[vector<16xi32>], vector<16xi32>, vector<16xi1>
        %mul3A_901 = arith.constant 48 : i32
        %mul3A_902 = vector.broadcast %mul3A_901 : i32 to vector<16xi32>
        %mul3A_903 = arith.muli %broadcast_in_dim3A_35, %mul3A_902 : vector<16xi32>
        %add3A_904 = arith.addi %mul3A_903, %select_n3A_894 : vector<16xi32>
        %gather3A_905 = tpu.vector_load_idx %arg7[%add3A_904] : memref<768xi32, #tpu.memory_space<vmem>>[vector<16xi32>], vector<16xi32>,
        %and3A_906 = arith.constant 255 : i32
        %and3A_907 = vector.broadcast %and3A_906 : i32 to vector<16xi32>
        %and3A_908 = arith.andi %gather3A_905, %and3A_907 : vector<16xi32>
        %shift_right_arithmetic3A_909 = arith.constant 8 : i32
        %shift_right_arithmetic3A_910 = vector.broadcast %shift_right_arithmetic3A_909 : i32 to vector<16xi32>
        %shift_right_arithmetic3A_911 = arith.shrsi %gather3A_905, %shift_right_arithmetic3A_910 : vector<16xi32>
        %shift_left3A_912 = arith.constant 3 : i32
        %shift_left3A_913 = vector.broadcast %shift_left3A_912 : i32 to vector<16xi32>
        %shift_left3A_914 = arith.shli %shift_right_arithmetic3A_911, %shift_left3A_913 : vector<16xi32>
        %shift_left3A_915 = arith.shli %broadcast_in_dim3A_7, %shift_left3A_914 : vector<16xi32>
        tpu.vector_store_idx %arg11[%broadcast_in_dim3A_35, %and3A_908], %shift_left3A_915 masked %eq3A_6 {add = true} : memref<16x256xi32, #tpu.memory_space<vmem>>[vector<16xi32>, vector<16xi32>], vector<16xi32>, vector<16xi1>
        %eq3A_916 = arith.cmpi eq, %select_n3A_894, %iota3A : vector<16xi32>
        %broadcast_in_dim3A_917 = vector.broadcast %scan3A_10 : f32 to vector<16xf32>
        %select_n3A_918 = arith.select %eq3A_916, %broadcast_in_dim3A_917, %select_n3A_855 : vector<16xi1>, vector<16xf32>
        %add3A_919 = arith.constant 16 : i32
        %add3A_920 = vector.broadcast %add3A_919 : i32 to vector<16xi32>
        %add3A_921 = arith.addi %iota3A, %add3A_920 : vector<16xi32>
        %eq3A_922 = arith.cmpi eq, %select_n3A_894, %add3A_921 : vector<16xi32>
        %broadcast_in_dim3A_923 = vector.broadcast %scan3A_10 : f32 to vector<16xf32>
        %select_n3A_924 = arith.select %eq3A_922, %broadcast_in_dim3A_923, %select_n3A_861 : vector<16xi1>, vector<16xf32>
        %add3A_925 = arith.constant 32 : i32
        %add3A_926 = vector.broadcast %add3A_925 : i32 to vector<16xi32>
        %add3A_927 = arith.addi %iota3A, %add3A_926 : vector<16xi32>
        %eq3A_928 = arith.cmpi eq, %select_n3A_894, %add3A_927 : vector<16xi32>
        %broadcast_in_dim3A_929 = vector.broadcast %scan3A_10 : f32 to vector<16xf32>
        %select_n3A_930 = arith.select %eq3A_928, %broadcast_in_dim3A_929, %select_n3A_867 : vector<16xi1>, vector<16xf32>
        %max3A_931 = arith.maximumf %select_n3A_918, %select_n3A_924 : vector<16xf32>
        %max3A_932 = arith.maximumf %max3A_931, %select_n3A_930 : vector<16xf32>
        %reduce_max3A_933 = arith.constant true
        %reduce_max3A_934 = vector.broadcast %reduce_max3A_933 : i1 to vector<16xi1>
        %reduce_max3A_935 = tpu.scan <max>, %max3A_932 masked %reduce_max3A_934 : vector<16xf32>, vector<16xi1> -> vector<16xf32>
        %reduce_max3A_936 = vector.extract %reduce_max3A_935[15] : f32 from vector<16xf32>
        %broadcast_in_dim3A_937 = vector.broadcast %reduce_max3A_936 : f32 to vector<16xf32>
        %eq3A_938 = arith.cmpf oeq, %select_n3A_918, %broadcast_in_dim3A_937 : vector<16xf32>
        %all_reduce_ffs3A_939 = tpu.all_reduce %eq3A_938 {dim = 0 : i64, kind = #tpu.reduction_kind<find_first_set>} : vector<16xi1> -> vector<16xi32>
        %eq3A_940 = arith.cmpf oeq, %select_n3A_924, %broadcast_in_dim3A_937 : vector<16xf32>
        %all_reduce_ffs3A_941 = tpu.all_reduce %eq3A_940 {dim = 0 : i64, kind = #tpu.reduction_kind<find_first_set>} : vector<16xi1> -> vector<16xi32>
        %eq3A_942 = arith.cmpf oeq, %select_n3A_930, %broadcast_in_dim3A_937 : vector<16xf32>
        %all_reduce_ffs3A_943 = tpu.all_reduce %eq3A_942 {dim = 0 : i64, kind = #tpu.reduction_kind<find_first_set>} : vector<16xi1> -> vector<16xi32>
        %lt3A_944 = arith.constant 16 : i32
        %lt3A_945 = vector.broadcast %lt3A_944 : i32 to vector<16xi32>
        %lt3A_946 = arith.cmpi slt, %all_reduce_ffs3A_939, %lt3A_945 : vector<16xi32>
        %lt3A_947 = arith.constant 16 : i32
        %lt3A_948 = vector.broadcast %lt3A_947 : i32 to vector<16xi32>
        %lt3A_949 = arith.cmpi slt, %all_reduce_ffs3A_941, %lt3A_948 : vector<16xi32>
        %add3A_950 = arith.constant 16 : i32
        %add3A_951 = vector.broadcast %add3A_950 : i32 to vector<16xi32>
        %add3A_952 = arith.addi %all_reduce_ffs3A_941, %add3A_951 : vector<16xi32>
        %add3A_953 = arith.constant 32 : i32
        %add3A_954 = vector.broadcast %add3A_953 : i32 to vector<16xi32>
        %add3A_955 = arith.addi %all_reduce_ffs3A_943, %add3A_954 : vector<16xi32>
        %select_n3A_956 = arith.select %lt3A_949, %add3A_952, %add3A_955 : vector<16xi1>, vector<16xi32>
        %select_n3A_957 = arith.select %lt3A_946, %all_reduce_ffs3A_939, %select_n3A_956 : vector<16xi1>, vector<16xi32>
        %mul3A_958 = arith.constant 24 : i32
        %mul3A_959 = vector.broadcast %mul3A_958 : i32 to vector<16xi32>
        %mul3A_960 = arith.muli %broadcast_in_dim3A_35, %mul3A_959 : vector<16xi32>
        %broadcast_in_dim3A_961 = arith.constant 13 : i32
        %broadcast_in_dim3A_962 = vector.broadcast %broadcast_in_dim3A_961 : i32 to vector<16xi32>
        %add3A_963 = arith.addi %mul3A_960, %broadcast_in_dim3A_962 : vector<16xi32>
        tpu.vector_store_idx %arg10[%add3A_963], %select_n3A_957 masked %eq3A_6 : memref<384xi32, #tpu.memory_space<vmem>>[vector<16xi32>], vector<16xi32>, vector<16xi1>
        %mul3A_964 = arith.constant 48 : i32
        %mul3A_965 = vector.broadcast %mul3A_964 : i32 to vector<16xi32>
        %mul3A_966 = arith.muli %broadcast_in_dim3A_35, %mul3A_965 : vector<16xi32>
        %add3A_967 = arith.addi %mul3A_966, %select_n3A_957 : vector<16xi32>
        %gather3A_968 = tpu.vector_load_idx %arg7[%add3A_967] : memref<768xi32, #tpu.memory_space<vmem>>[vector<16xi32>], vector<16xi32>,
        %and3A_969 = arith.constant 255 : i32
        %and3A_970 = vector.broadcast %and3A_969 : i32 to vector<16xi32>
        %and3A_971 = arith.andi %gather3A_968, %and3A_970 : vector<16xi32>
        %shift_right_arithmetic3A_972 = arith.constant 8 : i32
        %shift_right_arithmetic3A_973 = vector.broadcast %shift_right_arithmetic3A_972 : i32 to vector<16xi32>
        %shift_right_arithmetic3A_974 = arith.shrsi %gather3A_968, %shift_right_arithmetic3A_973 : vector<16xi32>
        %shift_left3A_975 = arith.constant 3 : i32
        %shift_left3A_976 = vector.broadcast %shift_left3A_975 : i32 to vector<16xi32>
        %shift_left3A_977 = arith.shli %shift_right_arithmetic3A_974, %shift_left3A_976 : vector<16xi32>
        %shift_left3A_978 = arith.shli %broadcast_in_dim3A_7, %shift_left3A_977 : vector<16xi32>
        tpu.vector_store_idx %arg11[%broadcast_in_dim3A_35, %and3A_971], %shift_left3A_978 masked %eq3A_6 {add = true} : memref<16x256xi32, #tpu.memory_space<vmem>>[vector<16xi32>, vector<16xi32>], vector<16xi32>, vector<16xi1>
        %eq3A_979 = arith.cmpi eq, %select_n3A_957, %iota3A : vector<16xi32>
        %broadcast_in_dim3A_980 = vector.broadcast %scan3A_10 : f32 to vector<16xf32>
        %select_n3A_981 = arith.select %eq3A_979, %broadcast_in_dim3A_980, %select_n3A_918 : vector<16xi1>, vector<16xf32>
        %add3A_982 = arith.constant 16 : i32
        %add3A_983 = vector.broadcast %add3A_982 : i32 to vector<16xi32>
        %add3A_984 = arith.addi %iota3A, %add3A_983 : vector<16xi32>
        %eq3A_985 = arith.cmpi eq, %select_n3A_957, %add3A_984 : vector<16xi32>
        %broadcast_in_dim3A_986 = vector.broadcast %scan3A_10 : f32 to vector<16xf32>
        %select_n3A_987 = arith.select %eq3A_985, %broadcast_in_dim3A_986, %select_n3A_924 : vector<16xi1>, vector<16xf32>
        %add3A_988 = arith.constant 32 : i32
        %add3A_989 = vector.broadcast %add3A_988 : i32 to vector<16xi32>
        %add3A_990 = arith.addi %iota3A, %add3A_989 : vector<16xi32>
        %eq3A_991 = arith.cmpi eq, %select_n3A_957, %add3A_990 : vector<16xi32>
        %broadcast_in_dim3A_992 = vector.broadcast %scan3A_10 : f32 to vector<16xf32>
        %select_n3A_993 = arith.select %eq3A_991, %broadcast_in_dim3A_992, %select_n3A_930 : vector<16xi1>, vector<16xf32>
        %max3A_994 = arith.maximumf %select_n3A_981, %select_n3A_987 : vector<16xf32>
        %max3A_995 = arith.maximumf %max3A_994, %select_n3A_993 : vector<16xf32>
        %reduce_max3A_996 = arith.constant true
        %reduce_max3A_997 = vector.broadcast %reduce_max3A_996 : i1 to vector<16xi1>
        %reduce_max3A_998 = tpu.scan <max>, %max3A_995 masked %reduce_max3A_997 : vector<16xf32>, vector<16xi1> -> vector<16xf32>
        %reduce_max3A_999 = vector.extract %reduce_max3A_998[15] : f32 from vector<16xf32>
        %broadcast_in_dim3A_1000 = vector.broadcast %reduce_max3A_999 : f32 to vector<16xf32>
        %eq3A_1001 = arith.cmpf oeq, %select_n3A_981, %broadcast_in_dim3A_1000 : vector<16xf32>
        %all_reduce_ffs3A_1002 = tpu.all_reduce %eq3A_1001 {dim = 0 : i64, kind = #tpu.reduction_kind<find_first_set>} : vector<16xi1> -> vector<16xi32>
        %eq3A_1003 = arith.cmpf oeq, %select_n3A_987, %broadcast_in_dim3A_1000 : vector<16xf32>
        %all_reduce_ffs3A_1004 = tpu.all_reduce %eq3A_1003 {dim = 0 : i64, kind = #tpu.reduction_kind<find_first_set>} : vector<16xi1> -> vector<16xi32>
        %eq3A_1005 = arith.cmpf oeq, %select_n3A_993, %broadcast_in_dim3A_1000 : vector<16xf32>
        %all_reduce_ffs3A_1006 = tpu.all_reduce %eq3A_1005 {dim = 0 : i64, kind = #tpu.reduction_kind<find_first_set>} : vector<16xi1> -> vector<16xi32>
        %lt3A_1007 = arith.constant 16 : i32
        %lt3A_1008 = vector.broadcast %lt3A_1007 : i32 to vector<16xi32>
        %lt3A_1009 = arith.cmpi slt, %all_reduce_ffs3A_1002, %lt3A_1008 : vector<16xi32>
        %lt3A_1010 = arith.constant 16 : i32
        %lt3A_1011 = vector.broadcast %lt3A_1010 : i32 to vector<16xi32>
        %lt3A_1012 = arith.cmpi slt, %all_reduce_ffs3A_1004, %lt3A_1011 : vector<16xi32>
        %add3A_1013 = arith.constant 16 : i32
        %add3A_1014 = vector.broadcast %add3A_1013 : i32 to vector<16xi32>
        %add3A_1015 = arith.addi %all_reduce_ffs3A_1004, %add3A_1014 : vector<16xi32>
        %add3A_1016 = arith.constant 32 : i32
        %add3A_1017 = vector.broadcast %add3A_1016 : i32 to vector<16xi32>
        %add3A_1018 = arith.addi %all_reduce_ffs3A_1006, %add3A_1017 : vector<16xi32>
        %select_n3A_1019 = arith.select %lt3A_1012, %add3A_1015, %add3A_1018 : vector<16xi1>, vector<16xi32>
        %select_n3A_1020 = arith.select %lt3A_1009, %all_reduce_ffs3A_1002, %select_n3A_1019 : vector<16xi1>, vector<16xi32>
        %mul3A_1021 = arith.constant 24 : i32
        %mul3A_1022 = vector.broadcast %mul3A_1021 : i32 to vector<16xi32>
        %mul3A_1023 = arith.muli %broadcast_in_dim3A_35, %mul3A_1022 : vector<16xi32>
        %broadcast_in_dim3A_1024 = arith.constant 14 : i32
        %broadcast_in_dim3A_1025 = vector.broadcast %broadcast_in_dim3A_1024 : i32 to vector<16xi32>
        %add3A_1026 = arith.addi %mul3A_1023, %broadcast_in_dim3A_1025 : vector<16xi32>
        tpu.vector_store_idx %arg10[%add3A_1026], %select_n3A_1020 masked %eq3A_6 : memref<384xi32, #tpu.memory_space<vmem>>[vector<16xi32>], vector<16xi32>, vector<16xi1>
        %mul3A_1027 = arith.constant 48 : i32
        %mul3A_1028 = vector.broadcast %mul3A_1027 : i32 to vector<16xi32>
        %mul3A_1029 = arith.muli %broadcast_in_dim3A_35, %mul3A_1028 : vector<16xi32>
        %add3A_1030 = arith.addi %mul3A_1029, %select_n3A_1020 : vector<16xi32>
        %gather3A_1031 = tpu.vector_load_idx %arg7[%add3A_1030] : memref<768xi32, #tpu.memory_space<vmem>>[vector<16xi32>], vector<16xi32>,
        %and3A_1032 = arith.constant 255 : i32
        %and3A_1033 = vector.broadcast %and3A_1032 : i32 to vector<16xi32>
        %and3A_1034 = arith.andi %gather3A_1031, %and3A_1033 : vector<16xi32>
        %shift_right_arithmetic3A_1035 = arith.constant 8 : i32
        %shift_right_arithmetic3A_1036 = vector.broadcast %shift_right_arithmetic3A_1035 : i32 to vector<16xi32>
        %shift_right_arithmetic3A_1037 = arith.shrsi %gather3A_1031, %shift_right_arithmetic3A_1036 : vector<16xi32>
        %shift_left3A_1038 = arith.constant 3 : i32
        %shift_left3A_1039 = vector.broadcast %shift_left3A_1038 : i32 to vector<16xi32>
        %shift_left3A_1040 = arith.shli %shift_right_arithmetic3A_1037, %shift_left3A_1039 : vector<16xi32>
        %shift_left3A_1041 = arith.shli %broadcast_in_dim3A_7, %shift_left3A_1040 : vector<16xi32>
        tpu.vector_store_idx %arg11[%broadcast_in_dim3A_35, %and3A_1034], %shift_left3A_1041 masked %eq3A_6 {add = true} : memref<16x256xi32, #tpu.memory_space<vmem>>[vector<16xi32>, vector<16xi32>], vector<16xi32>, vector<16xi1>
        %eq3A_1042 = arith.cmpi eq, %select_n3A_1020, %iota3A : vector<16xi32>
        %broadcast_in_dim3A_1043 = vector.broadcast %scan3A_10 : f32 to vector<16xf32>
        %select_n3A_1044 = arith.select %eq3A_1042, %broadcast_in_dim3A_1043, %select_n3A_981 : vector<16xi1>, vector<16xf32>
        %add3A_1045 = arith.constant 16 : i32
        %add3A_1046 = vector.broadcast %add3A_1045 : i32 to vector<16xi32>
        %add3A_1047 = arith.addi %iota3A, %add3A_1046 : vector<16xi32>
        %eq3A_1048 = arith.cmpi eq, %select_n3A_1020, %add3A_1047 : vector<16xi32>
        %broadcast_in_dim3A_1049 = vector.broadcast %scan3A_10 : f32 to vector<16xf32>
        %select_n3A_1050 = arith.select %eq3A_1048, %broadcast_in_dim3A_1049, %select_n3A_987 : vector<16xi1>, vector<16xf32>
        %add3A_1051 = arith.constant 32 : i32
        %add3A_1052 = vector.broadcast %add3A_1051 : i32 to vector<16xi32>
        %add3A_1053 = arith.addi %iota3A, %add3A_1052 : vector<16xi32>
        %eq3A_1054 = arith.cmpi eq, %select_n3A_1020, %add3A_1053 : vector<16xi32>
        %broadcast_in_dim3A_1055 = vector.broadcast %scan3A_10 : f32 to vector<16xf32>
        %select_n3A_1056 = arith.select %eq3A_1054, %broadcast_in_dim3A_1055, %select_n3A_993 : vector<16xi1>, vector<16xf32>
        %max3A_1057 = arith.maximumf %select_n3A_1044, %select_n3A_1050 : vector<16xf32>
        %max3A_1058 = arith.maximumf %max3A_1057, %select_n3A_1056 : vector<16xf32>
        %reduce_max3A_1059 = arith.constant true
        %reduce_max3A_1060 = vector.broadcast %reduce_max3A_1059 : i1 to vector<16xi1>
        %reduce_max3A_1061 = tpu.scan <max>, %max3A_1058 masked %reduce_max3A_1060 : vector<16xf32>, vector<16xi1> -> vector<16xf32>
        %reduce_max3A_1062 = vector.extract %reduce_max3A_1061[15] : f32 from vector<16xf32>
        %broadcast_in_dim3A_1063 = vector.broadcast %reduce_max3A_1062 : f32 to vector<16xf32>
        %eq3A_1064 = arith.cmpf oeq, %select_n3A_1044, %broadcast_in_dim3A_1063 : vector<16xf32>
        %all_reduce_ffs3A_1065 = tpu.all_reduce %eq3A_1064 {dim = 0 : i64, kind = #tpu.reduction_kind<find_first_set>} : vector<16xi1> -> vector<16xi32>
        %eq3A_1066 = arith.cmpf oeq, %select_n3A_1050, %broadcast_in_dim3A_1063 : vector<16xf32>
        %all_reduce_ffs3A_1067 = tpu.all_reduce %eq3A_1066 {dim = 0 : i64, kind = #tpu.reduction_kind<find_first_set>} : vector<16xi1> -> vector<16xi32>
        %eq3A_1068 = arith.cmpf oeq, %select_n3A_1056, %broadcast_in_dim3A_1063 : vector<16xf32>
        %all_reduce_ffs3A_1069 = tpu.all_reduce %eq3A_1068 {dim = 0 : i64, kind = #tpu.reduction_kind<find_first_set>} : vector<16xi1> -> vector<16xi32>
        %lt3A_1070 = arith.constant 16 : i32
        %lt3A_1071 = vector.broadcast %lt3A_1070 : i32 to vector<16xi32>
        %lt3A_1072 = arith.cmpi slt, %all_reduce_ffs3A_1065, %lt3A_1071 : vector<16xi32>
        %lt3A_1073 = arith.constant 16 : i32
        %lt3A_1074 = vector.broadcast %lt3A_1073 : i32 to vector<16xi32>
        %lt3A_1075 = arith.cmpi slt, %all_reduce_ffs3A_1067, %lt3A_1074 : vector<16xi32>
        %add3A_1076 = arith.constant 16 : i32
        %add3A_1077 = vector.broadcast %add3A_1076 : i32 to vector<16xi32>
        %add3A_1078 = arith.addi %all_reduce_ffs3A_1067, %add3A_1077 : vector<16xi32>
        %add3A_1079 = arith.constant 32 : i32
        %add3A_1080 = vector.broadcast %add3A_1079 : i32 to vector<16xi32>
        %add3A_1081 = arith.addi %all_reduce_ffs3A_1069, %add3A_1080 : vector<16xi32>
        %select_n3A_1082 = arith.select %lt3A_1075, %add3A_1078, %add3A_1081 : vector<16xi1>, vector<16xi32>
        %select_n3A_1083 = arith.select %lt3A_1072, %all_reduce_ffs3A_1065, %select_n3A_1082 : vector<16xi1>, vector<16xi32>
        %mul3A_1084 = arith.constant 24 : i32
        %mul3A_1085 = vector.broadcast %mul3A_1084 : i32 to vector<16xi32>
        %mul3A_1086 = arith.muli %broadcast_in_dim3A_35, %mul3A_1085 : vector<16xi32>
        %broadcast_in_dim3A_1087 = arith.constant 15 : i32
        %broadcast_in_dim3A_1088 = vector.broadcast %broadcast_in_dim3A_1087 : i32 to vector<16xi32>
        %add3A_1089 = arith.addi %mul3A_1086, %broadcast_in_dim3A_1088 : vector<16xi32>
        tpu.vector_store_idx %arg10[%add3A_1089], %select_n3A_1083 masked %eq3A_6 : memref<384xi32, #tpu.memory_space<vmem>>[vector<16xi32>], vector<16xi32>, vector<16xi1>
        %mul3A_1090 = arith.constant 48 : i32
        %mul3A_1091 = vector.broadcast %mul3A_1090 : i32 to vector<16xi32>
        %mul3A_1092 = arith.muli %broadcast_in_dim3A_35, %mul3A_1091 : vector<16xi32>
        %add3A_1093 = arith.addi %mul3A_1092, %select_n3A_1083 : vector<16xi32>
        %gather3A_1094 = tpu.vector_load_idx %arg7[%add3A_1093] : memref<768xi32, #tpu.memory_space<vmem>>[vector<16xi32>], vector<16xi32>,
        %and3A_1095 = arith.constant 255 : i32
        %and3A_1096 = vector.broadcast %and3A_1095 : i32 to vector<16xi32>
        %and3A_1097 = arith.andi %gather3A_1094, %and3A_1096 : vector<16xi32>
        %shift_right_arithmetic3A_1098 = arith.constant 8 : i32
        %shift_right_arithmetic3A_1099 = vector.broadcast %shift_right_arithmetic3A_1098 : i32 to vector<16xi32>
        %shift_right_arithmetic3A_1100 = arith.shrsi %gather3A_1094, %shift_right_arithmetic3A_1099 : vector<16xi32>
        %shift_left3A_1101 = arith.constant 3 : i32
        %shift_left3A_1102 = vector.broadcast %shift_left3A_1101 : i32 to vector<16xi32>
        %shift_left3A_1103 = arith.shli %shift_right_arithmetic3A_1100, %shift_left3A_1102 : vector<16xi32>
        %shift_left3A_1104 = arith.shli %broadcast_in_dim3A_7, %shift_left3A_1103 : vector<16xi32>
        tpu.vector_store_idx %arg11[%broadcast_in_dim3A_35, %and3A_1097], %shift_left3A_1104 masked %eq3A_6 {add = true} : memref<16x256xi32, #tpu.memory_space<vmem>>[vector<16xi32>, vector<16xi32>], vector<16xi32>, vector<16xi1>
        %eq3A_1105 = arith.cmpi eq, %select_n3A_1083, %iota3A : vector<16xi32>
        %broadcast_in_dim3A_1106 = vector.broadcast %scan3A_10 : f32 to vector<16xf32>
        %select_n3A_1107 = arith.select %eq3A_1105, %broadcast_in_dim3A_1106, %select_n3A_1044 : vector<16xi1>, vector<16xf32>
        %add3A_1108 = arith.constant 16 : i32
        %add3A_1109 = vector.broadcast %add3A_1108 : i32 to vector<16xi32>
        %add3A_1110 = arith.addi %iota3A, %add3A_1109 : vector<16xi32>
        %eq3A_1111 = arith.cmpi eq, %select_n3A_1083, %add3A_1110 : vector<16xi32>
        %broadcast_in_dim3A_1112 = vector.broadcast %scan3A_10 : f32 to vector<16xf32>
        %select_n3A_1113 = arith.select %eq3A_1111, %broadcast_in_dim3A_1112, %select_n3A_1050 : vector<16xi1>, vector<16xf32>
        %add3A_1114 = arith.constant 32 : i32
        %add3A_1115 = vector.broadcast %add3A_1114 : i32 to vector<16xi32>
        %add3A_1116 = arith.addi %iota3A, %add3A_1115 : vector<16xi32>
        %eq3A_1117 = arith.cmpi eq, %select_n3A_1083, %add3A_1116 : vector<16xi32>
        %broadcast_in_dim3A_1118 = vector.broadcast %scan3A_10 : f32 to vector<16xf32>
        %select_n3A_1119 = arith.select %eq3A_1117, %broadcast_in_dim3A_1118, %select_n3A_1056 : vector<16xi1>, vector<16xf32>
        %max3A_1120 = arith.maximumf %select_n3A_1107, %select_n3A_1113 : vector<16xf32>
        %max3A_1121 = arith.maximumf %max3A_1120, %select_n3A_1119 : vector<16xf32>
        %reduce_max3A_1122 = arith.constant true
        %reduce_max3A_1123 = vector.broadcast %reduce_max3A_1122 : i1 to vector<16xi1>
        %reduce_max3A_1124 = tpu.scan <max>, %max3A_1121 masked %reduce_max3A_1123 : vector<16xf32>, vector<16xi1> -> vector<16xf32>
        %reduce_max3A_1125 = vector.extract %reduce_max3A_1124[15] : f32 from vector<16xf32>
        %broadcast_in_dim3A_1126 = vector.broadcast %reduce_max3A_1125 : f32 to vector<16xf32>
        %eq3A_1127 = arith.cmpf oeq, %select_n3A_1107, %broadcast_in_dim3A_1126 : vector<16xf32>
        %all_reduce_ffs3A_1128 = tpu.all_reduce %eq3A_1127 {dim = 0 : i64, kind = #tpu.reduction_kind<find_first_set>} : vector<16xi1> -> vector<16xi32>
        %eq3A_1129 = arith.cmpf oeq, %select_n3A_1113, %broadcast_in_dim3A_1126 : vector<16xf32>
        %all_reduce_ffs3A_1130 = tpu.all_reduce %eq3A_1129 {dim = 0 : i64, kind = #tpu.reduction_kind<find_first_set>} : vector<16xi1> -> vector<16xi32>
        %eq3A_1131 = arith.cmpf oeq, %select_n3A_1119, %broadcast_in_dim3A_1126 : vector<16xf32>
        %all_reduce_ffs3A_1132 = tpu.all_reduce %eq3A_1131 {dim = 0 : i64, kind = #tpu.reduction_kind<find_first_set>} : vector<16xi1> -> vector<16xi32>
        %lt3A_1133 = arith.constant 16 : i32
        %lt3A_1134 = vector.broadcast %lt3A_1133 : i32 to vector<16xi32>
        %lt3A_1135 = arith.cmpi slt, %all_reduce_ffs3A_1128, %lt3A_1134 : vector<16xi32>
        %lt3A_1136 = arith.constant 16 : i32
        %lt3A_1137 = vector.broadcast %lt3A_1136 : i32 to vector<16xi32>
        %lt3A_1138 = arith.cmpi slt, %all_reduce_ffs3A_1130, %lt3A_1137 : vector<16xi32>
        %add3A_1139 = arith.constant 16 : i32
        %add3A_1140 = vector.broadcast %add3A_1139 : i32 to vector<16xi32>
        %add3A_1141 = arith.addi %all_reduce_ffs3A_1130, %add3A_1140 : vector<16xi32>
        %add3A_1142 = arith.constant 32 : i32
        %add3A_1143 = vector.broadcast %add3A_1142 : i32 to vector<16xi32>
        %add3A_1144 = arith.addi %all_reduce_ffs3A_1132, %add3A_1143 : vector<16xi32>
        %select_n3A_1145 = arith.select %lt3A_1138, %add3A_1141, %add3A_1144 : vector<16xi1>, vector<16xi32>
        %select_n3A_1146 = arith.select %lt3A_1135, %all_reduce_ffs3A_1128, %select_n3A_1145 : vector<16xi1>, vector<16xi32>
        %mul3A_1147 = arith.constant 24 : i32
        %mul3A_1148 = vector.broadcast %mul3A_1147 : i32 to vector<16xi32>
        %mul3A_1149 = arith.muli %broadcast_in_dim3A_35, %mul3A_1148 : vector<16xi32>
        %broadcast_in_dim3A_1150 = arith.constant 16 : i32
        %broadcast_in_dim3A_1151 = vector.broadcast %broadcast_in_dim3A_1150 : i32 to vector<16xi32>
        %add3A_1152 = arith.addi %mul3A_1149, %broadcast_in_dim3A_1151 : vector<16xi32>
        tpu.vector_store_idx %arg10[%add3A_1152], %select_n3A_1146 masked %eq3A_6 : memref<384xi32, #tpu.memory_space<vmem>>[vector<16xi32>], vector<16xi32>, vector<16xi1>
        %mul3A_1153 = arith.constant 48 : i32
        %mul3A_1154 = vector.broadcast %mul3A_1153 : i32 to vector<16xi32>
        %mul3A_1155 = arith.muli %broadcast_in_dim3A_35, %mul3A_1154 : vector<16xi32>
        %add3A_1156 = arith.addi %mul3A_1155, %select_n3A_1146 : vector<16xi32>
        %gather3A_1157 = tpu.vector_load_idx %arg7[%add3A_1156] : memref<768xi32, #tpu.memory_space<vmem>>[vector<16xi32>], vector<16xi32>,
        %and3A_1158 = arith.constant 255 : i32
        %and3A_1159 = vector.broadcast %and3A_1158 : i32 to vector<16xi32>
        %and3A_1160 = arith.andi %gather3A_1157, %and3A_1159 : vector<16xi32>
        %shift_right_arithmetic3A_1161 = arith.constant 8 : i32
        %shift_right_arithmetic3A_1162 = vector.broadcast %shift_right_arithmetic3A_1161 : i32 to vector<16xi32>
        %shift_right_arithmetic3A_1163 = arith.shrsi %gather3A_1157, %shift_right_arithmetic3A_1162 : vector<16xi32>
        %shift_left3A_1164 = arith.constant 3 : i32
        %shift_left3A_1165 = vector.broadcast %shift_left3A_1164 : i32 to vector<16xi32>
        %shift_left3A_1166 = arith.shli %shift_right_arithmetic3A_1163, %shift_left3A_1165 : vector<16xi32>
        %shift_left3A_1167 = arith.shli %broadcast_in_dim3A_7, %shift_left3A_1166 : vector<16xi32>
        tpu.vector_store_idx %arg11[%broadcast_in_dim3A_35, %and3A_1160], %shift_left3A_1167 masked %eq3A_6 {add = true} : memref<16x256xi32, #tpu.memory_space<vmem>>[vector<16xi32>, vector<16xi32>], vector<16xi32>, vector<16xi1>
        %eq3A_1168 = arith.cmpi eq, %select_n3A_1146, %iota3A : vector<16xi32>
        %broadcast_in_dim3A_1169 = vector.broadcast %scan3A_10 : f32 to vector<16xf32>
        %select_n3A_1170 = arith.select %eq3A_1168, %broadcast_in_dim3A_1169, %select_n3A_1107 : vector<16xi1>, vector<16xf32>
        %add3A_1171 = arith.constant 16 : i32
        %add3A_1172 = vector.broadcast %add3A_1171 : i32 to vector<16xi32>
        %add3A_1173 = arith.addi %iota3A, %add3A_1172 : vector<16xi32>
        %eq3A_1174 = arith.cmpi eq, %select_n3A_1146, %add3A_1173 : vector<16xi32>
        %broadcast_in_dim3A_1175 = vector.broadcast %scan3A_10 : f32 to vector<16xf32>
        %select_n3A_1176 = arith.select %eq3A_1174, %broadcast_in_dim3A_1175, %select_n3A_1113 : vector<16xi1>, vector<16xf32>
        %add3A_1177 = arith.constant 32 : i32
        %add3A_1178 = vector.broadcast %add3A_1177 : i32 to vector<16xi32>
        %add3A_1179 = arith.addi %iota3A, %add3A_1178 : vector<16xi32>
        %eq3A_1180 = arith.cmpi eq, %select_n3A_1146, %add3A_1179 : vector<16xi32>
        %broadcast_in_dim3A_1181 = vector.broadcast %scan3A_10 : f32 to vector<16xf32>
        %select_n3A_1182 = arith.select %eq3A_1180, %broadcast_in_dim3A_1181, %select_n3A_1119 : vector<16xi1>, vector<16xf32>
        %max3A_1183 = arith.maximumf %select_n3A_1170, %select_n3A_1176 : vector<16xf32>
        %max3A_1184 = arith.maximumf %max3A_1183, %select_n3A_1182 : vector<16xf32>
        %reduce_max3A_1185 = arith.constant true
        %reduce_max3A_1186 = vector.broadcast %reduce_max3A_1185 : i1 to vector<16xi1>
        %reduce_max3A_1187 = tpu.scan <max>, %max3A_1184 masked %reduce_max3A_1186 : vector<16xf32>, vector<16xi1> -> vector<16xf32>
        %reduce_max3A_1188 = vector.extract %reduce_max3A_1187[15] : f32 from vector<16xf32>
        %broadcast_in_dim3A_1189 = vector.broadcast %reduce_max3A_1188 : f32 to vector<16xf32>
        %eq3A_1190 = arith.cmpf oeq, %select_n3A_1170, %broadcast_in_dim3A_1189 : vector<16xf32>
        %all_reduce_ffs3A_1191 = tpu.all_reduce %eq3A_1190 {dim = 0 : i64, kind = #tpu.reduction_kind<find_first_set>} : vector<16xi1> -> vector<16xi32>
        %eq3A_1192 = arith.cmpf oeq, %select_n3A_1176, %broadcast_in_dim3A_1189 : vector<16xf32>
        %all_reduce_ffs3A_1193 = tpu.all_reduce %eq3A_1192 {dim = 0 : i64, kind = #tpu.reduction_kind<find_first_set>} : vector<16xi1> -> vector<16xi32>
        %eq3A_1194 = arith.cmpf oeq, %select_n3A_1182, %broadcast_in_dim3A_1189 : vector<16xf32>
        %all_reduce_ffs3A_1195 = tpu.all_reduce %eq3A_1194 {dim = 0 : i64, kind = #tpu.reduction_kind<find_first_set>} : vector<16xi1> -> vector<16xi32>
        %lt3A_1196 = arith.constant 16 : i32
        %lt3A_1197 = vector.broadcast %lt3A_1196 : i32 to vector<16xi32>
        %lt3A_1198 = arith.cmpi slt, %all_reduce_ffs3A_1191, %lt3A_1197 : vector<16xi32>
        %lt3A_1199 = arith.constant 16 : i32
        %lt3A_1200 = vector.broadcast %lt3A_1199 : i32 to vector<16xi32>
        %lt3A_1201 = arith.cmpi slt, %all_reduce_ffs3A_1193, %lt3A_1200 : vector<16xi32>
        %add3A_1202 = arith.constant 16 : i32
        %add3A_1203 = vector.broadcast %add3A_1202 : i32 to vector<16xi32>
        %add3A_1204 = arith.addi %all_reduce_ffs3A_1193, %add3A_1203 : vector<16xi32>
        %add3A_1205 = arith.constant 32 : i32
        %add3A_1206 = vector.broadcast %add3A_1205 : i32 to vector<16xi32>
        %add3A_1207 = arith.addi %all_reduce_ffs3A_1195, %add3A_1206 : vector<16xi32>
        %select_n3A_1208 = arith.select %lt3A_1201, %add3A_1204, %add3A_1207 : vector<16xi1>, vector<16xi32>
        %select_n3A_1209 = arith.select %lt3A_1198, %all_reduce_ffs3A_1191, %select_n3A_1208 : vector<16xi1>, vector<16xi32>
        %mul3A_1210 = arith.constant 24 : i32
        %mul3A_1211 = vector.broadcast %mul3A_1210 : i32 to vector<16xi32>
        %mul3A_1212 = arith.muli %broadcast_in_dim3A_35, %mul3A_1211 : vector<16xi32>
        %broadcast_in_dim3A_1213 = arith.constant 17 : i32
        %broadcast_in_dim3A_1214 = vector.broadcast %broadcast_in_dim3A_1213 : i32 to vector<16xi32>
        %add3A_1215 = arith.addi %mul3A_1212, %broadcast_in_dim3A_1214 : vector<16xi32>
        tpu.vector_store_idx %arg10[%add3A_1215], %select_n3A_1209 masked %eq3A_6 : memref<384xi32, #tpu.memory_space<vmem>>[vector<16xi32>], vector<16xi32>, vector<16xi1>
        %mul3A_1216 = arith.constant 48 : i32
        %mul3A_1217 = vector.broadcast %mul3A_1216 : i32 to vector<16xi32>
        %mul3A_1218 = arith.muli %broadcast_in_dim3A_35, %mul3A_1217 : vector<16xi32>
        %add3A_1219 = arith.addi %mul3A_1218, %select_n3A_1209 : vector<16xi32>
        %gather3A_1220 = tpu.vector_load_idx %arg7[%add3A_1219] : memref<768xi32, #tpu.memory_space<vmem>>[vector<16xi32>], vector<16xi32>,
        %and3A_1221 = arith.constant 255 : i32
        %and3A_1222 = vector.broadcast %and3A_1221 : i32 to vector<16xi32>
        %and3A_1223 = arith.andi %gather3A_1220, %and3A_1222 : vector<16xi32>
        %shift_right_arithmetic3A_1224 = arith.constant 8 : i32
        %shift_right_arithmetic3A_1225 = vector.broadcast %shift_right_arithmetic3A_1224 : i32 to vector<16xi32>
        %shift_right_arithmetic3A_1226 = arith.shrsi %gather3A_1220, %shift_right_arithmetic3A_1225 : vector<16xi32>
        %shift_left3A_1227 = arith.constant 3 : i32
        %shift_left3A_1228 = vector.broadcast %shift_left3A_1227 : i32 to vector<16xi32>
        %shift_left3A_1229 = arith.shli %shift_right_arithmetic3A_1226, %shift_left3A_1228 : vector<16xi32>
        %shift_left3A_1230 = arith.shli %broadcast_in_dim3A_7, %shift_left3A_1229 : vector<16xi32>
        tpu.vector_store_idx %arg11[%broadcast_in_dim3A_35, %and3A_1223], %shift_left3A_1230 masked %eq3A_6 {add = true} : memref<16x256xi32, #tpu.memory_space<vmem>>[vector<16xi32>, vector<16xi32>], vector<16xi32>, vector<16xi1>
        %eq3A_1231 = arith.cmpi eq, %select_n3A_1209, %iota3A : vector<16xi32>
        %broadcast_in_dim3A_1232 = vector.broadcast %scan3A_10 : f32 to vector<16xf32>
        %select_n3A_1233 = arith.select %eq3A_1231, %broadcast_in_dim3A_1232, %select_n3A_1170 : vector<16xi1>, vector<16xf32>
        %add3A_1234 = arith.constant 16 : i32
        %add3A_1235 = vector.broadcast %add3A_1234 : i32 to vector<16xi32>
        %add3A_1236 = arith.addi %iota3A, %add3A_1235 : vector<16xi32>
        %eq3A_1237 = arith.cmpi eq, %select_n3A_1209, %add3A_1236 : vector<16xi32>
        %broadcast_in_dim3A_1238 = vector.broadcast %scan3A_10 : f32 to vector<16xf32>
        %select_n3A_1239 = arith.select %eq3A_1237, %broadcast_in_dim3A_1238, %select_n3A_1176 : vector<16xi1>, vector<16xf32>
        %add3A_1240 = arith.constant 32 : i32
        %add3A_1241 = vector.broadcast %add3A_1240 : i32 to vector<16xi32>
        %add3A_1242 = arith.addi %iota3A, %add3A_1241 : vector<16xi32>
        %eq3A_1243 = arith.cmpi eq, %select_n3A_1209, %add3A_1242 : vector<16xi32>
        %broadcast_in_dim3A_1244 = vector.broadcast %scan3A_10 : f32 to vector<16xf32>
        %select_n3A_1245 = arith.select %eq3A_1243, %broadcast_in_dim3A_1244, %select_n3A_1182 : vector<16xi1>, vector<16xf32>
        %max3A_1246 = arith.maximumf %select_n3A_1233, %select_n3A_1239 : vector<16xf32>
        %max3A_1247 = arith.maximumf %max3A_1246, %select_n3A_1245 : vector<16xf32>
        %reduce_max3A_1248 = arith.constant true
        %reduce_max3A_1249 = vector.broadcast %reduce_max3A_1248 : i1 to vector<16xi1>
        %reduce_max3A_1250 = tpu.scan <max>, %max3A_1247 masked %reduce_max3A_1249 : vector<16xf32>, vector<16xi1> -> vector<16xf32>
        %reduce_max3A_1251 = vector.extract %reduce_max3A_1250[15] : f32 from vector<16xf32>
        %broadcast_in_dim3A_1252 = vector.broadcast %reduce_max3A_1251 : f32 to vector<16xf32>
        %eq3A_1253 = arith.cmpf oeq, %select_n3A_1233, %broadcast_in_dim3A_1252 : vector<16xf32>
        %all_reduce_ffs3A_1254 = tpu.all_reduce %eq3A_1253 {dim = 0 : i64, kind = #tpu.reduction_kind<find_first_set>} : vector<16xi1> -> vector<16xi32>
        %eq3A_1255 = arith.cmpf oeq, %select_n3A_1239, %broadcast_in_dim3A_1252 : vector<16xf32>
        %all_reduce_ffs3A_1256 = tpu.all_reduce %eq3A_1255 {dim = 0 : i64, kind = #tpu.reduction_kind<find_first_set>} : vector<16xi1> -> vector<16xi32>
        %eq3A_1257 = arith.cmpf oeq, %select_n3A_1245, %broadcast_in_dim3A_1252 : vector<16xf32>
        %all_reduce_ffs3A_1258 = tpu.all_reduce %eq3A_1257 {dim = 0 : i64, kind = #tpu.reduction_kind<find_first_set>} : vector<16xi1> -> vector<16xi32>
        %lt3A_1259 = arith.constant 16 : i32
        %lt3A_1260 = vector.broadcast %lt3A_1259 : i32 to vector<16xi32>
        %lt3A_1261 = arith.cmpi slt, %all_reduce_ffs3A_1254, %lt3A_1260 : vector<16xi32>
        %lt3A_1262 = arith.constant 16 : i32
        %lt3A_1263 = vector.broadcast %lt3A_1262 : i32 to vector<16xi32>
        %lt3A_1264 = arith.cmpi slt, %all_reduce_ffs3A_1256, %lt3A_1263 : vector<16xi32>
        %add3A_1265 = arith.constant 16 : i32
        %add3A_1266 = vector.broadcast %add3A_1265 : i32 to vector<16xi32>
        %add3A_1267 = arith.addi %all_reduce_ffs3A_1256, %add3A_1266 : vector<16xi32>
        %add3A_1268 = arith.constant 32 : i32
        %add3A_1269 = vector.broadcast %add3A_1268 : i32 to vector<16xi32>
        %add3A_1270 = arith.addi %all_reduce_ffs3A_1258, %add3A_1269 : vector<16xi32>
        %select_n3A_1271 = arith.select %lt3A_1264, %add3A_1267, %add3A_1270 : vector<16xi1>, vector<16xi32>
        %select_n3A_1272 = arith.select %lt3A_1261, %all_reduce_ffs3A_1254, %select_n3A_1271 : vector<16xi1>, vector<16xi32>
        %mul3A_1273 = arith.constant 24 : i32
        %mul3A_1274 = vector.broadcast %mul3A_1273 : i32 to vector<16xi32>
        %mul3A_1275 = arith.muli %broadcast_in_dim3A_35, %mul3A_1274 : vector<16xi32>
        %broadcast_in_dim3A_1276 = arith.constant 18 : i32
        %broadcast_in_dim3A_1277 = vector.broadcast %broadcast_in_dim3A_1276 : i32 to vector<16xi32>
        %add3A_1278 = arith.addi %mul3A_1275, %broadcast_in_dim3A_1277 : vector<16xi32>
        tpu.vector_store_idx %arg10[%add3A_1278], %select_n3A_1272 masked %eq3A_6 : memref<384xi32, #tpu.memory_space<vmem>>[vector<16xi32>], vector<16xi32>, vector<16xi1>
        %mul3A_1279 = arith.constant 48 : i32
        %mul3A_1280 = vector.broadcast %mul3A_1279 : i32 to vector<16xi32>
        %mul3A_1281 = arith.muli %broadcast_in_dim3A_35, %mul3A_1280 : vector<16xi32>
        %add3A_1282 = arith.addi %mul3A_1281, %select_n3A_1272 : vector<16xi32>
        %gather3A_1283 = tpu.vector_load_idx %arg7[%add3A_1282] : memref<768xi32, #tpu.memory_space<vmem>>[vector<16xi32>], vector<16xi32>,
        %and3A_1284 = arith.constant 255 : i32
        %and3A_1285 = vector.broadcast %and3A_1284 : i32 to vector<16xi32>
        %and3A_1286 = arith.andi %gather3A_1283, %and3A_1285 : vector<16xi32>
        %shift_right_arithmetic3A_1287 = arith.constant 8 : i32
        %shift_right_arithmetic3A_1288 = vector.broadcast %shift_right_arithmetic3A_1287 : i32 to vector<16xi32>
        %shift_right_arithmetic3A_1289 = arith.shrsi %gather3A_1283, %shift_right_arithmetic3A_1288 : vector<16xi32>
        %shift_left3A_1290 = arith.constant 3 : i32
        %shift_left3A_1291 = vector.broadcast %shift_left3A_1290 : i32 to vector<16xi32>
        %shift_left3A_1292 = arith.shli %shift_right_arithmetic3A_1289, %shift_left3A_1291 : vector<16xi32>
        %shift_left3A_1293 = arith.shli %broadcast_in_dim3A_7, %shift_left3A_1292 : vector<16xi32>
        tpu.vector_store_idx %arg11[%broadcast_in_dim3A_35, %and3A_1286], %shift_left3A_1293 masked %eq3A_6 {add = true} : memref<16x256xi32, #tpu.memory_space<vmem>>[vector<16xi32>, vector<16xi32>], vector<16xi32>, vector<16xi1>
        %eq3A_1294 = arith.cmpi eq, %select_n3A_1272, %iota3A : vector<16xi32>
        %broadcast_in_dim3A_1295 = vector.broadcast %scan3A_10 : f32 to vector<16xf32>
        %select_n3A_1296 = arith.select %eq3A_1294, %broadcast_in_dim3A_1295, %select_n3A_1233 : vector<16xi1>, vector<16xf32>
        %add3A_1297 = arith.constant 16 : i32
        %add3A_1298 = vector.broadcast %add3A_1297 : i32 to vector<16xi32>
        %add3A_1299 = arith.addi %iota3A, %add3A_1298 : vector<16xi32>
        %eq3A_1300 = arith.cmpi eq, %select_n3A_1272, %add3A_1299 : vector<16xi32>
        %broadcast_in_dim3A_1301 = vector.broadcast %scan3A_10 : f32 to vector<16xf32>
        %select_n3A_1302 = arith.select %eq3A_1300, %broadcast_in_dim3A_1301, %select_n3A_1239 : vector<16xi1>, vector<16xf32>
        %add3A_1303 = arith.constant 32 : i32
        %add3A_1304 = vector.broadcast %add3A_1303 : i32 to vector<16xi32>
        %add3A_1305 = arith.addi %iota3A, %add3A_1304 : vector<16xi32>
        %eq3A_1306 = arith.cmpi eq, %select_n3A_1272, %add3A_1305 : vector<16xi32>
        %broadcast_in_dim3A_1307 = vector.broadcast %scan3A_10 : f32 to vector<16xf32>
        %select_n3A_1308 = arith.select %eq3A_1306, %broadcast_in_dim3A_1307, %select_n3A_1245 : vector<16xi1>, vector<16xf32>
        %max3A_1309 = arith.maximumf %select_n3A_1296, %select_n3A_1302 : vector<16xf32>
        %max3A_1310 = arith.maximumf %max3A_1309, %select_n3A_1308 : vector<16xf32>
        %reduce_max3A_1311 = arith.constant true
        %reduce_max3A_1312 = vector.broadcast %reduce_max3A_1311 : i1 to vector<16xi1>
        %reduce_max3A_1313 = tpu.scan <max>, %max3A_1310 masked %reduce_max3A_1312 : vector<16xf32>, vector<16xi1> -> vector<16xf32>
        %reduce_max3A_1314 = vector.extract %reduce_max3A_1313[15] : f32 from vector<16xf32>
        %broadcast_in_dim3A_1315 = vector.broadcast %reduce_max3A_1314 : f32 to vector<16xf32>
        %eq3A_1316 = arith.cmpf oeq, %select_n3A_1296, %broadcast_in_dim3A_1315 : vector<16xf32>
        %all_reduce_ffs3A_1317 = tpu.all_reduce %eq3A_1316 {dim = 0 : i64, kind = #tpu.reduction_kind<find_first_set>} : vector<16xi1> -> vector<16xi32>
        %eq3A_1318 = arith.cmpf oeq, %select_n3A_1302, %broadcast_in_dim3A_1315 : vector<16xf32>
        %all_reduce_ffs3A_1319 = tpu.all_reduce %eq3A_1318 {dim = 0 : i64, kind = #tpu.reduction_kind<find_first_set>} : vector<16xi1> -> vector<16xi32>
        %eq3A_1320 = arith.cmpf oeq, %select_n3A_1308, %broadcast_in_dim3A_1315 : vector<16xf32>
        %all_reduce_ffs3A_1321 = tpu.all_reduce %eq3A_1320 {dim = 0 : i64, kind = #tpu.reduction_kind<find_first_set>} : vector<16xi1> -> vector<16xi32>
        %lt3A_1322 = arith.constant 16 : i32
        %lt3A_1323 = vector.broadcast %lt3A_1322 : i32 to vector<16xi32>
        %lt3A_1324 = arith.cmpi slt, %all_reduce_ffs3A_1317, %lt3A_1323 : vector<16xi32>
        %lt3A_1325 = arith.constant 16 : i32
        %lt3A_1326 = vector.broadcast %lt3A_1325 : i32 to vector<16xi32>
        %lt3A_1327 = arith.cmpi slt, %all_reduce_ffs3A_1319, %lt3A_1326 : vector<16xi32>
        %add3A_1328 = arith.constant 16 : i32
        %add3A_1329 = vector.broadcast %add3A_1328 : i32 to vector<16xi32>
        %add3A_1330 = arith.addi %all_reduce_ffs3A_1319, %add3A_1329 : vector<16xi32>
        %add3A_1331 = arith.constant 32 : i32
        %add3A_1332 = vector.broadcast %add3A_1331 : i32 to vector<16xi32>
        %add3A_1333 = arith.addi %all_reduce_ffs3A_1321, %add3A_1332 : vector<16xi32>
        %select_n3A_1334 = arith.select %lt3A_1327, %add3A_1330, %add3A_1333 : vector<16xi1>, vector<16xi32>
        %select_n3A_1335 = arith.select %lt3A_1324, %all_reduce_ffs3A_1317, %select_n3A_1334 : vector<16xi1>, vector<16xi32>
        %mul3A_1336 = arith.constant 24 : i32
        %mul3A_1337 = vector.broadcast %mul3A_1336 : i32 to vector<16xi32>
        %mul3A_1338 = arith.muli %broadcast_in_dim3A_35, %mul3A_1337 : vector<16xi32>
        %broadcast_in_dim3A_1339 = arith.constant 19 : i32
        %broadcast_in_dim3A_1340 = vector.broadcast %broadcast_in_dim3A_1339 : i32 to vector<16xi32>
        %add3A_1341 = arith.addi %mul3A_1338, %broadcast_in_dim3A_1340 : vector<16xi32>
        tpu.vector_store_idx %arg10[%add3A_1341], %select_n3A_1335 masked %eq3A_6 : memref<384xi32, #tpu.memory_space<vmem>>[vector<16xi32>], vector<16xi32>, vector<16xi1>
        %mul3A_1342 = arith.constant 48 : i32
        %mul3A_1343 = vector.broadcast %mul3A_1342 : i32 to vector<16xi32>
        %mul3A_1344 = arith.muli %broadcast_in_dim3A_35, %mul3A_1343 : vector<16xi32>
        %add3A_1345 = arith.addi %mul3A_1344, %select_n3A_1335 : vector<16xi32>
        %gather3A_1346 = tpu.vector_load_idx %arg7[%add3A_1345] : memref<768xi32, #tpu.memory_space<vmem>>[vector<16xi32>], vector<16xi32>,
        %and3A_1347 = arith.constant 255 : i32
        %and3A_1348 = vector.broadcast %and3A_1347 : i32 to vector<16xi32>
        %and3A_1349 = arith.andi %gather3A_1346, %and3A_1348 : vector<16xi32>
        %shift_right_arithmetic3A_1350 = arith.constant 8 : i32
        %shift_right_arithmetic3A_1351 = vector.broadcast %shift_right_arithmetic3A_1350 : i32 to vector<16xi32>
        %shift_right_arithmetic3A_1352 = arith.shrsi %gather3A_1346, %shift_right_arithmetic3A_1351 : vector<16xi32>
        %shift_left3A_1353 = arith.constant 3 : i32
        %shift_left3A_1354 = vector.broadcast %shift_left3A_1353 : i32 to vector<16xi32>
        %shift_left3A_1355 = arith.shli %shift_right_arithmetic3A_1352, %shift_left3A_1354 : vector<16xi32>
        %shift_left3A_1356 = arith.shli %broadcast_in_dim3A_7, %shift_left3A_1355 : vector<16xi32>
        tpu.vector_store_idx %arg11[%broadcast_in_dim3A_35, %and3A_1349], %shift_left3A_1356 masked %eq3A_6 {add = true} : memref<16x256xi32, #tpu.memory_space<vmem>>[vector<16xi32>, vector<16xi32>], vector<16xi32>, vector<16xi1>
        %eq3A_1357 = arith.cmpi eq, %select_n3A_1335, %iota3A : vector<16xi32>
        %broadcast_in_dim3A_1358 = vector.broadcast %scan3A_10 : f32 to vector<16xf32>
        %select_n3A_1359 = arith.select %eq3A_1357, %broadcast_in_dim3A_1358, %select_n3A_1296 : vector<16xi1>, vector<16xf32>
        %add3A_1360 = arith.constant 16 : i32
        %add3A_1361 = vector.broadcast %add3A_1360 : i32 to vector<16xi32>
        %add3A_1362 = arith.addi %iota3A, %add3A_1361 : vector<16xi32>
        %eq3A_1363 = arith.cmpi eq, %select_n3A_1335, %add3A_1362 : vector<16xi32>
        %broadcast_in_dim3A_1364 = vector.broadcast %scan3A_10 : f32 to vector<16xf32>
        %select_n3A_1365 = arith.select %eq3A_1363, %broadcast_in_dim3A_1364, %select_n3A_1302 : vector<16xi1>, vector<16xf32>
        %add3A_1366 = arith.constant 32 : i32
        %add3A_1367 = vector.broadcast %add3A_1366 : i32 to vector<16xi32>
        %add3A_1368 = arith.addi %iota3A, %add3A_1367 : vector<16xi32>
        %eq3A_1369 = arith.cmpi eq, %select_n3A_1335, %add3A_1368 : vector<16xi32>
        %broadcast_in_dim3A_1370 = vector.broadcast %scan3A_10 : f32 to vector<16xf32>
        %select_n3A_1371 = arith.select %eq3A_1369, %broadcast_in_dim3A_1370, %select_n3A_1308 : vector<16xi1>, vector<16xf32>
        %max3A_1372 = arith.maximumf %select_n3A_1359, %select_n3A_1365 : vector<16xf32>
        %max3A_1373 = arith.maximumf %max3A_1372, %select_n3A_1371 : vector<16xf32>
        %reduce_max3A_1374 = arith.constant true
        %reduce_max3A_1375 = vector.broadcast %reduce_max3A_1374 : i1 to vector<16xi1>
        %reduce_max3A_1376 = tpu.scan <max>, %max3A_1373 masked %reduce_max3A_1375 : vector<16xf32>, vector<16xi1> -> vector<16xf32>
        %reduce_max3A_1377 = vector.extract %reduce_max3A_1376[15] : f32 from vector<16xf32>
        %broadcast_in_dim3A_1378 = vector.broadcast %reduce_max3A_1377 : f32 to vector<16xf32>
        %eq3A_1379 = arith.cmpf oeq, %select_n3A_1359, %broadcast_in_dim3A_1378 : vector<16xf32>
        %all_reduce_ffs3A_1380 = tpu.all_reduce %eq3A_1379 {dim = 0 : i64, kind = #tpu.reduction_kind<find_first_set>} : vector<16xi1> -> vector<16xi32>
        %eq3A_1381 = arith.cmpf oeq, %select_n3A_1365, %broadcast_in_dim3A_1378 : vector<16xf32>
        %all_reduce_ffs3A_1382 = tpu.all_reduce %eq3A_1381 {dim = 0 : i64, kind = #tpu.reduction_kind<find_first_set>} : vector<16xi1> -> vector<16xi32>
        %eq3A_1383 = arith.cmpf oeq, %select_n3A_1371, %broadcast_in_dim3A_1378 : vector<16xf32>
        %all_reduce_ffs3A_1384 = tpu.all_reduce %eq3A_1383 {dim = 0 : i64, kind = #tpu.reduction_kind<find_first_set>} : vector<16xi1> -> vector<16xi32>
        %lt3A_1385 = arith.constant 16 : i32
        %lt3A_1386 = vector.broadcast %lt3A_1385 : i32 to vector<16xi32>
        %lt3A_1387 = arith.cmpi slt, %all_reduce_ffs3A_1380, %lt3A_1386 : vector<16xi32>
        %lt3A_1388 = arith.constant 16 : i32
        %lt3A_1389 = vector.broadcast %lt3A_1388 : i32 to vector<16xi32>
        %lt3A_1390 = arith.cmpi slt, %all_reduce_ffs3A_1382, %lt3A_1389 : vector<16xi32>
        %add3A_1391 = arith.constant 16 : i32
        %add3A_1392 = vector.broadcast %add3A_1391 : i32 to vector<16xi32>
        %add3A_1393 = arith.addi %all_reduce_ffs3A_1382, %add3A_1392 : vector<16xi32>
        %add3A_1394 = arith.constant 32 : i32
        %add3A_1395 = vector.broadcast %add3A_1394 : i32 to vector<16xi32>
        %add3A_1396 = arith.addi %all_reduce_ffs3A_1384, %add3A_1395 : vector<16xi32>
        %select_n3A_1397 = arith.select %lt3A_1390, %add3A_1393, %add3A_1396 : vector<16xi1>, vector<16xi32>
        %select_n3A_1398 = arith.select %lt3A_1387, %all_reduce_ffs3A_1380, %select_n3A_1397 : vector<16xi1>, vector<16xi32>
        %mul3A_1399 = arith.constant 24 : i32
        %mul3A_1400 = vector.broadcast %mul3A_1399 : i32 to vector<16xi32>
        %mul3A_1401 = arith.muli %broadcast_in_dim3A_35, %mul3A_1400 : vector<16xi32>
        %broadcast_in_dim3A_1402 = arith.constant 20 : i32
        %broadcast_in_dim3A_1403 = vector.broadcast %broadcast_in_dim3A_1402 : i32 to vector<16xi32>
        %add3A_1404 = arith.addi %mul3A_1401, %broadcast_in_dim3A_1403 : vector<16xi32>
        tpu.vector_store_idx %arg10[%add3A_1404], %select_n3A_1398 masked %eq3A_6 : memref<384xi32, #tpu.memory_space<vmem>>[vector<16xi32>], vector<16xi32>, vector<16xi1>
        %mul3A_1405 = arith.constant 48 : i32
        %mul3A_1406 = vector.broadcast %mul3A_1405 : i32 to vector<16xi32>
        %mul3A_1407 = arith.muli %broadcast_in_dim3A_35, %mul3A_1406 : vector<16xi32>
        %add3A_1408 = arith.addi %mul3A_1407, %select_n3A_1398 : vector<16xi32>
        %gather3A_1409 = tpu.vector_load_idx %arg7[%add3A_1408] : memref<768xi32, #tpu.memory_space<vmem>>[vector<16xi32>], vector<16xi32>,
        %and3A_1410 = arith.constant 255 : i32
        %and3A_1411 = vector.broadcast %and3A_1410 : i32 to vector<16xi32>
        %and3A_1412 = arith.andi %gather3A_1409, %and3A_1411 : vector<16xi32>
        %shift_right_arithmetic3A_1413 = arith.constant 8 : i32
        %shift_right_arithmetic3A_1414 = vector.broadcast %shift_right_arithmetic3A_1413 : i32 to vector<16xi32>
        %shift_right_arithmetic3A_1415 = arith.shrsi %gather3A_1409, %shift_right_arithmetic3A_1414 : vector<16xi32>
        %shift_left3A_1416 = arith.constant 3 : i32
        %shift_left3A_1417 = vector.broadcast %shift_left3A_1416 : i32 to vector<16xi32>
        %shift_left3A_1418 = arith.shli %shift_right_arithmetic3A_1415, %shift_left3A_1417 : vector<16xi32>
        %shift_left3A_1419 = arith.shli %broadcast_in_dim3A_7, %shift_left3A_1418 : vector<16xi32>
        tpu.vector_store_idx %arg11[%broadcast_in_dim3A_35, %and3A_1412], %shift_left3A_1419 masked %eq3A_6 {add = true} : memref<16x256xi32, #tpu.memory_space<vmem>>[vector<16xi32>, vector<16xi32>], vector<16xi32>, vector<16xi1>
        %eq3A_1420 = arith.cmpi eq, %select_n3A_1398, %iota3A : vector<16xi32>
        %broadcast_in_dim3A_1421 = vector.broadcast %scan3A_10 : f32 to vector<16xf32>
        %select_n3A_1422 = arith.select %eq3A_1420, %broadcast_in_dim3A_1421, %select_n3A_1359 : vector<16xi1>, vector<16xf32>
        %add3A_1423 = arith.constant 16 : i32
        %add3A_1424 = vector.broadcast %add3A_1423 : i32 to vector<16xi32>
        %add3A_1425 = arith.addi %iota3A, %add3A_1424 : vector<16xi32>
        %eq3A_1426 = arith.cmpi eq, %select_n3A_1398, %add3A_1425 : vector<16xi32>
        %broadcast_in_dim3A_1427 = vector.broadcast %scan3A_10 : f32 to vector<16xf32>
        %select_n3A_1428 = arith.select %eq3A_1426, %broadcast_in_dim3A_1427, %select_n3A_1365 : vector<16xi1>, vector<16xf32>
        %add3A_1429 = arith.constant 32 : i32
        %add3A_1430 = vector.broadcast %add3A_1429 : i32 to vector<16xi32>
        %add3A_1431 = arith.addi %iota3A, %add3A_1430 : vector<16xi32>
        %eq3A_1432 = arith.cmpi eq, %select_n3A_1398, %add3A_1431 : vector<16xi32>
        %broadcast_in_dim3A_1433 = vector.broadcast %scan3A_10 : f32 to vector<16xf32>
        %select_n3A_1434 = arith.select %eq3A_1432, %broadcast_in_dim3A_1433, %select_n3A_1371 : vector<16xi1>, vector<16xf32>
        %max3A_1435 = arith.maximumf %select_n3A_1422, %select_n3A_1428 : vector<16xf32>
        %max3A_1436 = arith.maximumf %max3A_1435, %select_n3A_1434 : vector<16xf32>
        %reduce_max3A_1437 = arith.constant true
        %reduce_max3A_1438 = vector.broadcast %reduce_max3A_1437 : i1 to vector<16xi1>
        %reduce_max3A_1439 = tpu.scan <max>, %max3A_1436 masked %reduce_max3A_1438 : vector<16xf32>, vector<16xi1> -> vector<16xf32>
        %reduce_max3A_1440 = vector.extract %reduce_max3A_1439[15] : f32 from vector<16xf32>
        %broadcast_in_dim3A_1441 = vector.broadcast %reduce_max3A_1440 : f32 to vector<16xf32>
        %eq3A_1442 = arith.cmpf oeq, %select_n3A_1422, %broadcast_in_dim3A_1441 : vector<16xf32>
        %all_reduce_ffs3A_1443 = tpu.all_reduce %eq3A_1442 {dim = 0 : i64, kind = #tpu.reduction_kind<find_first_set>} : vector<16xi1> -> vector<16xi32>
        %eq3A_1444 = arith.cmpf oeq, %select_n3A_1428, %broadcast_in_dim3A_1441 : vector<16xf32>
        %all_reduce_ffs3A_1445 = tpu.all_reduce %eq3A_1444 {dim = 0 : i64, kind = #tpu.reduction_kind<find_first_set>} : vector<16xi1> -> vector<16xi32>
        %eq3A_1446 = arith.cmpf oeq, %select_n3A_1434, %broadcast_in_dim3A_1441 : vector<16xf32>
        %all_reduce_ffs3A_1447 = tpu.all_reduce %eq3A_1446 {dim = 0 : i64, kind = #tpu.reduction_kind<find_first_set>} : vector<16xi1> -> vector<16xi32>
        %lt3A_1448 = arith.constant 16 : i32
        %lt3A_1449 = vector.broadcast %lt3A_1448 : i32 to vector<16xi32>
        %lt3A_1450 = arith.cmpi slt, %all_reduce_ffs3A_1443, %lt3A_1449 : vector<16xi32>
        %lt3A_1451 = arith.constant 16 : i32
        %lt3A_1452 = vector.broadcast %lt3A_1451 : i32 to vector<16xi32>
        %lt3A_1453 = arith.cmpi slt, %all_reduce_ffs3A_1445, %lt3A_1452 : vector<16xi32>
        %add3A_1454 = arith.constant 16 : i32
        %add3A_1455 = vector.broadcast %add3A_1454 : i32 to vector<16xi32>
        %add3A_1456 = arith.addi %all_reduce_ffs3A_1445, %add3A_1455 : vector<16xi32>
        %add3A_1457 = arith.constant 32 : i32
        %add3A_1458 = vector.broadcast %add3A_1457 : i32 to vector<16xi32>
        %add3A_1459 = arith.addi %all_reduce_ffs3A_1447, %add3A_1458 : vector<16xi32>
        %select_n3A_1460 = arith.select %lt3A_1453, %add3A_1456, %add3A_1459 : vector<16xi1>, vector<16xi32>
        %select_n3A_1461 = arith.select %lt3A_1450, %all_reduce_ffs3A_1443, %select_n3A_1460 : vector<16xi1>, vector<16xi32>
        %mul3A_1462 = arith.constant 24 : i32
        %mul3A_1463 = vector.broadcast %mul3A_1462 : i32 to vector<16xi32>
        %mul3A_1464 = arith.muli %broadcast_in_dim3A_35, %mul3A_1463 : vector<16xi32>
        %broadcast_in_dim3A_1465 = arith.constant 21 : i32
        %broadcast_in_dim3A_1466 = vector.broadcast %broadcast_in_dim3A_1465 : i32 to vector<16xi32>
        %add3A_1467 = arith.addi %mul3A_1464, %broadcast_in_dim3A_1466 : vector<16xi32>
        tpu.vector_store_idx %arg10[%add3A_1467], %select_n3A_1461 masked %eq3A_6 : memref<384xi32, #tpu.memory_space<vmem>>[vector<16xi32>], vector<16xi32>, vector<16xi1>
        %mul3A_1468 = arith.constant 48 : i32
        %mul3A_1469 = vector.broadcast %mul3A_1468 : i32 to vector<16xi32>
        %mul3A_1470 = arith.muli %broadcast_in_dim3A_35, %mul3A_1469 : vector<16xi32>
        %add3A_1471 = arith.addi %mul3A_1470, %select_n3A_1461 : vector<16xi32>
        %gather3A_1472 = tpu.vector_load_idx %arg7[%add3A_1471] : memref<768xi32, #tpu.memory_space<vmem>>[vector<16xi32>], vector<16xi32>,
        %and3A_1473 = arith.constant 255 : i32
        %and3A_1474 = vector.broadcast %and3A_1473 : i32 to vector<16xi32>
        %and3A_1475 = arith.andi %gather3A_1472, %and3A_1474 : vector<16xi32>
        %shift_right_arithmetic3A_1476 = arith.constant 8 : i32
        %shift_right_arithmetic3A_1477 = vector.broadcast %shift_right_arithmetic3A_1476 : i32 to vector<16xi32>
        %shift_right_arithmetic3A_1478 = arith.shrsi %gather3A_1472, %shift_right_arithmetic3A_1477 : vector<16xi32>
        %shift_left3A_1479 = arith.constant 3 : i32
        %shift_left3A_1480 = vector.broadcast %shift_left3A_1479 : i32 to vector<16xi32>
        %shift_left3A_1481 = arith.shli %shift_right_arithmetic3A_1478, %shift_left3A_1480 : vector<16xi32>
        %shift_left3A_1482 = arith.shli %broadcast_in_dim3A_7, %shift_left3A_1481 : vector<16xi32>
        tpu.vector_store_idx %arg11[%broadcast_in_dim3A_35, %and3A_1475], %shift_left3A_1482 masked %eq3A_6 {add = true} : memref<16x256xi32, #tpu.memory_space<vmem>>[vector<16xi32>, vector<16xi32>], vector<16xi32>, vector<16xi1>
        %eq3A_1483 = arith.cmpi eq, %select_n3A_1461, %iota3A : vector<16xi32>
        %broadcast_in_dim3A_1484 = vector.broadcast %scan3A_10 : f32 to vector<16xf32>
        %select_n3A_1485 = arith.select %eq3A_1483, %broadcast_in_dim3A_1484, %select_n3A_1422 : vector<16xi1>, vector<16xf32>
        %add3A_1486 = arith.constant 16 : i32
        %add3A_1487 = vector.broadcast %add3A_1486 : i32 to vector<16xi32>
        %add3A_1488 = arith.addi %iota3A, %add3A_1487 : vector<16xi32>
        %eq3A_1489 = arith.cmpi eq, %select_n3A_1461, %add3A_1488 : vector<16xi32>
        %broadcast_in_dim3A_1490 = vector.broadcast %scan3A_10 : f32 to vector<16xf32>
        %select_n3A_1491 = arith.select %eq3A_1489, %broadcast_in_dim3A_1490, %select_n3A_1428 : vector<16xi1>, vector<16xf32>
        %add3A_1492 = arith.constant 32 : i32
        %add3A_1493 = vector.broadcast %add3A_1492 : i32 to vector<16xi32>
        %add3A_1494 = arith.addi %iota3A, %add3A_1493 : vector<16xi32>
        %eq3A_1495 = arith.cmpi eq, %select_n3A_1461, %add3A_1494 : vector<16xi32>
        %broadcast_in_dim3A_1496 = vector.broadcast %scan3A_10 : f32 to vector<16xf32>
        %select_n3A_1497 = arith.select %eq3A_1495, %broadcast_in_dim3A_1496, %select_n3A_1434 : vector<16xi1>, vector<16xf32>
        %max3A_1498 = arith.maximumf %select_n3A_1485, %select_n3A_1491 : vector<16xf32>
        %max3A_1499 = arith.maximumf %max3A_1498, %select_n3A_1497 : vector<16xf32>
        %reduce_max3A_1500 = arith.constant true
        %reduce_max3A_1501 = vector.broadcast %reduce_max3A_1500 : i1 to vector<16xi1>
        %reduce_max3A_1502 = tpu.scan <max>, %max3A_1499 masked %reduce_max3A_1501 : vector<16xf32>, vector<16xi1> -> vector<16xf32>
        %reduce_max3A_1503 = vector.extract %reduce_max3A_1502[15] : f32 from vector<16xf32>
        %broadcast_in_dim3A_1504 = vector.broadcast %reduce_max3A_1503 : f32 to vector<16xf32>
        %eq3A_1505 = arith.cmpf oeq, %select_n3A_1485, %broadcast_in_dim3A_1504 : vector<16xf32>
        %all_reduce_ffs3A_1506 = tpu.all_reduce %eq3A_1505 {dim = 0 : i64, kind = #tpu.reduction_kind<find_first_set>} : vector<16xi1> -> vector<16xi32>
        %eq3A_1507 = arith.cmpf oeq, %select_n3A_1491, %broadcast_in_dim3A_1504 : vector<16xf32>
        %all_reduce_ffs3A_1508 = tpu.all_reduce %eq3A_1507 {dim = 0 : i64, kind = #tpu.reduction_kind<find_first_set>} : vector<16xi1> -> vector<16xi32>
        %eq3A_1509 = arith.cmpf oeq, %select_n3A_1497, %broadcast_in_dim3A_1504 : vector<16xf32>
        %all_reduce_ffs3A_1510 = tpu.all_reduce %eq3A_1509 {dim = 0 : i64, kind = #tpu.reduction_kind<find_first_set>} : vector<16xi1> -> vector<16xi32>
        %lt3A_1511 = arith.constant 16 : i32
        %lt3A_1512 = vector.broadcast %lt3A_1511 : i32 to vector<16xi32>
        %lt3A_1513 = arith.cmpi slt, %all_reduce_ffs3A_1506, %lt3A_1512 : vector<16xi32>
        %lt3A_1514 = arith.constant 16 : i32
        %lt3A_1515 = vector.broadcast %lt3A_1514 : i32 to vector<16xi32>
        %lt3A_1516 = arith.cmpi slt, %all_reduce_ffs3A_1508, %lt3A_1515 : vector<16xi32>
        %add3A_1517 = arith.constant 16 : i32
        %add3A_1518 = vector.broadcast %add3A_1517 : i32 to vector<16xi32>
        %add3A_1519 = arith.addi %all_reduce_ffs3A_1508, %add3A_1518 : vector<16xi32>
        %add3A_1520 = arith.constant 32 : i32
        %add3A_1521 = vector.broadcast %add3A_1520 : i32 to vector<16xi32>
        %add3A_1522 = arith.addi %all_reduce_ffs3A_1510, %add3A_1521 : vector<16xi32>
        %select_n3A_1523 = arith.select %lt3A_1516, %add3A_1519, %add3A_1522 : vector<16xi1>, vector<16xi32>
        %select_n3A_1524 = arith.select %lt3A_1513, %all_reduce_ffs3A_1506, %select_n3A_1523 : vector<16xi1>, vector<16xi32>
        %mul3A_1525 = arith.constant 24 : i32
        %mul3A_1526 = vector.broadcast %mul3A_1525 : i32 to vector<16xi32>
        %mul3A_1527 = arith.muli %broadcast_in_dim3A_35, %mul3A_1526 : vector<16xi32>
        %broadcast_in_dim3A_1528 = arith.constant 22 : i32
        %broadcast_in_dim3A_1529 = vector.broadcast %broadcast_in_dim3A_1528 : i32 to vector<16xi32>
        %add3A_1530 = arith.addi %mul3A_1527, %broadcast_in_dim3A_1529 : vector<16xi32>
        tpu.vector_store_idx %arg10[%add3A_1530], %select_n3A_1524 masked %eq3A_6 : memref<384xi32, #tpu.memory_space<vmem>>[vector<16xi32>], vector<16xi32>, vector<16xi1>
        %mul3A_1531 = arith.constant 48 : i32
        %mul3A_1532 = vector.broadcast %mul3A_1531 : i32 to vector<16xi32>
        %mul3A_1533 = arith.muli %broadcast_in_dim3A_35, %mul3A_1532 : vector<16xi32>
        %add3A_1534 = arith.addi %mul3A_1533, %select_n3A_1524 : vector<16xi32>
        %gather3A_1535 = tpu.vector_load_idx %arg7[%add3A_1534] : memref<768xi32, #tpu.memory_space<vmem>>[vector<16xi32>], vector<16xi32>,
        %and3A_1536 = arith.constant 255 : i32
        %and3A_1537 = vector.broadcast %and3A_1536 : i32 to vector<16xi32>
        %and3A_1538 = arith.andi %gather3A_1535, %and3A_1537 : vector<16xi32>
        %shift_right_arithmetic3A_1539 = arith.constant 8 : i32
        %shift_right_arithmetic3A_1540 = vector.broadcast %shift_right_arithmetic3A_1539 : i32 to vector<16xi32>
        %shift_right_arithmetic3A_1541 = arith.shrsi %gather3A_1535, %shift_right_arithmetic3A_1540 : vector<16xi32>
        %shift_left3A_1542 = arith.constant 3 : i32
        %shift_left3A_1543 = vector.broadcast %shift_left3A_1542 : i32 to vector<16xi32>
        %shift_left3A_1544 = arith.shli %shift_right_arithmetic3A_1541, %shift_left3A_1543 : vector<16xi32>
        %shift_left3A_1545 = arith.shli %broadcast_in_dim3A_7, %shift_left3A_1544 : vector<16xi32>
        tpu.vector_store_idx %arg11[%broadcast_in_dim3A_35, %and3A_1538], %shift_left3A_1545 masked %eq3A_6 {add = true} : memref<16x256xi32, #tpu.memory_space<vmem>>[vector<16xi32>, vector<16xi32>], vector<16xi32>, vector<16xi1>
        %eq3A_1546 = arith.cmpi eq, %select_n3A_1524, %iota3A : vector<16xi32>
        %broadcast_in_dim3A_1547 = vector.broadcast %scan3A_10 : f32 to vector<16xf32>
        %select_n3A_1548 = arith.select %eq3A_1546, %broadcast_in_dim3A_1547, %select_n3A_1485 : vector<16xi1>, vector<16xf32>
        %add3A_1549 = arith.constant 16 : i32
        %add3A_1550 = vector.broadcast %add3A_1549 : i32 to vector<16xi32>
        %add3A_1551 = arith.addi %iota3A, %add3A_1550 : vector<16xi32>
        %eq3A_1552 = arith.cmpi eq, %select_n3A_1524, %add3A_1551 : vector<16xi32>
        %broadcast_in_dim3A_1553 = vector.broadcast %scan3A_10 : f32 to vector<16xf32>
        %select_n3A_1554 = arith.select %eq3A_1552, %broadcast_in_dim3A_1553, %select_n3A_1491 : vector<16xi1>, vector<16xf32>
        %add3A_1555 = arith.constant 32 : i32
        %add3A_1556 = vector.broadcast %add3A_1555 : i32 to vector<16xi32>
        %add3A_1557 = arith.addi %iota3A, %add3A_1556 : vector<16xi32>
        %eq3A_1558 = arith.cmpi eq, %select_n3A_1524, %add3A_1557 : vector<16xi32>
        %broadcast_in_dim3A_1559 = vector.broadcast %scan3A_10 : f32 to vector<16xf32>
        %select_n3A_1560 = arith.select %eq3A_1558, %broadcast_in_dim3A_1559, %select_n3A_1497 : vector<16xi1>, vector<16xf32>
        %max3A_1561 = arith.maximumf %select_n3A_1548, %select_n3A_1554 : vector<16xf32>
        %max3A_1562 = arith.maximumf %max3A_1561, %select_n3A_1560 : vector<16xf32>
        %reduce_max3A_1563 = arith.constant true
        %reduce_max3A_1564 = vector.broadcast %reduce_max3A_1563 : i1 to vector<16xi1>
        %reduce_max3A_1565 = tpu.scan <max>, %max3A_1562 masked %reduce_max3A_1564 : vector<16xf32>, vector<16xi1> -> vector<16xf32>
        %reduce_max3A_1566 = vector.extract %reduce_max3A_1565[15] : f32 from vector<16xf32>
        %broadcast_in_dim3A_1567 = vector.broadcast %reduce_max3A_1566 : f32 to vector<16xf32>
        %eq3A_1568 = arith.cmpf oeq, %select_n3A_1548, %broadcast_in_dim3A_1567 : vector<16xf32>
        %all_reduce_ffs3A_1569 = tpu.all_reduce %eq3A_1568 {dim = 0 : i64, kind = #tpu.reduction_kind<find_first_set>} : vector<16xi1> -> vector<16xi32>
        %eq3A_1570 = arith.cmpf oeq, %select_n3A_1554, %broadcast_in_dim3A_1567 : vector<16xf32>
        %all_reduce_ffs3A_1571 = tpu.all_reduce %eq3A_1570 {dim = 0 : i64, kind = #tpu.reduction_kind<find_first_set>} : vector<16xi1> -> vector<16xi32>
        %eq3A_1572 = arith.cmpf oeq, %select_n3A_1560, %broadcast_in_dim3A_1567 : vector<16xf32>
        %all_reduce_ffs3A_1573 = tpu.all_reduce %eq3A_1572 {dim = 0 : i64, kind = #tpu.reduction_kind<find_first_set>} : vector<16xi1> -> vector<16xi32>
        %lt3A_1574 = arith.constant 16 : i32
        %lt3A_1575 = vector.broadcast %lt3A_1574 : i32 to vector<16xi32>
        %lt3A_1576 = arith.cmpi slt, %all_reduce_ffs3A_1569, %lt3A_1575 : vector<16xi32>
        %lt3A_1577 = arith.constant 16 : i32
        %lt3A_1578 = vector.broadcast %lt3A_1577 : i32 to vector<16xi32>
        %lt3A_1579 = arith.cmpi slt, %all_reduce_ffs3A_1571, %lt3A_1578 : vector<16xi32>
        %add3A_1580 = arith.constant 16 : i32
        %add3A_1581 = vector.broadcast %add3A_1580 : i32 to vector<16xi32>
        %add3A_1582 = arith.addi %all_reduce_ffs3A_1571, %add3A_1581 : vector<16xi32>
        %add3A_1583 = arith.constant 32 : i32
        %add3A_1584 = vector.broadcast %add3A_1583 : i32 to vector<16xi32>
        %add3A_1585 = arith.addi %all_reduce_ffs3A_1573, %add3A_1584 : vector<16xi32>
        %select_n3A_1586 = arith.select %lt3A_1579, %add3A_1582, %add3A_1585 : vector<16xi1>, vector<16xi32>
        %select_n3A_1587 = arith.select %lt3A_1576, %all_reduce_ffs3A_1569, %select_n3A_1586 : vector<16xi1>, vector<16xi32>
        %mul3A_1588 = arith.constant 24 : i32
        %mul3A_1589 = vector.broadcast %mul3A_1588 : i32 to vector<16xi32>
        %mul3A_1590 = arith.muli %broadcast_in_dim3A_35, %mul3A_1589 : vector<16xi32>
        %broadcast_in_dim3A_1591 = arith.constant 23 : i32
        %broadcast_in_dim3A_1592 = vector.broadcast %broadcast_in_dim3A_1591 : i32 to vector<16xi32>
        %add3A_1593 = arith.addi %mul3A_1590, %broadcast_in_dim3A_1592 : vector<16xi32>
        tpu.vector_store_idx %arg10[%add3A_1593], %select_n3A_1587 masked %eq3A_6 : memref<384xi32, #tpu.memory_space<vmem>>[vector<16xi32>], vector<16xi32>, vector<16xi1>
        %mul3A_1594 = arith.constant 48 : i32
        %mul3A_1595 = vector.broadcast %mul3A_1594 : i32 to vector<16xi32>
        %mul3A_1596 = arith.muli %broadcast_in_dim3A_35, %mul3A_1595 : vector<16xi32>
        %add3A_1597 = arith.addi %mul3A_1596, %select_n3A_1587 : vector<16xi32>
        %gather3A_1598 = tpu.vector_load_idx %arg7[%add3A_1597] : memref<768xi32, #tpu.memory_space<vmem>>[vector<16xi32>], vector<16xi32>,
        %and3A_1599 = arith.constant 255 : i32
        %and3A_1600 = vector.broadcast %and3A_1599 : i32 to vector<16xi32>
        %and3A_1601 = arith.andi %gather3A_1598, %and3A_1600 : vector<16xi32>
        %shift_right_arithmetic3A_1602 = arith.constant 8 : i32
        %shift_right_arithmetic3A_1603 = vector.broadcast %shift_right_arithmetic3A_1602 : i32 to vector<16xi32>
        %shift_right_arithmetic3A_1604 = arith.shrsi %gather3A_1598, %shift_right_arithmetic3A_1603 : vector<16xi32>
        %shift_left3A_1605 = arith.constant 3 : i32
        %shift_left3A_1606 = vector.broadcast %shift_left3A_1605 : i32 to vector<16xi32>
        %shift_left3A_1607 = arith.shli %shift_right_arithmetic3A_1604, %shift_left3A_1606 : vector<16xi32>
        %shift_left3A_1608 = arith.shli %broadcast_in_dim3A_7, %shift_left3A_1607 : vector<16xi32>
        tpu.vector_store_idx %arg11[%broadcast_in_dim3A_35, %and3A_1601], %shift_left3A_1608 masked %eq3A_6 {add = true} : memref<16x256xi32, #tpu.memory_space<vmem>>[vector<16xi32>, vector<16xi32>], vector<16xi32>, vector<16xi1>
        %eq3A_1609 = arith.cmpi eq, %select_n3A_1587, %iota3A : vector<16xi32>
        %broadcast_in_dim3A_1610 = vector.broadcast %scan3A_10 : f32 to vector<16xf32>
        %select_n3A_1611 = arith.select %eq3A_1609, %broadcast_in_dim3A_1610, %select_n3A_1548 : vector<16xi1>, vector<16xf32>
        %add3A_1612 = arith.constant 16 : i32
        %add3A_1613 = vector.broadcast %add3A_1612 : i32 to vector<16xi32>
        %add3A_1614 = arith.addi %iota3A, %add3A_1613 : vector<16xi32>
        %eq3A_1615 = arith.cmpi eq, %select_n3A_1587, %add3A_1614 : vector<16xi32>
        %broadcast_in_dim3A_1616 = vector.broadcast %scan3A_10 : f32 to vector<16xf32>
        %select_n3A_1617 = arith.select %eq3A_1615, %broadcast_in_dim3A_1616, %select_n3A_1554 : vector<16xi1>, vector<16xf32>
        %add3A_1618 = arith.constant 32 : i32
        %add3A_1619 = vector.broadcast %add3A_1618 : i32 to vector<16xi32>
        %add3A_1620 = arith.addi %iota3A, %add3A_1619 : vector<16xi32>
        %eq3A_1621 = arith.cmpi eq, %select_n3A_1587, %add3A_1620 : vector<16xi32>
        %broadcast_in_dim3A_1622 = vector.broadcast %scan3A_10 : f32 to vector<16xf32>
        %select_n3A_1623 = arith.select %eq3A_1621, %broadcast_in_dim3A_1622, %select_n3A_1560 : vector<16xi1>, vector<16xf32>
      }
      %scan3A_31 = arith.constant 16 : i32
      %mul3A_32 = arith.constant 24 : i32
      %mul3A_33 = arith.muli %add3A_19, %mul3A_32 : i32
      "tpu.region"() ({
        %run_scoped3A = tpu.sem_alloc : memref<!tpu.dma_semaphore, #tpu.memory_space<semaphore_mem>>
        %dma_start3A_34 = tpu.memref_slice %arg5[%mul3A_33] : memref<98304xi32, #tpu.memory_space<hbm>> -> memref<384xi32, #tpu.memory_space<hbm>>
        %dma_start3A_35 = tpu.memref_slice %arg5[%mul3A_33] : memref<98304xi32, #tpu.memory_space<hbm>> -> memref<384xi32, #tpu.memory_space<hbm>>
        tpu.enqueue_dma source(%arg10 : memref<384xi32, #tpu.memory_space<vmem>>) target(%dma_start3A_35 : memref<384xi32, #tpu.memory_space<hbm>>) target_semaphore(%run_scoped3A : memref<!tpu.dma_semaphore, #tpu.memory_space<semaphore_mem>>)
        %dma_wait3A_36 = tpu.memref_slice %arg5[%mul3A_33] : memref<98304xi32, #tpu.memory_space<hbm>> -> memref<384xi32, #tpu.memory_space<hbm>>
        %dma_wait3A_37 = tpu.memref_slice %arg5[%mul3A_33] : memref<98304xi32, #tpu.memory_space<hbm>> -> memref<384xi32, #tpu.memory_space<hbm>>
        tpu.wait_dma2 semaphore(%run_scoped3A : memref<!tpu.dma_semaphore, #tpu.memory_space<semaphore_mem>>) src(%arg10 : memref<384xi32, #tpu.memory_space<vmem>>) dst(%dma_wait3A_37 : memref<384xi32, #tpu.memory_space<hbm>>)
        tpu.yield
      }) : () -> ()
      "tpu.region"() ({
        %run_scoped3A = tpu.sem_alloc : memref<!tpu.dma_semaphore, #tpu.memory_space<semaphore_mem>>
        %dma_start3A_34 = arith.constant 0 : i32
        %dma_start3A_35 = tpu.memref_slice %arg6[%add3A_19, %dma_start3A_34] : memref<4096x256xi32, #tpu.memory_space<hbm>> -> memref<16x256xi32, #tpu.memory_space<hbm>>
        %dma_start3A_36 = arith.constant 0 : i32
        %dma_start3A_37 = tpu.memref_slice %arg6[%add3A_19, %dma_start3A_36] : memref<4096x256xi32, #tpu.memory_space<hbm>> -> memref<16x256xi32, #tpu.memory_space<hbm>>
        tpu.enqueue_dma source(%arg11 : memref<16x256xi32, #tpu.memory_space<vmem>>) target(%dma_start3A_37 : memref<16x256xi32, #tpu.memory_space<hbm>>) target_semaphore(%run_scoped3A : memref<!tpu.dma_semaphore, #tpu.memory_space<semaphore_mem>>)
        %dma_wait3A_38 = arith.constant 0 : i32
        %dma_wait3A_39 = tpu.memref_slice %arg6[%add3A_19, %dma_wait3A_38] : memref<4096x256xi32, #tpu.memory_space<hbm>> -> memref<16x256xi32, #tpu.memory_space<hbm>>
        %dma_wait3A_40 = arith.constant 0 : i32
        %dma_wait3A_41 = tpu.memref_slice %arg6[%add3A_19, %dma_wait3A_40] : memref<4096x256xi32, #tpu.memory_space<hbm>> -> memref<16x256xi32, #tpu.memory_space<hbm>>
        tpu.wait_dma2 semaphore(%run_scoped3A : memref<!tpu.dma_semaphore, #tpu.memory_space<semaphore_mem>>) src(%arg11 : memref<16x256xi32, #tpu.memory_space<vmem>>) dst(%dma_wait3A_41 : memref<16x256xi32, #tpu.memory_space<hbm>>)
        tpu.yield
      }) : () -> ()
    }
    %scan3A_15 = arith.constant 8 : i32
    return
  }
}

module attributes {stable_mosaic.version = 14 : i64} {
  func.func @_gram_body(%arg0: i32, %arg1: memref<1x1024x512xf32, #tpu.memory_space<vmem>>, %arg2: memref<512x1xi32, #tpu.memory_space<vmem>>, %arg3: memref<512x1024xf32, #tpu.memory_space<vmem>>, %arg4: memref<512x1024xf32, #tpu.memory_space<vmem>>) attributes {dimension_semantics = [#tpu.dimension_semantics<arbitrary>], iteration_bounds = array<i64: 8>, scalar_prefetch = 0 : i64, scratch_operands = 1 : i64, tpu.core_type = #tpu.core_type<tc>, window_params = [{transform_indices = @transform_0, window_bounds = array<i64: 1, 1024, 512>}, {pipeline_mode = #tpu.pipeline_mode<synchronous>, transform_indices = @transform_1, window_bounds = array<i64: 512, 1>}, {transform_indices = @transform_2, window_bounds = array<i64: 512, 1024>}]} {
    %eq3A = arith.constant 0 : i32
    %eq3A_0 = arith.cmpi eq, %arg0, %eq3A : i32
    %convert_element_type3A = arith.extui %eq3A_0 : i1 to i32
    %cond3A = arith.constant 0 : i32
    %cond3A_1 = arith.cmpi ne, %convert_element_type3A, %cond3A : i32
    scf.if %cond3A_1 {
      %iota3A = tpu.iota {dimensions = array<i32: 1>} : vector<512x1024xi32>
      %get3A_18 = arith.constant 0 : index
      %get3A_19 = arith.constant 0 : index
      %get3A_20 = vector.load %arg2[%get3A_18, %get3A_19] : memref<512x1xi32, #tpu.memory_space<vmem>>, vector<512x1xi32>
      %eq3A_21 = vector.broadcast %get3A_20 : vector<512x1xi32> to vector<512x1024xi32>
      %eq3A_22 = arith.cmpi eq, %iota3A, %eq3A_21 : vector<512x1024xi32>
      %convert_element_type3A_23 = arith.extui %eq3A_22 : vector<512x1024xi1> to vector<512x1024xi32>
      %convert_element_type3A_24 = arith.sitofp %convert_element_type3A_23 : vector<512x1024xi32> to vector<512x1024xf32>
      %swap3A_25 = arith.constant 0 : index
      %swap3A_26 = arith.constant 0 : index
      %swap3A_27 = vector.load %arg4[%swap3A_25, %swap3A_26] : memref<512x1024xf32, #tpu.memory_space<vmem>>, vector<512x1024xf32>
      tpu.vector_store %arg4[%swap3A_25, %swap3A_26], %convert_element_type3A_24 {strides = array<i32>} : memref<512x1024xf32, #tpu.memory_space<vmem>>, vector<512x1024xf32>,
    } else {
    }
    %get3A = arith.constant 0 : index
    %get3A_2 = arith.constant 0 : index
    %get3A_3 = arith.constant 0 : index
    %get3A_4 = vector.load %arg1[%get3A, %get3A_2, %get3A_3] : memref<1x1024x512xf32, #tpu.memory_space<vmem>>, vector<1x1024x512xf32>
    %get3A_5 = vector.shape_cast %get3A_4 : vector<1x1024x512xf32> to vector<1024x512xf32>
    %mul3A = arith.mulf %get3A_5, %get3A_5 : vector<1024x512xf32>
    %reduce_sum3A = arith.constant dense<0.000000e+00> : vector<1024xf32>
    %reduce_sum3A_6 = vector.multi_reduction <add>, %mul3A, %reduce_sum3A [1] : vector<1024x512xf32> to vector<1024xf32>
    %broadcast_in_dim3A = vector.shape_cast %reduce_sum3A_6 : vector<1024xf32> to vector<1024x1xf32>
    %sqrt3A = math.sqrt %broadcast_in_dim3A : vector<1024x1xf32>
    %max3A = arith.constant 9.99999996E-13 : f32
    %max3A_7 = vector.broadcast %max3A : f32 to vector<1024x1xf32>
    %max3A_8 = arith.maximumf %sqrt3A, %max3A_7 : vector<1024x1xf32>
    %div3A = vector.broadcast %max3A_8 : vector<1024x1xf32> to vector<1024x512xf32>
    %div3A_9 = arith.divf %get3A_5, %div3A : vector<1024x512xf32>
    %get3A_10 = arith.constant 0 : index
    %get3A_11 = arith.constant 0 : index
    %get3A_12 = vector.load %arg4[%get3A_10, %get3A_11] : memref<512x1024xf32, #tpu.memory_space<vmem>>, vector<512x1024xf32>
    %dot_general3A = arith.constant dense<0.000000e+00> : vector<512x512xf32>
    %dot_general3A_13 = tpu.matmul %get3A_12, %div3A_9, %dot_general3A {dimension_numbers = #tpu.dot_dimension_numbers<[1], [0], [0], [1], [0, 0, 1, 1], [], []>, transpose_lhs_hint = false} : vector<512x1024xf32>, vector<1024x512xf32>, vector<512x512xf32> -> vector<512x512xf32>
    %dot_general3A_14 = arith.constant dense<0.000000e+00> : vector<512x1024xf32>
    %dot_general3A_15 = tpu.matmul %dot_general3A_13, %div3A_9, %dot_general3A_14 {dimension_numbers = #tpu.dot_dimension_numbers<[1], [1], [0], [0], [0, 0, 1, 0], [], []>, transpose_lhs_hint = false} : vector<512x512xf32>, vector<1024x512xf32>, vector<512x1024xf32> -> vector<512x1024xf32>
    %swap3A = arith.constant 0 : index
    %swap3A_16 = arith.constant 0 : index
    %swap3A_17 = vector.load %arg3[%swap3A, %swap3A_16] : memref<512x1024xf32, #tpu.memory_space<vmem>>, vector<512x1024xf32>
    tpu.vector_store %arg3[%swap3A, %swap3A_16], %dot_general3A_15 {strides = array<i32>} : memref<512x1024xf32, #tpu.memory_space<vmem>>, vector<512x1024xf32>,
    return
  }
  func.func @transform_0(%arg0: i32) -> (i32, i32, i32) {
    %c0_i32 = arith.constant 0 : i32
    %c0_i32_0 = arith.constant 0 : i32
    %c0_i32_1 = arith.constant 0 : i32
    return %arg0, %c0_i32, %c0_i32_0 : i32, i32, i32
  }
  func.func @transform_1(%arg0: i32) -> (i32, i32) {
    %c0_i32 = arith.constant 0 : i32
    %c0_i32_0 = arith.constant 0 : i32
    %c0_i32_1 = arith.constant 0 : i32
    return %c0_i32, %c0_i32_0 : i32, i32
  }
  func.func @transform_2(%arg0: i32) -> (i32, i32) {
    %c0_i32 = arith.constant 0 : i32
    %c0_i32_0 = arith.constant 0 : i32
    return %arg0, %c0_i32 : i32, i32
  }
}

module attributes {stable_mosaic.version = 14 : i64} {
  func.func @_mlp_body(%arg0: i32, %arg1: memref<512x256xi32, #tpu.memory_space<vmem>>, %arg2: memref<1x1024x512xf32, #tpu.memory_space<vmem>>, %arg3: memref<512x1024xf32, #tpu.memory_space<vmem>>, %arg4: memref<1x1024xf32, #tpu.memory_space<vmem>>, %arg5: memref<1x1024xf32, #tpu.memory_space<vmem>>, %arg6: memref<1x1024xf32, #tpu.memory_space<vmem>>, %arg7: memref<1024x256xf32, #tpu.memory_space<vmem>>, %arg8: memref<1x256xf32, #tpu.memory_space<vmem>>, %arg9: memref<512x256xf32, #tpu.memory_space<vmem>>) attributes {dimension_semantics = [#tpu.dimension_semantics<arbitrary>], iteration_bounds = array<i64: 8>, scalar_prefetch = 0 : i64, scratch_operands = 0 : i64, tpu.core_type = #tpu.core_type<tc>, window_params = [{transform_indices = @transform_0, window_bounds = array<i64: 512, 256>}, {transform_indices = @transform_1, window_bounds = array<i64: 1, 1024, 512>}, {pipeline_mode = #tpu.pipeline_mode<synchronous>, transform_indices = @transform_2, window_bounds = array<i64: 512, 1024>}, {pipeline_mode = #tpu.pipeline_mode<synchronous>, transform_indices = @transform_3, window_bounds = array<i64: 1, 1024>}, {pipeline_mode = #tpu.pipeline_mode<synchronous>, transform_indices = @transform_4, window_bounds = array<i64: 1, 1024>}, {pipeline_mode = #tpu.pipeline_mode<synchronous>, transform_indices = @transform_5, window_bounds = array<i64: 1, 1024>}, {pipeline_mode = #tpu.pipeline_mode<synchronous>, transform_indices = @transform_6, window_bounds = array<i64: 1024, 256>}, {pipeline_mode = #tpu.pipeline_mode<synchronous>, transform_indices = @transform_7, window_bounds = array<i64: 1, 256>}, {transform_indices = @transform_8, window_bounds = array<i64: 512, 256>}]} {
    %get3A = arith.constant 0 : index
    %get3A_0 = arith.constant 0 : index
    %get3A_1 = vector.load %arg1[%get3A, %get3A_0] : memref<512x256xi32, #tpu.memory_space<vmem>>, vector<512x256xi32>
    %shift_right_arithmetic3A = arith.constant 0 : i32
    %shift_right_arithmetic3A_2 = vector.broadcast %shift_right_arithmetic3A : i32 to vector<512x256xi32>
    %shift_right_arithmetic3A_3 = arith.shrsi %get3A_1, %shift_right_arithmetic3A_2 : vector<512x256xi32>
    %and3A = arith.constant 255 : i32
    %and3A_4 = vector.broadcast %and3A : i32 to vector<512x256xi32>
    %and3A_5 = arith.andi %shift_right_arithmetic3A_3, %and3A_4 : vector<512x256xi32>
    %shift_right_arithmetic3A_6 = arith.constant 8 : i32
    %shift_right_arithmetic3A_7 = vector.broadcast %shift_right_arithmetic3A_6 : i32 to vector<512x256xi32>
    %shift_right_arithmetic3A_8 = arith.shrsi %get3A_1, %shift_right_arithmetic3A_7 : vector<512x256xi32>
    %and3A_9 = arith.constant 255 : i32
    %and3A_10 = vector.broadcast %and3A_9 : i32 to vector<512x256xi32>
    %and3A_11 = arith.andi %shift_right_arithmetic3A_8, %and3A_10 : vector<512x256xi32>
    %shift_right_arithmetic3A_12 = arith.constant 16 : i32
    %shift_right_arithmetic3A_13 = vector.broadcast %shift_right_arithmetic3A_12 : i32 to vector<512x256xi32>
    %shift_right_arithmetic3A_14 = arith.shrsi %get3A_1, %shift_right_arithmetic3A_13 : vector<512x256xi32>
    %and3A_15 = arith.constant 255 : i32
    %and3A_16 = vector.broadcast %and3A_15 : i32 to vector<512x256xi32>
    %and3A_17 = arith.andi %shift_right_arithmetic3A_14, %and3A_16 : vector<512x256xi32>
    %shift_right_arithmetic3A_18 = arith.constant 24 : i32
    %shift_right_arithmetic3A_19 = vector.broadcast %shift_right_arithmetic3A_18 : i32 to vector<512x256xi32>
    %shift_right_arithmetic3A_20 = arith.shrsi %get3A_1, %shift_right_arithmetic3A_19 : vector<512x256xi32>
    %and3A_21 = arith.constant 255 : i32
    %and3A_22 = vector.broadcast %and3A_21 : i32 to vector<512x256xi32>
    %and3A_23 = arith.andi %shift_right_arithmetic3A_20, %and3A_22 : vector<512x256xi32>
    %concatenate3A = tpu.concatenate %and3A_5, %and3A_11, %and3A_17, %and3A_23 in 1 : vector<512x256xi32>, vector<512x256xi32>, vector<512x256xi32>, vector<512x256xi32> -> vector<512x1024xi32>
    %convert_element_type3A = arith.sitofp %concatenate3A : vector<512x1024xi32> to vector<512x1024xf32>
    %mul3A = arith.constant 4.000000e-02 : f32
    %mul3A_24 = vector.broadcast %mul3A : f32 to vector<512x1024xf32>
    %mul3A_25 = arith.mulf %convert_element_type3A, %mul3A_24 : vector<512x1024xf32>
    %get3A_26 = arith.constant 0 : index
    %get3A_27 = arith.constant 0 : index
    %get3A_28 = arith.constant 0 : index
    %get3A_29 = vector.load %arg2[%get3A_26, %get3A_27, %get3A_28] : memref<1x1024x512xf32, #tpu.memory_space<vmem>>, vector<1x1024x512xf32>
    %get3A_30 = vector.shape_cast %get3A_29 : vector<1x1024x512xf32> to vector<1024x512xf32>
    %dot_general3A = arith.constant dense<0.000000e+00> : vector<512x512xf32>
    %dot_general3A_31 = tpu.matmul %mul3A_25, %get3A_30, %dot_general3A {dimension_numbers = #tpu.dot_dimension_numbers<[1], [0], [0], [1], [0, 0, 1, 1], [], []>, transpose_lhs_hint = false} : vector<512x1024xf32>, vector<1024x512xf32>, vector<512x512xf32> -> vector<512x512xf32>
    %get3A_32 = arith.constant 0 : index
    %get3A_33 = arith.constant 0 : index
    %get3A_34 = vector.load %arg3[%get3A_32, %get3A_33] : memref<512x1024xf32, #tpu.memory_space<vmem>>, vector<512x1024xf32>
    %dot_general3A_35 = arith.constant dense<0.000000e+00> : vector<512x1024xf32>
    %dot_general3A_36 = tpu.matmul %dot_general3A_31, %get3A_34, %dot_general3A_35 {dimension_numbers = #tpu.dot_dimension_numbers<[1], [0], [0], [1], [0, 0, 1, 1], [], []>, transpose_lhs_hint = false} : vector<512x512xf32>, vector<512x1024xf32>, vector<512x1024xf32> -> vector<512x1024xf32>
    %get3A_37 = arith.constant 0 : index
    %get3A_38 = arith.constant 0 : index
    %get3A_39 = vector.load %arg4[%get3A_37, %get3A_38] : memref<1x1024xf32, #tpu.memory_space<vmem>>, vector<1x1024xf32>
    %add3A = vector.broadcast %get3A_39 : vector<1x1024xf32> to vector<512x1024xf32>
    %add3A_40 = arith.addf %dot_general3A_36, %add3A : vector<512x1024xf32>
    %sqrt3A = arith.constant 1.000010e+00 : f32
    %sqrt3A_41 = math.sqrt %sqrt3A : f32
    %div3A = vector.broadcast %sqrt3A_41 : f32 to vector<512x1024xf32>
    %div3A_42 = arith.divf %add3A_40, %div3A : vector<512x1024xf32>
    %get3A_43 = arith.constant 0 : index
    %get3A_44 = arith.constant 0 : index
    %get3A_45 = vector.load %arg5[%get3A_43, %get3A_44] : memref<1x1024xf32, #tpu.memory_space<vmem>>, vector<1x1024xf32>
    %mul3A_46 = vector.broadcast %get3A_45 : vector<1x1024xf32> to vector<512x1024xf32>
    %mul3A_47 = arith.mulf %div3A_42, %mul3A_46 : vector<512x1024xf32>
    %get3A_48 = arith.constant 0 : index
    %get3A_49 = arith.constant 0 : index
    %get3A_50 = vector.load %arg6[%get3A_48, %get3A_49] : memref<1x1024xf32, #tpu.memory_space<vmem>>, vector<1x1024xf32>
    %add3A_51 = vector.broadcast %get3A_50 : vector<1x1024xf32> to vector<512x1024xf32>
    %add3A_52 = arith.addf %mul3A_47, %add3A_51 : vector<512x1024xf32>
    %max3A = arith.constant 0.000000e+00 : f32
    %max3A_53 = vector.broadcast %max3A : f32 to vector<512x1024xf32>
    %max3A_54 = arith.maximumf %add3A_52, %max3A_53 : vector<512x1024xf32>
    %get3A_55 = arith.constant 0 : index
    %get3A_56 = arith.constant 0 : index
    %get3A_57 = vector.load %arg7[%get3A_55, %get3A_56] : memref<1024x256xf32, #tpu.memory_space<vmem>>, vector<1024x256xf32>
    %dot_general3A_58 = arith.constant dense<0.000000e+00> : vector<512x256xf32>
    %dot_general3A_59 = tpu.matmul %max3A_54, %get3A_57, %dot_general3A_58 {dimension_numbers = #tpu.dot_dimension_numbers<[1], [0], [0], [1], [0, 0, 1, 1], [], []>, transpose_lhs_hint = false} : vector<512x1024xf32>, vector<1024x256xf32>, vector<512x256xf32> -> vector<512x256xf32>
    %get3A_60 = arith.constant 0 : index
    %get3A_61 = arith.constant 0 : index
    %get3A_62 = vector.load %arg8[%get3A_60, %get3A_61] : memref<1x256xf32, #tpu.memory_space<vmem>>, vector<1x256xf32>
    %add3A_63 = vector.broadcast %get3A_62 : vector<1x256xf32> to vector<512x256xf32>
    %add3A_64 = arith.addf %dot_general3A_59, %add3A_63 : vector<512x256xf32>
    %swap3A = arith.constant 0 : index
    %swap3A_65 = arith.constant 0 : index
    %swap3A_66 = vector.load %arg9[%swap3A, %swap3A_65] : memref<512x256xf32, #tpu.memory_space<vmem>>, vector<512x256xf32>
    tpu.vector_store %arg9[%swap3A, %swap3A_65], %add3A_64 {strides = array<i32>} : memref<512x256xf32, #tpu.memory_space<vmem>>, vector<512x256xf32>,
    return
  }
  func.func @transform_0(%arg0: i32) -> (i32, i32) {
    %c0_i32 = arith.constant 0 : i32
    %c0_i32_0 = arith.constant 0 : i32
    return %arg0, %c0_i32 : i32, i32
  }
  func.func @transform_1(%arg0: i32) -> (i32, i32, i32) {
    %c0_i32 = arith.constant 0 : i32
    %c0_i32_0 = arith.constant 0 : i32
    %c0_i32_1 = arith.constant 0 : i32
    return %arg0, %c0_i32, %c0_i32_0 : i32, i32, i32
  }
  func.func @transform_2(%arg0: i32) -> (i32, i32) {
    %c0_i32 = arith.constant 0 : i32
    %c0_i32_0 = arith.constant 0 : i32
    %c0_i32_1 = arith.constant 0 : i32
    return %c0_i32, %c0_i32_0 : i32, i32
  }
  func.func @transform_3(%arg0: i32) -> (i32, i32) {
    %c0_i32 = arith.constant 0 : i32
    %c0_i32_0 = arith.constant 0 : i32
    %c0_i32_1 = arith.constant 0 : i32
    return %c0_i32, %c0_i32_0 : i32, i32
  }
  func.func @transform_4(%arg0: i32) -> (i32, i32) {
    %c0_i32 = arith.constant 0 : i32
    %c0_i32_0 = arith.constant 0 : i32
    %c0_i32_1 = arith.constant 0 : i32
    return %c0_i32, %c0_i32_0 : i32, i32
  }
  func.func @transform_5(%arg0: i32) -> (i32, i32) {
    %c0_i32 = arith.constant 0 : i32
    %c0_i32_0 = arith.constant 0 : i32
    %c0_i32_1 = arith.constant 0 : i32
    return %c0_i32, %c0_i32_0 : i32, i32
  }
  func.func @transform_6(%arg0: i32) -> (i32, i32) {
    %c0_i32 = arith.constant 0 : i32
    %c0_i32_0 = arith.constant 0 : i32
    %c0_i32_1 = arith.constant 0 : i32
    return %c0_i32, %c0_i32_0 : i32, i32
  }
  func.func @transform_7(%arg0: i32) -> (i32, i32) {
    %c0_i32 = arith.constant 0 : i32
    %c0_i32_0 = arith.constant 0 : i32
    %c0_i32_1 = arith.constant 0 : i32
    return %c0_i32, %c0_i32_0 : i32, i32
  }
  func.func @transform_8(%arg0: i32) -> (i32, i32) {
    %c0_i32 = arith.constant 0 : i32
    %c0_i32_0 = arith.constant 0 : i32
    return %arg0, %c0_i32 : i32, i32
  }
}

</mosaic_0001>

<sc_bundles>
// kernel: kernel.5.cloned.1.call-start
scs
__scs_entry_jumppad:
0x0: {  	(pc) =	sbr.rel $0x88, $3  }
0x1: {  	(tag) =	ssettag $0x0;
	lr =	simm.s32 $0x1  }
0x2: {  	[smem:$0x3F98] =	sst lr;
	_ =	strace $0xD0000000  }
0x3: {  	_ = 	snop  }
0x4: {  	_ = 	snop  }
0x5: {  	_ = 	snop  }
0x6: {  	_ = 	snop  }
0x7: {  	_ = 	snop  }
__scs_overlays_trampoline_lowered:
0x8: {  	[smem:$0x3FA7] =	sst s0  }
0x9: {  	[smem:$0x3FA8] =	sst s1  }
0xa: {  	[smem:$0x3FA9] =	sst s2  }
0xb: {  	[smem:$0x3FAA] =	sst s3  }
0xc: {  	[smem:$0x3FAB] =	sst s4  }
0xd: {  	[smem:$0x3FAC] =	sst s5  }
0xe: {  	[smem:$0x3FAD] =	sst s6  }
0xf: {  	[smem:$0x3FAE] =	sst s7  }
0x10: {  	[smem:$0x3FAF] =	sst s8  }
0x11: {  	[smem:$0x3FB0] =	sst s9;
	s0 =	simm.s32 @!p0 $0x0  }
0x12: {  	s1 =	sld [smem:$0x3F96];
	s0 =	simm.s32 @p0 $0x1  }
0x13: {  	[smem:$0x3FB1] =	sst s0;
	s0 =	simm.s32 @!p1 $0x0  }
0x14: {  	s2 =	sld [smem:$0x3F95];
	s0 =	simm.s32 @p1 $0x1  }
0x15: {  	[smem:$0x3FB2] =	sst s0;
	s0 =	simm.s32 @!p2 $0x0  }
0x16: {  	s3 =	sld [smem:$0x3FDB];
	s0 =	simm.s32 @p2 $0x1  }
0x17: {  	s4 =	simm.s32 $0x1BF5;
	[smem:$0x3FB4] =	sst s0  }
0x18: {  	s0 =	sld [smem:$0x3F97];
	_ =	swait.ge [sflag:s4], $0x0  }
0x19: {  	s7 =	sld [smem:$0x3F98]  }
0x1a: {  	s8 =	sadd.s32 $0xFFFFE003, lr  }
0x1b: {  	s9 =	sadd.s32 $0xFFFFFEF7, lr;
	s5 =	simm.s32 $0xFFFFFFFF;
	p2 =	slt.u32 s8, $0xFFFFF086  }
0x1c: {  	p1 =	slt.u32 s9, $0xF7A;
	s5 =	simm.s32 @!p2 $0x0  }
0x1d: {  	s5 =	simm.s32 @p1 $0x1;
	p0 =	seq.s32 s7, s2  }
0x1e: {  	s7 =	smul.u32 @!p0 $0xF7A, s2;
	p2 =	seq.s32 @!p0 s5, $0x0  }
0x1f: {  	s9 =	smul.u32 $0xF7A, s1;
	s8 =	simm.s32 @!p0 $0x1BF5;
	p2 =	por !p2, p0  }
0x20: {  	[sflag:s8] =	ssyncset.s32 @!p0 $0xFFFFF086;
	s6 =	sadd.s32 @!p0 s3, s7;
	s7 =	simm.s32 @!p0 $0x108  }
0x21: {  	s3 =	sadd.s32 s3, s9;
	s6 =	sadd.s32 @!p0 $0x88, s6;
	s7 =	simm.s32 @p2 $0x1082  }
0x22: {  	[simem:s7], [sflag:s8] =	dma.local @!p0 [hbm:s6], $0xF7A  }
0x23: {  	s9 =	sor.u32 $0xD0000000, s2;
	s6 =	simm.s32 $0x108;
	_ =	swait.ge @!p0 [sflag:s8], $0x0  }
0x24: {  	s3 =	sadd.s32 $0x88, s3;
	s6 =	simm.s32 @!p1 $0x1082;
	[sflag:s4] =	ssyncset.s32 $0xFFFFF086  }
0x25: {  	[simem:s6], [sflag:s4] =	dma.local [hbm:s3], $0xF7A  }
0x26: {  	[smem:$0x3F98] =	sst s1;
	(tag) =	ssettag s2;
	_ =	strace s9  }
0x27: {  	s1 =	sld [smem:$0x3FA8]  }
0x28: {  	s2 =	sld [smem:$0x3FA9]  }
0x29: {  	s4 =	sld [smem:$0x3FAB]  }
0x2a: {  	p0 =	seq.s32 s5, $0x0;
	s5 =	sld [smem:$0x3FAC]  }
0x2b: {  	s6 =	sld [smem:$0x3FAD]  }
0x2c: {  	s7 =	sld [smem:$0x3FAE]  }
0x2d: {  	s3 =	simm.s32 $0x108;
	s8 =	sld [smem:$0x3FAF]  }
0x2e: {  	s3 =	simm.s32 @!p0 $0x1082;
	s9 =	sld [smem:$0x3FB0]  }
0x2f: {  	lr =	sadd.s32 s0, s3;
	s0 =	sld [smem:$0x3FA7]  }
0x30: {  	s3 =	sld [smem:$0x3FAA]  }
0x31: {  	[smem:$0x3FB3] =	sst s10  }
0x32: {  	s10 =	sld [smem:$0x3FB1];
	_ =	sdelay $0x3  }
0x33: {  	p0 =	seq.s32 s10, $0x1;
	s10 =	sld [smem:$0x3FB3];
	_ =	sdelay $0x3  }
0x34: {  	[smem:$0x3FB3] =	sst s10  }
0x35: {  	s10 =	sld [smem:$0x3FB2];
	_ =	sdelay $0x3  }
0x36: {  	p1 =	seq.s32 s10, $0x1;
	s10 =	sld [smem:$0x3FB3];
	_ =	sdelay $0x3  }
0x37: {  	[smem:$0x3FB3] =	sst s10  }
0x38: {  	s10 =	sld [smem:$0x3FB4]  }
0x39: {  	_ = 	snop;
	(pc) =	sbr.ind lr, $3  }
0x3a: {  	_ = 	snop  }
0x3b: {  	_ = 	snop  }
0x3c: {  	p2 =	seq.s32 s10, $0x1;
	s10 =	sld [smem:$0x3FB3]  }
0x3d: {  	_ =	shalt  }
0x3e: {  	_ =	shalt  }
0x3f: {  	_ =	shalt  }
0x40: {  	_ =	shalt  }
0x41: {  	_ =	shalt  }
0x42: {  	_ =	shalt  }
0x43: {  	_ =	shalt  }
0x44: {  	_ =	shalt  }
0x45: {  	_ =	shalt  }
0x46: {  	_ =	shalt  }
0x47: {  	_ =	shalt  }
0x48: {  	_ =	shalt  }
0x49: {  	_ =	shalt  }
0x4a: {  	_ =	shalt  }
0x4b: {  	_ =	shalt  }
0x4c: {  	_ =	shalt  }
0x4d: {  	_ =	shalt  }
0x4e: {  	_ =	shalt  }
0x4f: {  	_ =	shalt  }
0x50: {  	_ =	shalt  }
0x51: {  	_ =	shalt  }
0x52: {  	_ =	shalt  }
0x53: {  	_ =	shalt  }
0x54: {  	_ =	shalt  }
0x55: {  	_ =	shalt  }
0x56: {  	_ =	shalt  }
0x57: {  	_ =	shalt  }
0x58: {  	_ =	shalt  }
0x59: {  	_ =	shalt  }
0x5a: {  	_ =	shalt  }
0x5b: {  	_ =	shalt  }
0x5c: {  	_ =	shalt  }
0x5d: {  	_ =	shalt  }
0x5e: {  	_ =	shalt  }
0x5f: {  	_ =	shalt  }
0x60: {  	_ =	shalt  }
0x61: {  	_ =	shalt  }
0x62: {  	_ =	shalt  }
0x63: {  	_ =	shalt  }
0x64: {  	_ =	shalt  }
0x65: {  	_ =	shalt  }
0x66: {  	_ =	shalt  }
0x67: {  	_ =	shalt  }
0x68: {  	_ =	shalt  }
0x69: {  	_ =	shalt  }
0x6a: {  	_ =	shalt  }
0x6b: {  	_ =	shalt  }
0x6c: {  	_ =	shalt  }
0x6d: {  	_ =	shalt  }
0x6e: {  	_ =	shalt  }
0x6f: {  	_ =	shalt  }
0x70: {  	_ =	shalt  }
0x71: {  	_ =	shalt  }
0x72: {  	_ =	shalt  }
0x73: {  	_ =	shalt  }
0x74: {  	_ =	shalt  }
0x75: {  	_ =	shalt  }
0x76: {  	_ =	shalt  }
0x77: {  	_ =	shalt  }
0x78: {  	_ =	shalt  }
0x79: {  	_ =	shalt  }
0x7a: {  	_ =	shalt  }
0x7b: {  	_ =	shalt  }
0x7c: {  	_ =	shalt  }
0x7d: {  	_ =	shalt  }
0x7e: {  	_ =	shalt  }
0x7f: {  	_ =	shalt  }
0x80: {  	_ =	shalt  }
0x81: {  	_ =	shalt  }
0x82: {  	_ =	shalt  }
0x83: {  	_ =	shalt  }
0x84: {  	_ =	shalt  }
0x85: {  	_ =	shalt  }
0x86: {  	_ =	shalt  }
0x87: {  	_ =	shalt  }
.Lfunc_end0:
.L_simem_size_0:
called_computation_lowered:
.L_overlay_start_0:
0x88: {  	s2 =	sld [smem:$0x3FD9]  }
0x89: {  	s3 =	sld [smem:$0x3FFE];
	_ =	sdelay $0x1  }
0x8a: {  	s1 =	srdreg.scid  }
0x8b: {  	s0 =	sand.u32 $0x1, s1  }
0x8c: {  	s14 =	sshll.u32 s0, $0xA;
	s2 =	sadd.s32 s3, s2  }
0x8d: {  	s2 =	sadd.s32 s2, s14  }
0x8e: {  	[smem:$0x3FBF] =	sst s2  }
0x8f: {  	_ = 	snop  }
0x90: {  	s2 =	sld [smem:$0x3FD0];
	_ =	sdelay $0x2  }
0x91: {  	s4 =	simm.s32 $0xA;
	s5 =	simm.s32 $0x10;
	s15 =	sld [smem:$0x3FC8]  }
0x92: {  	[smem:s5], [sflag:s4] =	dma.local [hbm:s2], $0x1  }
0x93: {  	_ =	swait.eq [sflag:s4], $0x1  }
0x94: {  	s16 =	sld [smem:$0x10];
	[sflag:s4] =	ssyncset.done $0x0  }
0x95: {  	s17 =	sld [smem:$0x12];
	[sflag:s4] =	ssyncadd.s32 $0xFFFFFFFF  }
0x96: {  	s18 =	sld [smem:$0x13];
	(tm) =	ssettm $0x1  }
0x97: {  	s6 =	sld [smem:$0x3FFB];
	_ =	sdelay $0x3  }
0x98: {  	_ =	strace s6  }
0x99: {  	s6 =	sld [smem:$0x3FFC];
	_ =	sdelay $0x3  }
0x9a: {  	_ =	strace s6  }
0x9b: {  	s6 =	sld [smem:$0x3FFD];
	_ =	sdelay $0x3  }
0x9c: {  	_ =	strace s6  }
0x9d: {  	_ =	strace $0x8FFFFFFF  }
0x9e: {  	s19 =	sld [smem:$0x3FDB];
	_ =	sdelay $0x1  }
0x9f: {  	s7 =	simm.s32 $_scs_section_size  }
0xa0: {  	s8 =	simm.s32 $_size__tile_overlayer_lowered;
	s9 =	simm.s32 $_tile_overlayer_lowered  }
0xa1: {  	s22 =	simm.s32 $0x1BFF;
	s21 =	sshll.u32 s9, $0x1;
	s6 =	sadd.s32 s7, s19  }
0xa2: {  	s10 =	simm.s32 $0x0;
	s20 =	sshll.u32 s8, $0x1;
	s8 =	sadd.s32 s21, s6  }
0xa3: {  	[timem:s10], [sflag:s22] =	dma.local [hbm:s8], s20  }
0xa4: {  	_ =	swait.ge [sflag:s22], s20  }
0xa5: {  	s7 =	ssub.s32 $0x0, s20;
	[sflag:s22] =	ssyncset.done $0x0  }
0xa6: {  	[sflag:s22] =	ssyncadd.s32 s7;
	_ =	sdelay $0x1  }
0xa7: {  	s23 =	simm.s32 $0x1B8B  }
0xa8: {  	_ =	swait.ge [sflag:s23], $0x1  }
0xa9: {  	[sflag:s23] =	ssyncset.done $0x0  }
0xaa: {  	s25 =	simm.s32 $0x1B8E;
	s24 =	sld [smem:$0x3FFE];
	[sflag:s23] =	ssyncadd.s32 $0xFFFFFFFF  }
0xab: {  	s26 =	simm.s32 $execute0_lowered;
	[smem:$0x3FD2] =	sst s25  }
0xac: {  	s8 =	sshll.u32 s26, $0x1;
	_ =	strace $0x80000046;
	[dreg:$0x1] =	wrdreg $0xFFFFFFFF  }
0xad: {  	s28 =	simm.s32 $_size_execute0_lowered;
	s6 =	sadd.s32 s6, s8;
	[dreg:$0x0] =	wrdreg $0x0  }
0xae: {  	s8 =	sshll.u32 s28, $0x1;
	[dreg:$0x2] =	wrdreg s6  }
0xaf: {  	[dreg:$0x3] =	wrdreg s8  }
0xb0: {  	[dreg:$0x4] =	wrdreg $0xC0  }
0xb1: {  	_ =	task [dreg:s10], $0x5FFFF  }
0xb2: {  	[dreg:$0x1] =	wrdreg $0xFFFFFFFF  }
0xb3: {  	[dreg:$0x0] =	wrdreg $0x60  }
0xb4: {  	[dreg:$0x2] =	wrdreg s24  }
0xb5: {  	[dreg:$0x3] =	wrdreg s15  }
0xb6: {  	[dreg:$0x4] =	wrdreg s17  }
0xb7: {  	[dreg:$0x5] =	wrdreg s18  }
0xb8: {  	[dreg:$0x6] =	wrdreg s16  }
0xb9: {  	[dreg:$0x7] =	wrdreg $0x9  }
0xba: {  	_ =	task.clear_ibuf [dreg:s10], $0x8FFFF;
	_ =	strace $0x90000046  }
0xbb: {  	s29 =	simm.s32 $0x9;
	_ =	strace $0x80000048  }
0xbc: {  	_ =	swait.ge [sflag:s29], $0x1  }
0xbd: {  	[sflag:s29] =	ssyncadd.s32 $0xFFFFFFFF  }
0xbe: {  	_ =	strace $0x90000048  }
0xbf: {  	_ =	sfence  }
0xc0: {  	s30 =	sld [smem:$0x0];
	_ =	sdelay $0x2  }
0xc1: {  	s31 =	sshll.u32 s1, $0xD;
	s1 =	sshrl.u32 s1, $0x2  }
0xc2: {  	s3 =	sand.u32 $0x4000, s31;
	s1 =	sadd.s32 s1, s30  }
0xc3: {  	s0 =	sor.u32 s3, s0;
	s1 =	sshll.u32 s1, $0x11  }
0xc4: {  	s0 =	sor.u32 s1, s0  }
0xc5: {  	s0 =	sadd.s32 $0x8F2B, s0  }
0xc6: {  	[sflag:s0] =	ssyncadd.remote.s32 $0x1  }
0xc7: {  	_ =	sfence.sel $0xFFFF  }
0xc8: {  	[dreg:$0x0] =	wrdreg $0xFFFFFFFF;
	(pc) =	sbr.abs _section_cstart, $3  }
0xc9: {  	[dreg:$0x1] =	wrdreg $0xFFFFFFFF  }
0xca: {  	_ =	task.clear_ibuf [dreg:s10], $0x2FFFF;
	_ =	strace $0x9FFFFFFF  }
0xcb: {  	(tm) =	ssettm $0x7FFFFFFF  }
tec
execute0_lowered:
.L_overlay_start_1:
0x0: {  	(tag) =	ssettag $0x1  }
0x1: {  	s5 =	rddreg [dreg:$0x0]  }
0x2: {  	s8 =	rddreg [dreg:$0x1]  }
0x3: {  	s7 =	rddreg [dreg:$0x2]  }
0x4: {  	s2 =	rddreg [dreg:$0x3]  }
0x5: {  	s3 =	rddreg [dreg:$0x4]  }
0x6: {  	s4 =	srdreg.scid;
	s1 =	stileid.u32  }
0x7: {  	s0 =	rddreg [dreg:$0x5];
	s12 =	simm.s32 $0x310;
	s13 =	simm.s32 $0x1  }
0x8: {  	v0 =	vlaneseq.u32;
	v5 =	vimm.s32 $0x0;
	s14 =	simm.s32 $0x4490;
	s15 =	simm.s32 $0x4310;
	s16 =	simm.s32 $0x0  }
0x9: {  	v19 =	vimm.s32 $0x1;
	s6 =	sand.u32 $0x1, s4;
	s9 =	sshll.u32 s1, $0x1;
	s4 =	simm.s32 $0x0;
	v1 =	vand.u32 $0x7, v0;
	v3 =	vor.u32 $0x10, v0  }
0xa: {  	v4 =	vor.u32 $0x20, v0;
	s5 =	sadd.s32 $0x1A00, s5;
	v6 =	vor.u32 $0x30, v0;
	v7 =	vor.u32 $0x40, v0;
	s10 =	ssub.s32 $0x2, s6;
	s9 =	sor.u32 s6, s9  }
0xb: {  	v8 =	vor.u32 $0x50, v0;
	v9 =	vor.u32 $0x60, v0;
	v10 =	vor.u32 $0x70, v0;
	[smem:$0x7FF] =	sst s4;
	s31 =	sshrl.u32 s10, $0x1;
	s11 =	smul.u32 $0x60, s9  }
0xc: {  	v11 =	vor.u32 $0x80, v0;
	v12 =	vor.u32 $0x90, v0;
	v13 =	vor.u32 $0xA0, v0;
	_ =	strace $0x80000047;
	s6 =	sshll.u32 s9, $0x4;
	s9 =	sshll.u32 s9, $0x1  }
0xd: {  	v14 =	vor.u32 $0xB0, v0;
	v15 =	vor.u32 $0xC0, v0;
	v16 =	vor.u32 $0xD0, v0;
	s10 =	ssub.s32 s10, s31;
	s8 =	sadd.s32 s8, s9;
	s7 =	sadd.s32 s7, s11  }
0xe: {  	v17 =	vor.u32 $0xE0, v0;
	v18 =	vor.u32 $0xF0, v0;
	v2 =	vor.u32 $0xFFFFFFF8, v1;
	s9 =	smax.u32 s10, $0x1;
	s10 =	simm.s32 $0x2;
	s11 =	simm.s32 $0x300  }
.LBB2_1:
0xf: {  	[tilespmem:s4], [sflag:$0x2] =	stream.linear.gather [hbm4b:s7+s4], $0x300, $0x38;
	[tilespmem:$0x5490] =	vst v63  }
0x10: {  	_ =	swait.ge [sflag:s10], $0x300  }
0x11: {  	[sflag:s10] =	ssyncset.done $0x0  }
0x12: {  	[sflag:s10] =	ssyncadd.s32 $0xFFFFFD00  }
0x13: {  	[tilespmem:s11], [sflag:$0x2] =	stream.linear.gather [hbm4b:s8+s4], $0x10, $0x38;
	[tilespmem:$0x5490] =	vst v63  }
0x14: {  	_ =	swait.ge [sflag:s10], $0x10  }
0x15: {  	[sflag:s10] =	ssyncset.done $0x0  }
0x16: {  	s17 =	simm.s32 $0x0;
	[sflag:s10] =	ssyncadd.s32 $0xFFFFFFF0  }
.LBB2_2:
0x17: {  	s18 =	sshll.u32 s17, $0x9  }
0x18: {  	s18 =	sor.u32 s6, s18  }
0x19: {  	s19 =	sshll.u32 s18, $0x7  }
0x1a: {  	s20 =	sadd.s32 s5, s19;
	s19 =	simm.s32 $0x0  }
0x1b: {  	[tilespmem:s12], [sflag:$0x1] =	stream.linear.gather [hbm4b:s20+s19], $0x4000, $0x38;
	[tilespmem:$0x5490] =	vst v63  }
0x1c: {  	_ =	swait.ge [sflag:s13], $0x4000  }
0x1d: {  	[sflag:s13] =	ssyncset.done $0x0  }
0x1e: {  	[sflag:s13] =	ssyncadd.s32 $0xFFFFC000  }
.LBB2_3:
0x1f: {  	v22 =	vmov s19  }
0x20: {  	v20 =	vmul.u32 $0x30, v22;
	_ =	sdelay $0x1  }
0x21: {  	v21 =	vor.u32 v0, v20;
	v23 =	vadd.s32 v3, v20  }
0x22: {  	v24 =	vadd.s32 v4, v20;
	v21 =	vand.u32 v2, v21;
	v23 =	vand.u32 $0x7F8, v23  }
0x23: {  	v24 =	vand.u32 $0x7F8, v24;
	v23 =	vor.u32 v1, v23  }
0x24: {  	v24 =	vor.u32 v1, v24;
	_ =	sdelay $0x2  }
0x25: {  	v21 =	vld.idx.msk [tilespmem:v21+s4+$0x0], $0xffff  }
0x26: {  	v23 =	vld.idx.msk [tilespmem:v23+s4+$0x0], $0xffff  }
0x27: {  	v24 =	vld.idx.msk [tilespmem:v24+s4+$0x0], $0xffff;
	_ =	sdelay $0x2  }
0x28: {  	v26 =	vshll.u32 v22, $0xA;
	v25 =	vand.u32 $0xFFFFFFF8, v21;
	v21 =	vand.u32 $0x7, v21  }
0x29: {  	v25 =	vadd.s32 v26, v25;
	v47 =	vand.u32 $0xFFFFFFF8, v23;
	v23 =	vand.u32 $0x7, v23  }
0x2a: {  	v27 =	vand.u32 $0xFFFFFFF8, v24;
	v21 =	vor.u32 v21, v25;
	v25 =	vadd.s32 v26, v47  }
0x2b: {  	v24 =	vand.u32 $0x7, v24;
	v48 =	vadd.s32 v26, v27;
	v23 =	vor.u32 v23, v25  }
0x2c: {  	v24 =	vor.u32 v24, v48;
	_ =	sdelay $0x2  }
0x2d: {  	v21 =	vld.idx.msk [tilespmem:v21+s12+$0x0], $0xffff  }
0x2e: {  	v23 =	vld.idx.msk [tilespmem:v23+s12+$0x0], $0xffff  }
0x2f: {  	v24 =	vld.idx.msk [tilespmem:v24+s12+$0x0], $0xffff;
	_ =	sdelay $0x3  }
0x30: {  	v49 =	vmax.f32 v21, v23  }
0x31: {  	v25 =	vmax.f32 v49, v24  }
0x32: {  	(xrf0) =	vmax.scan.msk.f32 $0xffff, v25;
	_ =	sdelay $0x5  }
0x33: {  	v25, _, _ =	vpop (xrf0)  }
0x34: {  	v25 =	vbroadcast v25, $0xF;
	_ =	sdelay $0x1  }
0x35: {  	vm0 =	veq.f32 v23, v25;
	vm1 =	veq.f32 v24, v25  }
0x36: {  	vm8 =	veq.f32 v21, v25;
	v50 =	vmctz.xlane vm0;
	v51 =	vmctz.xlane vm1  }
0x37: {  	v52 =	vmctz.xlane vm8  }
0x38: {  	vm9 =	vlt.s32 v50, $0x10;
	v26 =	vadd.s32 $0x10, v50;
	v25 =	vadd.s32 $0x20, v51  }
0x39: {  	vm10 =	vlt.s32 v52, $0x10;
	v25 =	vsel vm9, v26, v25  }
0x3a: {  	v28 =	vsel vm10, v52, v25  }
0x3b: {  	vm11 =	veq.s32 v28, v0;
	vm1 =	veq.s32 v28, v3  }
0x3c: {  	vm12 =	veq.s32 v28, v4;
	v21 =	vsel vm11, $0xC0400000, v21;
	v23 =	vsel vm1, $0xC0400000, v23  }
0x3d: {  	v24 =	vsel vm12, $0xC0400000, v24;
	v53 =	vmax.f32 v21, v23  }
0x3e: {  	v25 =	vmax.f32 v53, v24  }
0x3f: {  	(xrf0) =	vmax.scan.msk.f32 $0xffff, v25;
	_ =	sdelay $0x5  }
0x40: {  	v25, _, _ =	vpop (xrf0)  }
0x41: {  	v25 =	vbroadcast v25, $0xF;
	_ =	sdelay $0x1  }
0x42: {  	vm13 =	veq.f32 v23, v25;
	vm14 =	veq.f32 v24, v25  }
0x43: {  	vm15 =	veq.f32 v21, v25;
	v54 =	vmctz.xlane vm13;
	v55 =	vmctz.xlane vm14  }
0x44: {  	v56 =	vmctz.xlane vm15  }
0x45: {  	vm4 =	vlt.s32 v54, $0x10;
	v26 =	vadd.s32 $0x10, v54;
	v25 =	vadd.s32 $0x20, v55  }
0x46: {  	vm5 =	vlt.s32 v56, $0x10;
	v25 =	vsel vm4, v26, v25  }
0x47: {  	v27 =	vsel vm5, v56, v25  }
0x48: {  	vm6 =	veq.s32 v27, v0;
	vm1 =	veq.s32 v27, v3  }
0x49: {  	vm7 =	veq.s32 v27, v4;
	v21 =	vsel vm6, $0xC0400000, v21;
	v23 =	vsel vm1, $0xC0400000, v23  }
0x4a: {  	v57 =	vsel vm7, $0xC0400000, v24;
	v58 =	vmax.f32 v21, v23  }
0x4b: {  	v24 =	vmax.f32 v58, v57  }
0x4c: {  	(xrf0) =	vmax.scan.msk.f32 $0xffff, v24;
	_ =	sdelay $0x5  }
0x4d: {  	v24, _, _ =	vpop (xrf0)  }
0x4e: {  	v24 =	vbroadcast v24, $0xF;
	_ =	sdelay $0x1  }
0x4f: {  	vm8 =	veq.f32 v23, v24;
	vm9 =	veq.f32 v57, v24  }
0x50: {  	vm10 =	veq.f32 v21, v24;
	v59 =	vmctz.xlane vm8;
	v60 =	vmctz.xlane vm9  }
0x51: {  	v29 =	vmctz.xlane vm10  }
0x52: {  	vm11 =	vlt.s32 v59, $0x10;
	v26 =	vadd.s32 $0x10, v59;
	v24 =	vadd.s32 $0x20, v60  }
0x53: {  	vm12 =	vlt.s32 v29, $0x10;
	v24 =	vsel vm11, v26, v24  }
0x54: {  	v24 =	vsel vm12, v29, v24  }
0x55: {  	vm13 =	veq.s32 v24, v0;
	vm1 =	veq.s32 v24, v3  }
0x56: {  	vm14 =	veq.s32 v24, v4;
	v21 =	vsel vm13, $0xC0400000, v21;
	v23 =	vsel vm1, $0xC0400000, v23  }
0x57: {  	v61 =	vsel vm14, $0xC0400000, v57;
	v62 =	vmax.f32 v21, v23  }
0x58: {  	v25 =	vmax.f32 v62, v61  }
0x59: {  	(xrf0) =	vmax.scan.msk.f32 $0xffff, v25;
	_ =	sdelay $0x5  }
0x5a: {  	v25, _, _ =	vpop (xrf0)  }
0x5b: {  	v25 =	vbroadcast v25, $0xF;
	_ =	sdelay $0x1  }
0x5c: {  	vm15 =	veq.f32 v23, v25;
	vm4 =	veq.f32 v61, v25  }
0x5d: {  	vm5 =	veq.f32 v21, v25;
	v63 =	vmctz.xlane vm15;
	v33 =	vmctz.xlane vm4  }
0x5e: {  	v30 =	vmctz.xlane vm5  }
0x5f: {  	vm6 =	vlt.s32 v63, $0x10;
	v29 =	vadd.s32 $0x10, v63;
	v25 =	vadd.s32 $0x20, v33  }
0x60: {  	vm7 =	vlt.s32 v30, $0x10;
	v25 =	vsel vm6, v29, v25  }
0x61: {  	v25 =	vsel vm7, v30, v25  }
0x62: {  	vm8 =	veq.s32 v25, v0;
	vm1 =	veq.s32 v25, v3  }
0x63: {  	vm9 =	veq.s32 v25, v4;
	v21 =	vsel vm8, $0xC0400000, v21;
	v23 =	vsel vm1, $0xC0400000, v23  }
0x64: {  	v34 =	vsel vm9, $0xC0400000, v61;
	v35 =	vmax.f32 v21, v23  }
0x65: {  	v26 =	vmax.f32 v35, v34  }
0x66: {  	(xrf0) =	vmax.scan.msk.f32 $0xffff, v26;
	_ =	sdelay $0x5  }
0x67: {  	v26, _, _ =	vpop (xrf0)  }
0x68: {  	v26 =	vbroadcast v26, $0xF;
	_ =	sdelay $0x1  }
0x69: {  	vm10 =	veq.f32 v23, v26;
	vm11 =	veq.f32 v34, v26  }
0x6a: {  	vm12 =	veq.f32 v21, v26;
	v36 =	vmctz.xlane vm10;
	v37 =	vmctz.xlane vm11  }
0x6b: {  	v31 =	vmctz.xlane vm12  }
0x6c: {  	vm13 =	vlt.s32 v36, $0x10;
	v30 =	vadd.s32 $0x10, v36;
	v26 =	vadd.s32 $0x20, v37  }
0x6d: {  	vm14 =	vlt.s32 v31, $0x10;
	v26 =	vsel vm13, v30, v26  }
0x6e: {  	v26 =	vsel vm14, v31, v26  }
0x6f: {  	vm15 =	veq.s32 v26, v0;
	vm1 =	veq.s32 v26, v3  }
0x70: {  	vm4 =	veq.s32 v26, v4;
	v38 =	vsel vm15, $0xC0400000, v21;
	v39 =	vsel vm1, $0xC0400000, v23  }
0x71: {  	v29 =	vsel vm4, $0xC0400000, v34;
	v21 =	vmax.f32 v38, v39  }
0x72: {  	v21 =	vmax.f32 v21, v29  }
0x73: {  	(xrf0) =	vmax.scan.msk.f32 $0xffff, v21;
	_ =	sdelay $0x5  }
0x74: {  	v21, _, _ =	vpop (xrf0)  }
0x75: {  	v21 =	vbroadcast v21, $0xF;
	_ =	sdelay $0x1  }
0x76: {  	vm5 =	veq.f32 v39, v21;
	vm6 =	veq.f32 v29, v21  }
0x77: {  	vm7 =	veq.f32 v38, v21;
	v40 =	vmctz.xlane vm5;
	v41 =	vmctz.xlane vm6  }
0x78: {  	v32 =	vmctz.xlane vm7  }
0x79: {  	vm8 =	vlt.s32 v40, $0x10;
	v23 =	vadd.s32 $0x10, v40;
	v33 =	vadd.s32 $0x20, v41  }
0x7a: {  	vm9 =	vlt.s32 v32, $0x10;
	v23 =	vsel vm8, v23, v33  }
0x7b: {  	v21 =	vshll.u32 v22, $0x8;
	v23 =	vsel vm9, v32, v23  }
0x7c: {  	v42 =	vor.u32 v0, v21;
	vm10 =	veq.s32 v23, v0;
	vm1 =	veq.s32 v23, v3  }
0x7d: {  	vm11 =	veq.s32 v23, v4;
	v30 =	vsel vm10, $0xC0400000, v38;
	v31 =	vsel vm1, $0xC0400000, v39  }
0x7e: {  	v43 =	vor.u32 v3, v21;
	v35 =	vsel vm11, $0xC0400000, v29;
	v44 =	vmax.f32 v30, v31  }
0x7f: {  	v34 =	vor.u32 v4, v21;
	v29 =	vmax.f32 v44, v35  }
0x80: {  	v36 =	vor.u32 v6, v21;
	(xrf0) =	vmax.scan.msk.f32 $0xffff, v29  }
0x81: {  	v37 =	vor.u32 v7, v21  }
0x82: {  	v45 =	vor.u32 v8, v21;
	[tilespmem:v42+s14+$0x0] =	vst.idx.msk $0xffff, v5  }
0x83: {  	v46 =	vor.u32 v9, v21;
	[tilespmem:v43+s14+$0x0] =	vst.idx.msk $0xffff, v5  }
0x84: {  	v47 =	vor.u32 v10, v21;
	[tilespmem:v34+s14+$0x0] =	vst.idx.msk $0xffff, v5  }
0x85: {  	v48 =	vor.u32 v11, v21;
	[tilespmem:v36+s14+$0x0] =	vst.idx.msk $0xffff, v5  }
0x86: {  	v49 =	vor.u32 v12, v21;
	[tilespmem:v37+s14+$0x0] =	vst.idx.msk $0xffff, v5;
	v50, _, _ =	vpop (xrf0)  }
0x87: {  	v51 =	vor.u32 v13, v21;
	v52 =	vor.u32 v14, v21;
	[tilespmem:v45+s14+$0x0] =	vst.idx.msk $0xffff, v5;
	v36 =	vbroadcast v50, $0xF  }
0x88: {  	v53 =	vor.u32 v15, v21;
	v38 =	vor.u32 v16, v21;
	[tilespmem:v46+s14+$0x0] =	vst.idx.msk $0xffff, v5  }
0x89: {  	[tilespmem:v47+s14+$0x0] =	vst.idx.msk $0xffff, v5;
	vm12 =	veq.f32 v31, v36;
	vm13 =	veq.f32 v35, v36  }
0x8a: {  	[tilespmem:v48+s14+$0x0] =	vst.idx.msk $0xffff, v5;
	vm14 =	veq.f32 v30, v36;
	v54 =	vmctz.xlane vm12;
	v55 =	vmctz.xlane vm13  }
0x8b: {  	v40 =	vor.u32 v18, v21;
	v39 =	vor.u32 v17, v21;
	[tilespmem:v49+s14+$0x0] =	vst.idx.msk $0xffff, v5;
	v56 =	vmctz.xlane vm14  }
0x8c: {  	[tilespmem:v51+s14+$0x0] =	vst.idx.msk $0xffff, v5;
	vm15 =	vlt.s32 v54, $0x10;
	v57 =	vadd.s32 $0x10, v54;
	v58 =	vadd.s32 $0x20, v55  }
0x8d: {  	[tilespmem:v52+s14+$0x0] =	vst.idx.msk $0xffff, v5;
	vm4 =	vlt.s32 v56, $0x10;
	v32 =	vsel vm15, v57, v58  }
0x8e: {  	[tilespmem:v53+s14+$0x0] =	vst.idx.msk $0xffff, v5;
	v29 =	vsel vm4, v56, v32  }
0x8f: {  	[tilespmem:v38+s14+$0x0] =	vst.idx.msk $0xffff, v5;
	vm0 =	veq.s32 v29, v0;
	vm5 =	veq.s32 v29, v3  }
0x90: {  	[tilespmem:v39+s14+$0x0] =	vst.idx.msk $0xffff, v5;
	vm6 =	veq.s32 v29, v4;
	v30 =	vsel vm0, $0xC0400000, v30;
	v31 =	vsel vm5, $0xC0400000, v31  }
0x91: {  	[tilespmem:v40+s14+$0x0] =	vst.idx.msk $0xffff, v5;
	v59 =	vsel vm6, $0xC0400000, v35;
	v60 =	vmax.f32 v30, v31  }
0x92: {  	v61 =	vld.idx.msk [tilespmem:v22+s11+$0x0], $0xffff;
	v33 =	vmax.f32 v60, v59  }
0x93: {  	(xrf0) =	vmax.scan.msk.f32 $0xffff, v33;
	_ =	sdelay $0x3  }
0x94: {  	v62 =	vand.u32 $0xFF, v61  }
0x95: {  	v22 =	vmul.u32 $0x18, v22;
	v33 =	vor.u32 v21, v62  }
0x96: {  	v63, _, _ =	vpop (xrf0)  }
0x97: {  	v40 =	vadd.s32 v20, v28;
	v34 =	vshra.s32 v61, $0x5;
	v35 =	vbroadcast v63, $0xF  }
0x98: {  	v34 =	vand.u32 $0xFFFFFFF8, v34  }
0x99: {  	v34 =	vshll.u32 v19, v34;
	vm7 =	veq.f32 v31, v35;
	vm8 =	veq.f32 v59, v35  }
0x9a: {  	[tilespmem:v33+s14+$0x0] =	vst.idx.add.s32.msk $0x1, v34;
	vm9 =	veq.f32 v30, v35;
	v41 =	vmctz.xlane vm7;
	v42 =	vmctz.xlane vm8  }
0x9b: {  	[tilespmem:v22+s15+$0x0] =	vst.idx.msk $0x1, v28;
	v43 =	vmctz.xlane vm9  }
0x9c: {  	v44 =	vld.idx.msk [tilespmem:v40+s4+$0x0], $0xffff;
	vm10 =	vlt.s32 v41, $0x10;
	v33 =	vadd.s32 $0x10, v41;
	v34 =	vadd.s32 $0x20, v42  }
0x9d: {  	vm11 =	vlt.s32 v43, $0x10;
	v33 =	vsel vm10, v33, v34  }
0x9e: {  	v28 =	vsel vm11, v43, v33  }
0x9f: {  	vm12 =	veq.s32 v28, v0;
	vm1 =	veq.s32 v28, v3  }
0xa0: {  	vm13 =	veq.s32 v28, v4;
	v30 =	vsel vm12, $0xC0400000, v30;
	v31 =	vsel vm1, $0xC0400000, v31  }
0xa1: {  	v45 =	vand.u32 $0xFF, v44;
	v32 =	vsel vm13, $0xC0400000, v59;
	v46 =	vmax.f32 v30, v31  }
0xa2: {  	v33 =	vor.u32 v21, v45;
	v34 =	vmax.f32 v46, v32  }
0xa3: {  	v47 =	vor.u32 $0x1, v22;
	(xrf0) =	vmax.scan.msk.f32 $0xffff, v34  }
0xa4: {  	v49 =	vadd.s32 v20, v27;
	v48 =	vshra.s32 v44, $0x5  }
0xa5: {  	v34 =	vand.u32 $0xFFFFFFF8, v48  }
0xa6: {  	v34 =	vshll.u32 v19, v34  }
0xa7: {  	[tilespmem:v33+s14+$0x0] =	vst.idx.add.s32.msk $0x1, v34  }
0xa8: {  	[tilespmem:v47+s15+$0x0] =	vst.idx.msk $0x1, v27  }
0xa9: {  	v27 =	vld.idx.msk [tilespmem:v49+s4+$0x0], $0xffff;
	v50, _, _ =	vpop (xrf0)  }
0xaa: {  	v33 =	vbroadcast v50, $0xF;
	_ =	sdelay $0x1  }
0xab: {  	vm14 =	veq.f32 v31, v33;
	vm15 =	veq.f32 v32, v33  }
0xac: {  	vm4 =	veq.f32 v30, v33;
	v51 =	vmctz.xlane vm14;
	v52 =	vmctz.xlane vm15  }
0xad: {  	v35 =	vshra.s32 v27, $0x5;
	v53 =	vmctz.xlane vm4  }
0xae: {  	vm5 =	vlt.s32 v51, $0x10;
	v34 =	vadd.s32 $0x10, v51;
	v33 =	vadd.s32 $0x20, v52  }
0xaf: {  	v27 =	vand.u32 $0xFF, v27;
	vm6 =	vlt.s32 v53, $0x10;
	v55 =	vsel vm5, v34, v33  }
0xb0: {  	v58 =	vadd.s32 v20, v24;
	v54 =	vor.u32 v21, v27;
	v27 =	vsel vm6, v53, v55  }
0xb1: {  	v57 =	vor.u32 $0x2, v22;
	vm7 =	veq.s32 v27, v0;
	vm1 =	veq.s32 v27, v3  }
0xb2: {  	vm8 =	veq.s32 v27, v4;
	v30 =	vsel vm7, $0xC0400000, v30;
	v31 =	vsel vm1, $0xC0400000, v31  }
0xb3: {  	v56 =	vand.u32 $0xFFFFFFF8, v35;
	v32 =	vsel vm8, $0xC0400000, v32;
	v59 =	vmax.f32 v30, v31  }
0xb4: {  	v33 =	vshll.u32 v19, v56;
	v60 =	vmax.f32 v59, v32  }
0xb5: {  	[tilespmem:v54+s14+$0x0] =	vst.idx.add.s32.msk $0x1, v33;
	(xrf0) =	vmax.scan.msk.f32 $0xffff, v60  }
0xb6: {  	[tilespmem:v57+s15+$0x0] =	vst.idx.msk $0x1, v24  }
0xb7: {  	v24 =	vld.idx.msk [tilespmem:v58+s4+$0x0], $0xffff;
	_ =	sdelay $0x3  }
0xb8: {  	v62, _, _ =	vpop (xrf0)  }
0xb9: {  	v63 =	vor.u32 $0x3, v22;
	v61 =	vand.u32 $0xFF, v24;
	v34 =	vbroadcast v62, $0xF  }
0xba: {  	v40 =	vadd.s32 v20, v25;
	v24 =	vshra.s32 v24, $0x5;
	v33 =	vor.u32 v21, v61  }
0xbb: {  	v24 =	vand.u32 $0xFFFFFFF8, v24;
	vm9 =	veq.f32 v31, v34;
	vm10 =	veq.f32 v32, v34  }
0xbc: {  	vm11 =	veq.f32 v30, v34;
	v41 =	vmctz.xlane vm9;
	v42 =	vmctz.xlane vm10  }
0xbd: {  	v24 =	vshll.u32 v19, v24;
	v43 =	vmctz.xlane vm11  }
0xbe: {  	vm12 =	vlt.s32 v41, $0x10;
	v44 =	vadd.s32 $0x10, v41;
	v45 =	vadd.s32 $0x20, v42  }
0xbf: {  	[tilespmem:v33+s14+$0x0] =	vst.idx.add.s32.msk $0x1, v24;
	vm13 =	vlt.s32 v43, $0x10;
	v24 =	vsel vm12, v44, v45  }
0xc0: {  	[tilespmem:v63+s15+$0x0] =	vst.idx.msk $0x1, v25;
	v24 =	vsel vm13, v43, v24  }
0xc1: {  	v25 =	vld.idx.msk [tilespmem:v40+s4+$0x0], $0xffff;
	vm14 =	veq.s32 v24, v0;
	vm1 =	veq.s32 v24, v3  }
0xc2: {  	vm15 =	veq.s32 v24, v4;
	v30 =	vsel vm14, $0xC0400000, v30;
	v31 =	vsel vm1, $0xC0400000, v31  }
0xc3: {  	v32 =	vsel vm15, $0xC0400000, v32;
	v46 =	vmax.f32 v30, v31  }
0xc4: {  	v33 =	vmax.f32 v46, v32  }
0xc5: {  	(xrf0) =	vmax.scan.msk.f32 $0xffff, v33  }
0xc6: {  	v47 =	vand.u32 $0xFF, v25  }
0xc7: {  	v48 =	vor.u32 v21, v47  }
0xc8: {  	v49 =	vor.u32 $0x4, v22  }
0xc9: {  	v50 =	vadd.s32 v20, v26;
	v25 =	vshra.s32 v25, $0x5  }
0xca: {  	v25 =	vand.u32 $0xFFFFFFF8, v25  }
0xcb: {  	v25 =	vshll.u32 v19, v25;
	v51, _, _ =	vpop (xrf0)  }
0xcc: {  	[tilespmem:v48+s14+$0x0] =	vst.idx.add.s32.msk $0x1, v25;
	v25 =	vbroadcast v51, $0xF  }
0xcd: {  	[tilespmem:v49+s15+$0x0] =	vst.idx.msk $0x1, v26  }
0xce: {  	v26 =	vld.idx.msk [tilespmem:v50+s4+$0x0], $0xffff;
	vm4 =	veq.f32 v31, v25;
	vm5 =	veq.f32 v32, v25  }
0xcf: {  	vm6 =	veq.f32 v30, v25;
	v52 =	vmctz.xlane vm4;
	v53 =	vmctz.xlane vm5  }
0xd0: {  	v54 =	vmctz.xlane vm6  }
0xd1: {  	vm7 =	vlt.s32 v52, $0x10;
	v33 =	vadd.s32 $0x10, v52;
	v25 =	vadd.s32 $0x20, v53  }
0xd2: {  	v56 =	vor.u32 $0x5, v22;
	vm8 =	vlt.s32 v54, $0x10;
	v25 =	vsel vm7, v33, v25  }
0xd3: {  	v57 =	vadd.s32 v20, v23;
	v35 =	vand.u32 $0xFF, v26;
	v25 =	vsel vm8, v54, v25  }
0xd4: {  	v55 =	vor.u32 v21, v35;
	vm9 =	veq.s32 v25, v0;
	vm1 =	veq.s32 v25, v3  }
0xd5: {  	vm10 =	veq.s32 v25, v4;
	v30 =	vsel vm9, $0xC0400000, v30;
	v31 =	vsel vm1, $0xC0400000, v31  }
0xd6: {  	v26 =	vshra.s32 v26, $0x5;
	v32 =	vsel vm10, $0xC0400000, v32;
	v58 =	vmax.f32 v30, v31  }
0xd7: {  	v26 =	vand.u32 $0xFFFFFFF8, v26;
	v36 =	vmax.f32 v58, v32  }
0xd8: {  	v26 =	vshll.u32 v19, v26;
	(xrf0) =	vmax.scan.msk.f32 $0xffff, v36  }
0xd9: {  	[tilespmem:v55+s14+$0x0] =	vst.idx.add.s32.msk $0x1, v26  }
0xda: {  	[tilespmem:v56+s15+$0x0] =	vst.idx.msk $0x1, v23  }
0xdb: {  	v23 =	vld.idx.msk [tilespmem:v57+s4+$0x0], $0xffff;
	_ =	sdelay $0x2  }
0xdc: {  	v59, _, _ =	vpop (xrf0)  }
0xdd: {  	v26 =	vbroadcast v59, $0xF  }
0xde: {  	v60 =	vshra.s32 v23, $0x5  }
0xdf: {  	v23 =	vand.u32 $0xFF, v23;
	vm11 =	veq.f32 v31, v26;
	vm12 =	veq.f32 v32, v26  }
0xe0: {  	vm13 =	veq.f32 v30, v26;
	v61 =	vmctz.xlane vm11;
	v62 =	vmctz.xlane vm12  }
0xe1: {  	v40 =	vor.u32 $0x6, v22;
	v63 =	vor.u32 v21, v23;
	v41 =	vmctz.xlane vm13  }
0xe2: {  	vm14 =	vlt.s32 v61, $0x10;
	v34 =	vadd.s32 $0x10, v61;
	v26 =	vadd.s32 $0x20, v62  }
0xe3: {  	v42 =	vadd.s32 v20, v29;
	vm15 =	vlt.s32 v41, $0x10;
	v26 =	vsel vm14, v34, v26  }
0xe4: {  	v33 =	vand.u32 $0xFFFFFFF8, v60;
	v23 =	vsel vm15, v41, v26  }
0xe5: {  	v43 =	vshll.u32 v19, v33;
	vm0 =	veq.s32 v23, v0;
	vm4 =	veq.s32 v23, v3  }
0xe6: {  	[tilespmem:v63+s14+$0x0] =	vst.idx.add.s32.msk $0x1, v43;
	vm5 =	veq.s32 v23, v4;
	v44 =	vsel vm0, $0xC0400000, v30;
	v45 =	vsel vm4, $0xC0400000, v31  }
0xe7: {  	[tilespmem:v40+s15+$0x0] =	vst.idx.msk $0x1, v29;
	v46 =	vsel vm5, $0xC0400000, v32;
	v31 =	vmax.f32 v44, v45  }
0xe8: {  	v47 =	vld.idx.msk [tilespmem:v42+s4+$0x0], $0xffff;
	v31 =	vmax.f32 v31, v46  }
0xe9: {  	(xrf0) =	vmax.scan.msk.f32 $0xffff, v31;
	_ =	sdelay $0x3  }
0xea: {  	v48 =	vand.u32 $0xFF, v47  }
0xeb: {  	v31 =	vor.u32 v21, v48  }
0xec: {  	v49 =	vor.u32 $0x7, v22;
	v50, _, _ =	vpop (xrf0)  }
0xed: {  	v51 =	vadd.s32 v20, v28;
	v32 =	vshra.s32 v47, $0x5;
	v34 =	vbroadcast v50, $0xF  }
0xee: {  	v32 =	vand.u32 $0xFFFFFFF8, v32  }
0xef: {  	v32 =	vshll.u32 v19, v32;
	vm6 =	veq.f32 v45, v34;
	vm7 =	veq.f32 v46, v34  }
0xf0: {  	[tilespmem:v31+s14+$0x0] =	vst.idx.add.s32.msk $0x1, v32;
	vm8 =	veq.f32 v44, v34;
	v52 =	vmctz.xlane vm6;
	v53 =	vmctz.xlane vm7  }
0xf1: {  	[tilespmem:v49+s15+$0x0] =	vst.idx.msk $0x1, v28;
	v54 =	vmctz.xlane vm8  }
0xf2: {  	v33 =	vld.idx.msk [tilespmem:v51+s4+$0x0], $0xffff;
	vm9 =	vlt.s32 v52, $0x10;
	v31 =	vadd.s32 $0x10, v52;
	v32 =	vadd.s32 $0x20, v53  }
0xf3: {  	vm10 =	vlt.s32 v54, $0x10;
	v31 =	vsel vm9, v31, v32  }
0xf4: {  	v28 =	vsel vm10, v54, v31  }
0xf5: {  	vm11 =	veq.s32 v28, v0;
	vm1 =	veq.s32 v28, v3  }
0xf6: {  	vm12 =	veq.s32 v28, v4;
	v26 =	vsel vm11, $0xC0400000, v44;
	v30 =	vsel vm1, $0xC0400000, v45  }
0xf7: {  	v55 =	vand.u32 $0xFF, v33;
	v29 =	vsel vm12, $0xC0400000, v46;
	v56 =	vmax.f32 v26, v30  }
0xf8: {  	v31 =	vor.u32 v21, v55;
	v32 =	vmax.f32 v56, v29  }
0xf9: {  	v57 =	vadd.s32 $0x8, v22;
	(xrf0) =	vmax.scan.msk.f32 $0xffff, v32  }
0xfa: {  	v59 =	vadd.s32 v20, v27;
	v58 =	vshra.s32 v33, $0x5  }
0xfb: {  	v32 =	vand.u32 $0xFFFFFFF8, v58  }
0xfc: {  	v32 =	vshll.u32 v19, v32  }
0xfd: {  	[tilespmem:v31+s14+$0x0] =	vst.idx.add.s32.msk $0x1, v32  }
0xfe: {  	[tilespmem:v57+s15+$0x0] =	vst.idx.msk $0x1, v27  }
0xff: {  	v27 =	vld.idx.msk [tilespmem:v59+s4+$0x0], $0xffff;
	v60, _, _ =	vpop (xrf0)  }
0x100: {  	v31 =	vbroadcast v60, $0xF;
	_ =	sdelay $0x1  }
0x101: {  	vm13 =	veq.f32 v30, v31;
	vm14 =	veq.f32 v29, v31  }
0x102: {  	vm15 =	veq.f32 v26, v31;
	v61 =	vmctz.xlane vm13;
	v62 =	vmctz.xlane vm14  }
0x103: {  	v33 =	vshra.s32 v27, $0x5;
	v63 =	vmctz.xlane vm15  }
0x104: {  	vm4 =	vlt.s32 v61, $0x10;
	v32 =	vadd.s32 $0x10, v61;
	v31 =	vadd.s32 $0x20, v62  }
0x105: {  	v27 =	vand.u32 $0xFF, v27;
	vm5 =	vlt.s32 v63, $0x10;
	v31 =	vsel vm4, v32, v31  }
0x106: {  	v37 =	vadd.s32 $0x9, v22;
	v27 =	vor.u32 v21, v27;
	v31 =	vsel vm5, v63, v31  }
0x107: {  	v38 =	vadd.s32 v20, v24;
	vm6 =	veq.s32 v31, v0;
	vm1 =	veq.s32 v31, v3  }
0x108: {  	vm7 =	veq.s32 v31, v4;
	v26 =	vsel vm6, $0xC0400000, v26;
	v30 =	vsel vm1, $0xC0400000, v30  }
0x109: {  	v36 =	vand.u32 $0xFFFFFFF8, v33;
	v29 =	vsel vm7, $0xC0400000, v29;
	v39 =	vmax.f32 v26, v30  }
0x10a: {  	v32 =	vshll.u32 v19, v36;
	v40 =	vmax.f32 v39, v29  }
0x10b: {  	[tilespmem:v27+s14+$0x0] =	vst.idx.add.s32.msk $0x1, v32;
	(xrf0) =	vmax.scan.msk.f32 $0xffff, v40  }
0x10c: {  	[tilespmem:v37+s15+$0x0] =	vst.idx.msk $0x1, v24  }
0x10d: {  	v24 =	vld.idx.msk [tilespmem:v38+s4+$0x0], $0xffff;
	_ =	sdelay $0x3  }
0x10e: {  	v42, _, _ =	vpop (xrf0)  }
0x10f: {  	v43 =	vadd.s32 $0xA, v22;
	v41 =	vand.u32 $0xFF, v24;
	v32 =	vbroadcast v42, $0xF  }
0x110: {  	v44 =	vadd.s32 v20, v25;
	v24 =	vshra.s32 v24, $0x5;
	v27 =	vor.u32 v21, v41  }
0x111: {  	v24 =	vand.u32 $0xFFFFFFF8, v24;
	vm8 =	veq.f32 v30, v32;
	vm9 =	veq.f32 v29, v32  }
0x112: {  	vm10 =	veq.f32 v26, v32;
	v45 =	vmctz.xlane vm8;
	v46 =	vmctz.xlane vm9  }
0x113: {  	v24 =	vshll.u32 v19, v24;
	v47 =	vmctz.xlane vm10  }
0x114: {  	vm11 =	vlt.s32 v45, $0x10;
	v48 =	vadd.s32 $0x10, v45;
	v49 =	vadd.s32 $0x20, v46  }
0x115: {  	[tilespmem:v27+s14+$0x0] =	vst.idx.add.s32.msk $0x1, v24;
	vm12 =	vlt.s32 v47, $0x10;
	v24 =	vsel vm11, v48, v49  }
0x116: {  	[tilespmem:v43+s15+$0x0] =	vst.idx.msk $0x1, v25;
	v24 =	vsel vm12, v47, v24  }
0x117: {  	v25 =	vld.idx.msk [tilespmem:v44+s4+$0x0], $0xffff;
	vm13 =	veq.s32 v24, v0;
	vm1 =	veq.s32 v24, v3  }
0x118: {  	vm14 =	veq.s32 v24, v4;
	v26 =	vsel vm13, $0xC0400000, v26;
	v50 =	vsel vm1, $0xC0400000, v30  }
0x119: {  	v29 =	vsel vm14, $0xC0400000, v29;
	v30 =	vmax.f32 v26, v50  }
0x11a: {  	v30 =	vmax.f32 v30, v29  }
0x11b: {  	(xrf0) =	vmax.scan.msk.f32 $0xffff, v30  }
0x11c: {  	v51 =	vand.u32 $0xFF, v25  }
0x11d: {  	v52 =	vor.u32 v21, v51  }
0x11e: {  	v53 =	vadd.s32 $0xB, v22  }
0x11f: {  	v54 =	vadd.s32 v20, v23;
	v25 =	vshra.s32 v25, $0x5  }
0x120: {  	v25 =	vand.u32 $0xFFFFFFF8, v25  }
0x121: {  	v25 =	vshll.u32 v19, v25;
	v55, _, _ =	vpop (xrf0)  }
0x122: {  	[tilespmem:v52+s14+$0x0] =	vst.idx.add.s32.msk $0x1, v25;
	v56 =	vbroadcast v55, $0xF  }
0x123: {  	[tilespmem:v53+s15+$0x0] =	vst.idx.msk $0x1, v23  }
0x124: {  	v57 =	vld.idx.msk [tilespmem:v54+s4+$0x0], $0xffff;
	vm15 =	veq.f32 v50, v56;
	vm4 =	veq.f32 v29, v56  }
0x125: {  	vm5 =	veq.f32 v26, v56;
	v58 =	vmctz.xlane vm15;
	v59 =	vmctz.xlane vm4  }
0x126: {  	v60 =	vmctz.xlane vm5  }
0x127: {  	vm6 =	vlt.s32 v58, $0x10;
	v30 =	vadd.s32 $0x10, v58;
	v23 =	vadd.s32 $0x20, v59  }
0x128: {  	v62 =	vadd.s32 $0xC, v22;
	vm7 =	vlt.s32 v60, $0x10;
	v23 =	vsel vm6, v30, v23  }
0x129: {  	v63 =	vadd.s32 v20, v28;
	v33 =	vand.u32 $0xFF, v57;
	v23 =	vsel vm7, v60, v23  }
0x12a: {  	v61 =	vor.u32 v21, v33;
	vm8 =	veq.s32 v23, v0;
	vm1 =	veq.s32 v23, v3  }
0x12b: {  	vm9 =	veq.s32 v23, v4;
	v26 =	vsel vm8, $0xC0400000, v26;
	v27 =	vsel vm1, $0xC0400000, v50  }
0x12c: {  	v25 =	vshra.s32 v57, $0x5;
	v29 =	vsel vm9, $0xC0400000, v29;
	v36 =	vmax.f32 v26, v27  }
0x12d: {  	v25 =	vand.u32 $0xFFFFFFF8, v25;
	v34 =	vmax.f32 v36, v29  }
0x12e: {  	v25 =	vshll.u32 v19, v25;
	(xrf0) =	vmax.scan.msk.f32 $0xffff, v34  }
0x12f: {  	[tilespmem:v61+s14+$0x0] =	vst.idx.add.s32.msk $0x1, v25  }
0x130: {  	[tilespmem:v62+s15+$0x0] =	vst.idx.msk $0x1, v28  }
0x131: {  	v25 =	vld.idx.msk [tilespmem:v63+s4+$0x0], $0xffff;
	_ =	sdelay $0x2  }
0x132: {  	v37, _, _ =	vpop (xrf0)  }
0x133: {  	v28 =	vbroadcast v37, $0xF  }
0x134: {  	v38 =	vshra.s32 v25, $0x5  }
0x135: {  	v25 =	vand.u32 $0xFF, v25;
	vm10 =	veq.f32 v27, v28;
	vm11 =	veq.f32 v29, v28  }
0x136: {  	vm12 =	veq.f32 v26, v28;
	v39 =	vmctz.xlane vm10;
	v40 =	vmctz.xlane vm11  }
0x137: {  	v41 =	vadd.s32 $0xD, v22;
	v25 =	vor.u32 v21, v25;
	v42 =	vmctz.xlane vm12  }
0x138: {  	vm13 =	vlt.s32 v39, $0x10;
	v32 =	vadd.s32 $0x10, v39;
	v28 =	vadd.s32 $0x20, v40  }
0x139: {  	v43 =	vadd.s32 v20, v31;
	vm14 =	vlt.s32 v42, $0x10;
	v28 =	vsel vm13, v32, v28  }
0x13a: {  	v30 =	vand.u32 $0xFFFFFFF8, v38;
	v28 =	vsel vm14, v42, v28  }
0x13b: {  	v30 =	vshll.u32 v19, v30;
	vm0 =	veq.s32 v28, v0;
	vm15 =	veq.s32 v28, v3  }
0x13c: {  	[tilespmem:v25+s14+$0x0] =	vst.idx.add.s32.msk $0x1, v30;
	vm4 =	veq.s32 v28, v4;
	v44 =	vsel vm0, $0xC0400000, v26;
	v45 =	vsel vm15, $0xC0400000, v27  }
0x13d: {  	[tilespmem:v41+s15+$0x0] =	vst.idx.msk $0x1, v31;
	v46 =	vsel vm4, $0xC0400000, v29;
	v47 =	vmax.f32 v44, v45  }
0x13e: {  	v30 =	vld.idx.msk [tilespmem:v43+s4+$0x0], $0xffff;
	v29 =	vmax.f32 v47, v46  }
0x13f: {  	(xrf0) =	vmax.scan.msk.f32 $0xffff, v29;
	_ =	sdelay $0x3  }
0x140: {  	v48 =	vand.u32 $0xFF, v30  }
0x141: {  	v29 =	vor.u32 v21, v48  }
0x142: {  	v49 =	vadd.s32 $0xE, v22;
	v50, _, _ =	vpop (xrf0)  }
0x143: {  	v51 =	vadd.s32 v20, v24;
	v30 =	vshra.s32 v30, $0x5;
	v32 =	vbroadcast v50, $0xF  }
0x144: {  	v30 =	vand.u32 $0xFFFFFFF8, v30  }
0x145: {  	v30 =	vshll.u32 v19, v30;
	vm5 =	veq.f32 v45, v32;
	vm6 =	veq.f32 v46, v32  }
0x146: {  	[tilespmem:v29+s14+$0x0] =	vst.idx.add.s32.msk $0x1, v30;
	vm7 =	veq.f32 v44, v32;
	v52 =	vmctz.xlane vm5;
	v53 =	vmctz.xlane vm6  }
0x147: {  	[tilespmem:v49+s15+$0x0] =	vst.idx.msk $0x1, v24;
	v54 =	vmctz.xlane vm7  }
0x148: {  	v31 =	vld.idx.msk [tilespmem:v51+s4+$0x0], $0xffff;
	vm8 =	vlt.s32 v52, $0x10;
	v29 =	vadd.s32 $0x10, v52;
	v30 =	vadd.s32 $0x20, v53  }
0x149: {  	vm9 =	vlt.s32 v54, $0x10;
	v29 =	vsel vm8, v29, v30  }
0x14a: {  	v24 =	vsel vm9, v54, v29  }
0x14b: {  	vm10 =	veq.s32 v24, v0;
	vm1 =	veq.s32 v24, v3  }
0x14c: {  	vm11 =	veq.s32 v24, v4;
	v25 =	vsel vm10, $0xC0400000, v44;
	v26 =	vsel vm1, $0xC0400000, v45  }
0x14d: {  	v55 =	vand.u32 $0xFF, v31;
	v27 =	vsel vm11, $0xC0400000, v46;
	v56 =	vmax.f32 v25, v26  }
0x14e: {  	v29 =	vor.u32 v21, v55;
	v30 =	vmax.f32 v56, v27  }
0x14f: {  	v57 =	vadd.s32 $0xF, v22;
	(xrf0) =	vmax.scan.msk.f32 $0xffff, v30  }
0x150: {  	v59 =	vadd.s32 v20, v23;
	v58 =	vshra.s32 v31, $0x5  }
0x151: {  	v30 =	vand.u32 $0xFFFFFFF8, v58  }
0x152: {  	v30 =	vshll.u32 v19, v30  }
0x153: {  	[tilespmem:v29+s14+$0x0] =	vst.idx.add.s32.msk $0x1, v30  }
0x154: {  	[tilespmem:v57+s15+$0x0] =	vst.idx.msk $0x1, v23  }
0x155: {  	v23 =	vld.idx.msk [tilespmem:v59+s4+$0x0], $0xffff;
	v60, _, _ =	vpop (xrf0)  }
0x156: {  	v29 =	vbroadcast v60, $0xF;
	_ =	sdelay $0x1  }
0x157: {  	vm12 =	veq.f32 v26, v29;
	vm13 =	veq.f32 v27, v29  }
0x158: {  	vm14 =	veq.f32 v25, v29;
	v61 =	vmctz.xlane vm12;
	v62 =	vmctz.xlane vm13  }
0x159: {  	v31 =	vshra.s32 v23, $0x5;
	v63 =	vmctz.xlane vm14  }
0x15a: {  	vm15 =	vlt.s32 v61, $0x10;
	v30 =	vadd.s32 $0x10, v61;
	v29 =	vadd.s32 $0x20, v62  }
0x15b: {  	v23 =	vand.u32 $0xFF, v23;
	vm4 =	vlt.s32 v63, $0x10;
	v29 =	vsel vm15, v30, v29  }
0x15c: {  	v37 =	vadd.s32 $0x10, v22;
	v23 =	vor.u32 v21, v23;
	v29 =	vsel vm4, v63, v29  }
0x15d: {  	v38 =	vadd.s32 v20, v28;
	vm5 =	veq.s32 v29, v0;
	vm1 =	veq.s32 v29, v3  }
0x15e: {  	vm6 =	veq.s32 v29, v4;
	v25 =	vsel vm5, $0xC0400000, v25;
	v26 =	vsel vm1, $0xC0400000, v26  }
0x15f: {  	v36 =	vand.u32 $0xFFFFFFF8, v31;
	v27 =	vsel vm6, $0xC0400000, v27;
	v39 =	vmax.f32 v25, v26  }
0x160: {  	v30 =	vshll.u32 v19, v36;
	v40 =	vmax.f32 v39, v27  }
0x161: {  	[tilespmem:v23+s14+$0x0] =	vst.idx.add.s32.msk $0x1, v30;
	(xrf0) =	vmax.scan.msk.f32 $0xffff, v40  }
0x162: {  	[tilespmem:v37+s15+$0x0] =	vst.idx.msk $0x1, v28  }
0x163: {  	v41 =	vld.idx.msk [tilespmem:v38+s4+$0x0], $0xffff;
	_ =	sdelay $0x3  }
0x164: {  	v43, _, _ =	vpop (xrf0)  }
0x165: {  	v44 =	vadd.s32 $0x11, v22;
	v42 =	vand.u32 $0xFF, v41;
	v30 =	vbroadcast v43, $0xF  }
0x166: {  	v45 =	vadd.s32 v20, v24;
	v23 =	vshra.s32 v41, $0x5;
	v28 =	vor.u32 v21, v42  }
0x167: {  	v23 =	vand.u32 $0xFFFFFFF8, v23;
	vm7 =	veq.f32 v26, v30;
	vm8 =	veq.f32 v27, v30  }
0x168: {  	vm9 =	veq.f32 v25, v30;
	v46 =	vmctz.xlane vm7;
	v47 =	vmctz.xlane vm8  }
0x169: {  	v23 =	vshll.u32 v19, v23;
	v48 =	vmctz.xlane vm9  }
0x16a: {  	vm10 =	vlt.s32 v46, $0x10;
	v49 =	vadd.s32 $0x10, v46;
	v50 =	vadd.s32 $0x20, v47  }
0x16b: {  	[tilespmem:v28+s14+$0x0] =	vst.idx.add.s32.msk $0x1, v23;
	vm11 =	vlt.s32 v48, $0x10;
	v23 =	vsel vm10, v49, v50  }
0x16c: {  	[tilespmem:v44+s15+$0x0] =	vst.idx.msk $0x1, v24;
	v23 =	vsel vm11, v48, v23  }
0x16d: {  	v24 =	vld.idx.msk [tilespmem:v45+s4+$0x0], $0xffff;
	vm12 =	veq.s32 v23, v0;
	vm1 =	veq.s32 v23, v3  }
0x16e: {  	vm13 =	veq.s32 v23, v4;
	v25 =	vsel vm12, $0xC0400000, v25;
	v26 =	vsel vm1, $0xC0400000, v26  }
0x16f: {  	v27 =	vsel vm13, $0xC0400000, v27;
	v51 =	vmax.f32 v25, v26  }
0x170: {  	v28 =	vmax.f32 v51, v27  }
0x171: {  	(xrf0) =	vmax.scan.msk.f32 $0xffff, v28  }
0x172: {  	v52 =	vand.u32 $0xFF, v24  }
0x173: {  	v53 =	vor.u32 v21, v52  }
0x174: {  	v54 =	vadd.s32 $0x12, v22  }
0x175: {  	v55 =	vadd.s32 v20, v29;
	v24 =	vshra.s32 v24, $0x5  }
0x176: {  	v24 =	vand.u32 $0xFFFFFFF8, v24  }
0x177: {  	v24 =	vshll.u32 v19, v24;
	v56, _, _ =	vpop (xrf0)  }
0x178: {  	[tilespmem:v53+s14+$0x0] =	vst.idx.add.s32.msk $0x1, v24;
	v24 =	vbroadcast v56, $0xF  }
0x179: {  	[tilespmem:v54+s15+$0x0] =	vst.idx.msk $0x1, v29  }
0x17a: {  	v28 =	vld.idx.msk [tilespmem:v55+s4+$0x0], $0xffff;
	vm14 =	veq.f32 v26, v24;
	vm15 =	veq.f32 v27, v24  }
0x17b: {  	vm4 =	veq.f32 v25, v24;
	v57 =	vmctz.xlane vm14;
	v58 =	vmctz.xlane vm15  }
0x17c: {  	v59 =	vmctz.xlane vm4  }
0x17d: {  	vm5 =	vlt.s32 v57, $0x10;
	v29 =	vadd.s32 $0x10, v57;
	v24 =	vadd.s32 $0x20, v58  }
0x17e: {  	v61 =	vadd.s32 $0x13, v22;
	vm6 =	vlt.s32 v59, $0x10;
	v24 =	vsel vm5, v29, v24  }
0x17f: {  	v62 =	vadd.s32 v20, v23;
	v31 =	vand.u32 $0xFF, v28;
	v24 =	vsel vm6, v59, v24  }
0x180: {  	v60 =	vor.u32 v21, v31;
	vm7 =	veq.s32 v24, v0;
	vm1 =	veq.s32 v24, v3  }
0x181: {  	vm8 =	veq.s32 v24, v4;
	v25 =	vsel vm7, $0xC0400000, v25;
	v26 =	vsel vm1, $0xC0400000, v26  }
0x182: {  	v28 =	vshra.s32 v28, $0x5;
	v27 =	vsel vm8, $0xC0400000, v27;
	v63 =	vmax.f32 v25, v26  }
0x183: {  	v28 =	vand.u32 $0xFFFFFFF8, v28;
	v32 =	vmax.f32 v63, v27  }
0x184: {  	v28 =	vshll.u32 v19, v28;
	(xrf0) =	vmax.scan.msk.f32 $0xffff, v32  }
0x185: {  	[tilespmem:v60+s14+$0x0] =	vst.idx.add.s32.msk $0x1, v28  }
0x186: {  	[tilespmem:v61+s15+$0x0] =	vst.idx.msk $0x1, v23  }
0x187: {  	v23 =	vld.idx.msk [tilespmem:v62+s4+$0x0], $0xffff;
	_ =	sdelay $0x2  }
0x188: {  	v35, _, _ =	vpop (xrf0)  }
0x189: {  	v28 =	vbroadcast v35, $0xF  }
0x18a: {  	v36 =	vshra.s32 v23, $0x5  }
0x18b: {  	v23 =	vand.u32 $0xFF, v23;
	vm9 =	veq.f32 v26, v28;
	vm10 =	veq.f32 v27, v28  }
0x18c: {  	vm11 =	veq.f32 v25, v28;
	v37 =	vmctz.xlane vm9;
	v38 =	vmctz.xlane vm10  }
0x18d: {  	v39 =	vadd.s32 $0x14, v22;
	v23 =	vor.u32 v21, v23;
	v40 =	vmctz.xlane vm11  }
0x18e: {  	vm12 =	vlt.s32 v37, $0x10;
	v30 =	vadd.s32 $0x10, v37;
	v28 =	vadd.s32 $0x20, v38  }
0x18f: {  	v41 =	vadd.s32 v20, v24;
	vm13 =	vlt.s32 v40, $0x10;
	v28 =	vsel vm12, v30, v28  }
0x190: {  	v29 =	vand.u32 $0xFFFFFFF8, v36;
	v28 =	vsel vm13, v40, v28  }
0x191: {  	v29 =	vshll.u32 v19, v29;
	vm0 =	veq.s32 v28, v0;
	vm14 =	veq.s32 v28, v3  }
0x192: {  	[tilespmem:v23+s14+$0x0] =	vst.idx.add.s32.msk $0x1, v29;
	vm15 =	veq.s32 v28, v4;
	v42 =	vsel vm0, $0xC0400000, v25;
	v43 =	vsel vm14, $0xC0400000, v26  }
0x193: {  	[tilespmem:v39+s15+$0x0] =	vst.idx.msk $0x1, v24;
	v44 =	vsel vm15, $0xC0400000, v27;
	v26 =	vmax.f32 v42, v43  }
0x194: {  	v45 =	vld.idx.msk [tilespmem:v41+s4+$0x0], $0xffff;
	v26 =	vmax.f32 v26, v44  }
0x195: {  	(xrf0) =	vmax.scan.msk.f32 $0xffff, v26;
	_ =	sdelay $0x3  }
0x196: {  	v46 =	vand.u32 $0xFF, v45  }
0x197: {  	v26 =	vor.u32 v21, v46  }
0x198: {  	v47 =	vadd.s32 $0x15, v22;
	v48, _, _ =	vpop (xrf0)  }
0x199: {  	v49 =	vadd.s32 v20, v28;
	v27 =	vshra.s32 v45, $0x5;
	v30 =	vbroadcast v48, $0xF  }
0x19a: {  	v27 =	vand.u32 $0xFFFFFFF8, v27  }
0x19b: {  	v27 =	vshll.u32 v19, v27;
	vm4 =	veq.f32 v43, v30;
	vm5 =	veq.f32 v44, v30  }
0x19c: {  	[tilespmem:v26+s14+$0x0] =	vst.idx.add.s32.msk $0x1, v27;
	vm6 =	veq.f32 v42, v30;
	v50 =	vmctz.xlane vm4;
	v51 =	vmctz.xlane vm5  }
0x19d: {  	[tilespmem:v47+s15+$0x0] =	vst.idx.msk $0x1, v28;
	v52 =	vmctz.xlane vm6  }
0x19e: {  	v29 =	vld.idx.msk [tilespmem:v49+s4+$0x0], $0xffff;
	vm7 =	vlt.s32 v50, $0x10;
	v26 =	vadd.s32 $0x10, v50;
	v27 =	vadd.s32 $0x20, v51  }
0x19f: {  	vm8 =	vlt.s32 v52, $0x10;
	v26 =	vsel vm7, v26, v27  }
0x1a0: {  	v26 =	vsel vm8, v52, v26  }
0x1a1: {  	vm0 =	veq.s32 v26, v0;
	vm9 =	veq.s32 v26, v3  }
0x1a2: {  	vm10 =	veq.s32 v26, v4;
	v23 =	vsel vm0, $0xC0400000, v42;
	v25 =	vsel vm9, $0xC0400000, v43  }
0x1a3: {  	v53 =	vand.u32 $0xFF, v29;
	v24 =	vsel vm10, $0xC0400000, v44;
	v54 =	vmax.f32 v23, v25  }
0x1a4: {  	v27 =	vor.u32 v21, v53;
	v28 =	vmax.f32 v54, v24  }
0x1a5: {  	v55 =	vadd.s32 $0x16, v22;
	(xrf0) =	vmax.scan.msk.f32 $0xffff, v28  }
0x1a6: {  	v56 =	vshra.s32 v29, $0x5;
	v57 =	vadd.s32 v20, v26  }
0x1a7: {  	v28 =	vand.u32 $0xFFFFFFF8, v56  }
0x1a8: {  	v28 =	vshll.u32 v19, v28  }
0x1a9: {  	[tilespmem:v27+s14+$0x0] =	vst.idx.add.s32.msk $0x1, v28  }
0x1aa: {  	[tilespmem:v55+s15+$0x0] =	vst.idx.msk $0x1, v26  }
0x1ab: {  	v26 =	vld.idx.msk [tilespmem:v57+s4+$0x0], $0xffff;
	v58, _, _ =	vpop (xrf0)  }
0x1ac: {  	v27 =	vbroadcast v58, $0xF;
	_ =	sdelay $0x1  }
0x1ad: {  	vm11 =	veq.f32 v25, v27;
	vm12 =	veq.f32 v24, v27  }
0x1ae: {  	vm13 =	veq.f32 v23, v27;
	v59 =	vmctz.xlane vm11;
	v60 =	vmctz.xlane vm12  }
0x1af: {  	v61 =	vand.u32 $0xFF, v26;
	v27 =	vmctz.xlane vm13  }
0x1b0: {  	vm14 =	vlt.s32 v59, $0x10;
	v24 =	vadd.s32 $0x10, v59;
	v23 =	vadd.s32 $0x20, v60  }
0x1b1: {  	v25 =	vor.u32 v21, v61;
	vm15 =	vlt.s32 v27, $0x10;
	v23 =	vsel vm14, v24, v23  }
0x1b2: {  	v22 =	vadd.s32 $0x17, v22;
	v23 =	vsel vm15, v27, v23  }
0x1b3: {  	v62 =	vshra.s32 v26, $0x5;
	v20 =	vadd.s32 v20, v23  }
0x1b4: {  	v24 =	vand.u32 $0xFFFFFFF8, v62  }
0x1b5: {  	v24 =	vshll.u32 v19, v24  }
0x1b6: {  	[tilespmem:v25+s14+$0x0] =	vst.idx.add.s32.msk $0x1, v24  }
0x1b7: {  	[tilespmem:v22+s15+$0x0] =	vst.idx.msk $0x1, v23  }
0x1b8: {  	v20 =	vld.idx.msk [tilespmem:v20+s4+$0x0], $0xffff;
	_ =	sdelay $0x4  }
0x1b9: {  	v63 =	vand.u32 $0xFF, v20  }
0x1ba: {  	p0 =	sne.s32 s19, $0xF;
	v21 =	vor.u32 v21, v63  }
.Ltmp0:
0x1bb: {  	_ = 	snop;
	(pc) =	sbr.rel @p0 .LBB2_3-.Ltmp0, $4  }
0x1bc: {  	v20 =	vshra.s32 v20, $0x5  }
0x1bd: {  	v20 =	vand.u32 $0xFFFFFFF8, v20  }
0x1be: {  	v20 =	vshll.u32 v19, v20  }
0x1bf: {  	s19 =	sadd.s32 $0x1, s19;
	[tilespmem:v21+s14+$0x0] =	vst.idx.add.s32.msk $0x1, v20  }
0x1c0: {  	s19 =	smul.u32 $0x3, s18;
	_ =	sdelay $0x1  }
0x1c1: {  	s19 =	sadd.s32 s2, s19  }
0x1c2: {  	[hbm4b:s19+s4] =	stream.linear.scatter [tilespmem:s15], [sflag:$0x2], $0x180, $0x38;
	[tilespmem:$0x5490] =	vst v63  }
0x1c3: {  	s17 =	sadd.s32 $0x1, s17;
	_ =	swait.ge [sflag:s10], $0x180  }
0x1c4: {  	s31 =	sshll.u32 s18, $0x5;
	p0 =	sne.s32 s17, $0x8;
	[sflag:s10] =	ssyncset.done $0x0  }
.Ltmp1:
0x1c5: {  	s18 =	sadd.s32 s3, s31;
	[sflag:s10] =	ssyncadd.s32 $0xFFFFFE80;
	(pc) =	sbr.rel @p0 .LBB2_2-.Ltmp1, $4  }
0x1c6: {  	[hbm4b:s18+s4] =	stream.linear.scatter [tilespmem:s14], [sflag:$0x2], $0x1000, $0x38;
	[tilespmem:$0x5490] =	vst v63  }
0x1c7: {  	_ =	swait.ge [sflag:s10], $0x1000  }
0x1c8: {  	[sflag:s10] =	ssyncset.done $0x0  }
0x1c9: {  	[sflag:s10] =	ssyncadd.s32 $0xFFFFF000  }
0x1ca: {  	s16 =	sadd.s32 $0x1, s16  }
0x1cb: {  	p0 =	sne.s32 s16, s9  }
.Ltmp2:
0x1cc: {  	_ = 	snop;
	(pc) =	sbr.rel @p0 .LBB2_1-.Ltmp2, $1  }
0x1cd: {  	_ =	sdelay $0x3  }
0x1ce: {  	_ =	sfence.sel $0x180000  }
0x1cf: {  	[bflag:$0x0] =	sbarrier.arrive $0xFFFF  }
0x1d0: {  	p0 =	sne.s32 s1, $0x0;
	_ =	strace $0x90000047  }
0x1d1: {  	s0 =	sadd.s32 @!p0 $0x100000, s0;
	[bflag:$0x2] =	sbarrier.arrive $0xFFFF  }
0x1d2: {  	[sflag:s0] =	ssyncadd.tile.s32 @!p0 $0x1;
	_ =	shalt  }
.Lfunc_end2:
_tile_overlayer_lowered:
.L_overlay_start_2:
0x1d3: {  	(tag) =	ssettag $0x2  }
0x1d4: {  	s0 =	rddreg [dreg:$0x0];
	s2 =	stileid.u32  }
0x1d5: {  	s1 =	rddreg [dreg:$0x1];
	p0 =	sne.s32 s2, $0x0  }
0x1d6: {  	s3 =	rddreg [dreg:$0x2];
	[bflag:$0x3] =	sbarrier.arrive $0xFFFF;
	s2 =	simm.s32 @!p0 $0x1C02  }
0x1d7: {  	[timem:s3], [sflag:s2] =	dma.local @!p0 [hbm:s0], s1  }
0x1d8: {  	s0 =	simm.s32 @!p0 $0x2  }
0x1d9: {  	_ =	swait.ge @!p0 [sflag:s0], s1  }
0x1da: {  	s1 =	ssub.s32 @!p0 $0x0, s1;
	[sflag:s0] =	ssyncset.done @!p0 $0x0  }
0x1db: {  	[sflag:s0] =	ssyncadd.s32 @!p0 s1  }
0x1dc: {  	[bflag:$0x3] =	sbarrier.arrive $0xFFFF  }
0x1dd: {  	_ =	shalt  }

</sc_bundles>
